<compile_context>
chip_gen: v7x
topology: tpu7x:2x2x1
jax: 0.10.2.dev20260603
libtpu: 0.0.44.dev20260713+nightly
codegen_flags: <defaults>
</compile_context>

<pallas_src>
import jax
import jax.numpy as jnp
from jax import lax
from jax.experimental import pallas as pl
from jax.experimental.pallas import tpu as pltpu
from jax.experimental.pallas import tpu_sc as plsc

N = 10000
E = 320000
D = 128
DH = D // 2
K = 5
ALPHA = 0.8

NC = 2
NS = 16
ES = E // NS
CH = 125
NCH = ES // CH
NPAD = 10240
RPS = NPAD // NS
DCH = 128
NDCH = RPS // DCH
NBUF = 5

DEG_CH = 80
DEG_NCH = N // DEG_CH
EW = E // (NC * NS)

BF = jnp.bfloat16



def _deg_body(dst_hbm, zdeg_hbm, ridx_hbm, deg_out_hbm,
              dst_v, deg_l, ridx_v, deg_sp):
    c = lax.axis_index("c")
    s = lax.axis_index("s")
    w = s * NC + c

    pltpu.sync_copy(zdeg_hbm, deg_l)

    @pl.when(s == 0)
    def _():
        pltpu.sync_copy(deg_l, deg_sp)

    plsc.subcore_barrier()

    pltpu.sync_copy(dst_hbm.at[w], dst_v)
    pltpu.sync_copy(ridx_hbm, ridx_v)
    ones = jnp.ones((16,), jnp.float32)

    @pl.loop(0, EW // 16)
    def _(i):
        d = dst_v[pl.ds(i * 16, 16)]
        plsc.addupdate_scatter(deg_l, [d], ones)

    @pl.loop(0, DEG_NCH)
    def _(j):
        pltpu.sync_copy(deg_l.at[pl.ds(j * DEG_CH, DEG_CH)],
                        deg_sp.at[ridx_v.at[j]], add=True)

    plsc.subcore_barrier()

    @pl.when(s == 0)
    def _():
        pltpu.sync_copy(deg_sp, deg_l)
        pltpu.sync_copy(deg_l, deg_out_hbm.at[c])


def _mono_body(xsd0_hbm, xsd1_hbm, af_hbm, src_hbm, dst_hbm, zero_hbm,
               oout0_hbm, oout1_hbm, osb0_hbm, osb1_hbm,
               src_v, dst_v, rows0, rows1, rows2, rows3, rows4,
               os_res, xch_v, aggch_v, af_v, agg_sp,
               sg0, sg1, sg2, sg3, sg4):
    rows = (rows0, rows1, rows2, rows3, rows4)
    sg = (sg0, sg1, sg2, sg3, sg4)
    c = lax.axis_index("c")
    s = lax.axis_index("s")
    base = s * RPS

    pltpu.sync_copy(src_hbm.at[s], src_v)
    pltpu.sync_copy(dst_hbm.at[s], dst_v)
    pltpu.sync_copy(af_hbm.at[pl.ds(base, RPS)], af_v)

    def half(xsd_hbm, osb_hbm, oout_hbm):
        @pl.loop(0, NDCH)
        def _(t):
            pltpu.sync_copy(xsd_hbm.at[pl.ds(base + t * DCH, DCH)], xch_v)

            @pl.loop(0, DCH)
            def _(r):
                rr = t * DCH + r
                for g in range(2):
                    sl = pl.ds(32 * g, 32)
                    os_res[rr, sl] = xch_v[r, sl] * jnp.asarray(1.25, BF)

        pltpu.sync_copy(os_res, osb_hbm.at[pl.ds(base, RPS)])

        @pl.loop(0, K)
        def _(k):
            pltpu.sync_copy(zero_hbm, aggch_v)

            @pl.loop(0, NDCH)
            def _(t):
                pltpu.sync_copy(aggch_v, agg_sp.at[pl.ds(base + t * DCH, DCH)])

            plsc.subcore_barrier()

            for b in range(NBUF):
                pltpu.async_copy(osb_hbm.at[src_v.at[b]], rows[b], sg[b])

            @pl.loop(0, NCH // NBUF)
            def _(t):
                for b in range(NBUF):
                    j = t * NBUF + b
                    pltpu.make_async_copy(osb_hbm.at[src_v.at[j]],
                                          rows[b], sg[b]).wait()
                    pltpu.sync_copy(rows[b], agg_sp.at[dst_v.at[j]], add=True)

                    @pl.when(j < NCH - NBUF)
                    def _():
                        pltpu.async_copy(osb_hbm.at[src_v.at[j + NBUF]],
                                         rows[b], sg[b])

            plsc.subcore_barrier()

            @pl.loop(0, NDCH)
            def _(t):
                row0 = base + t * DCH
                pltpu.sync_copy(agg_sp.at[pl.ds(row0, DCH)], aggch_v)
                pltpu.sync_copy(xsd_hbm.at[pl.ds(row0, DCH)], xch_v)

                @pl.loop(0, DCH)
                def _(r):
                    rr = t * DCH + r
                    for g in range(2):
                        sl = pl.ds(32 * g, 32)
                        os_res[rr, sl] = (af_v[rr, sl]
                                          * (aggch_v[r, sl] + os_res[rr, sl])
                                          + xch_v[r, sl])

            pltpu.sync_copy(os_res, osb_hbm.at[pl.ds(base, RPS)])

        pltpu.sync_copy(os_res, oout_hbm.at[pl.ds(base, RPS)])

    @pl.when(c == 0)
    def _():
        half(xsd0_hbm, osb0_hbm, oout0_hbm)

    @pl.when(c == 1)
    def _():
        half(xsd1_hbm, osb1_hbm, oout1_hbm)


def _sc_mesh():
    return plsc.VectorSubcoreMesh(core_axis_name="c", subcore_axis_name="s",
                                  num_cores=NC, num_subcores=NS)



_RB = 2000


def _prep_body(degp_ref, x_ref, af_ref, sqd_ref, xsd0_ref, xsd1_ref):
    p = degp_ref[...]
    deg = p[:, 0:1] + p[:, 1:2] + 1.0
    dinv = lax.rsqrt(deg)
    af_ref[...] = jnp.broadcast_to((1.0 - ALPHA) / deg, af_ref.shape).astype(BF)
    sqd_ref[...] = deg * dinv
    xsd = (ALPHA * dinv * x_ref[...]).astype(BF)
    xsd0_ref[...] = xsd[:, :DH]
    xsd1_ref[...] = xsd[:, DH:]


def _post_body(o0_ref, o1_ref, sqd_ref, out_ref):
    os_full = jnp.concatenate([o0_ref[...], o1_ref[...]],
                              axis=1).astype(jnp.float32)
    out_ref[...] = os_full * sqd_ref[...]



def kernel(x, edge_index):
    src = edge_index[0]
    dst = edge_index[1]
    src2 = src.reshape(NS, NCH, CH)
    dst2 = dst.reshape(NS, NCH, CH)
    dstf = dst.reshape(NC * NS, EW)
    zdeg = jnp.zeros((N,), jnp.float32)
    ridx = jnp.arange(N, dtype=jnp.int32).reshape(DEG_NCH, DEG_CH)
    zrows = jnp.zeros((DCH, DH), BF)

    deg_call = pl.kernel(
        _deg_body,
        out_type=jax.ShapeDtypeStruct((NC, N), jnp.float32),
        mesh=_sc_mesh(),
        scratch_types=[
            pltpu.VMEM((EW,), jnp.int32),
            pltpu.VMEM((N,), jnp.float32),
            pltpu.VMEM((DEG_NCH, DEG_CH), jnp.int32),
            pltpu.VMEM_SHARED((N,), jnp.float32),
        ],
        compiler_params=pltpu.CompilerParams(needs_layout_passes=False),
    )
    deg_parts = deg_call(dstf, zdeg, ridx)
    degp = jnp.transpose(deg_parts)

    prep_call = pl.pallas_call(
        _prep_body,
        grid=(N // _RB,),
        in_specs=[
            pl.BlockSpec((_RB, 2), lambda i: (i, 0)),
            pl.BlockSpec((_RB, D), lambda i: (i, 0)),
        ],
        out_specs=[
            pl.BlockSpec((_RB, DH), lambda i: (i, 0)),
            pl.BlockSpec((_RB, 1), lambda i: (i, 0)),
            pl.BlockSpec((_RB, DH), lambda i: (i, 0)),
            pl.BlockSpec((_RB, DH), lambda i: (i, 0)),
        ],
        out_shape=[
            jax.ShapeDtypeStruct((NPAD, DH), BF),
            jax.ShapeDtypeStruct((N, 1), jnp.float32),
            jax.ShapeDtypeStruct((NPAD, DH), BF),
            jax.ShapeDtypeStruct((NPAD, DH), BF),
        ],
    )
    afp, sqd, xsd0p, xsd1p = prep_call(degp, x)

    mono_call = pl.kernel(
        _mono_body,
        out_type=[
            jax.ShapeDtypeStruct((NPAD, DH), BF),
            jax.ShapeDtypeStruct((NPAD, DH), BF),
            jax.ShapeDtypeStruct((NPAD, DH), BF),
            jax.ShapeDtypeStruct((NPAD, DH), BF),
        ],
        mesh=_sc_mesh(),
        scratch_types=[
            pltpu.VMEM((NCH, CH), jnp.int32),
            pltpu.VMEM((NCH, CH), jnp.int32),
            pltpu.VMEM((CH, DH), BF),
            pltpu.VMEM((CH, DH), BF),
            pltpu.VMEM((CH, DH), BF),
            pltpu.VMEM((CH, DH), BF),
            pltpu.VMEM((CH, DH), BF),
            pltpu.VMEM((RPS, DH), BF),
            pltpu.VMEM((DCH, DH), BF),
            pltpu.VMEM((DCH, DH), BF),
            pltpu.VMEM((RPS, DH), BF),
            pltpu.VMEM_SHARED((NPAD, DH), BF),
            pltpu.SemaphoreType.DMA,
            pltpu.SemaphoreType.DMA,
            pltpu.SemaphoreType.DMA,
            pltpu.SemaphoreType.DMA,
            pltpu.SemaphoreType.DMA,
        ],
        compiler_params=pltpu.CompilerParams(needs_layout_passes=False,
                                             use_tc_tiling_on_sc=False),
    )
    oout0, oout1, _, _ = mono_call(xsd0p, xsd1p, afp, src2, dst2, zrows)

    post_call = pl.pallas_call(
        _post_body,
        grid=(N // _RB,),
        in_specs=[
            pl.BlockSpec((_RB, DH), lambda i: (i, 0)),
            pl.BlockSpec((_RB, DH), lambda i: (i, 0)),
            pl.BlockSpec((_RB, 1), lambda i: (i, 0)),
        ],
        out_specs=pl.BlockSpec((_RB, D), lambda i: (i, 0)),
        out_shape=jax.ShapeDtypeStruct((N, D), jnp.float32),
    )
    return post_call(oout0, oout1, sqd)

# --- scband reference (transcript-rebuilt; emitter-appended) ---
"""Pipeline reference for scband-appnp-73710228734491 (READ-ONLY COPY).

The authoritative reference and input builder live on the scoring server;
editing this copy changes nothing except your own understanding.
"""

import jax, jax.numpy as jnp
import numpy as np

N_NODES = 10000
N_EDGES = 320000
D_FEAT = 128
K = 5
ALPHA = 0.8


def setup_inputs(seed: int = 0) -> dict:
    key = jax.random.key(seed)
    k1, k2 = jax.random.split(key)
    x = jax.random.normal(k1, (N_NODES, D_FEAT), dtype=jnp.float32)
    edge_index = jax.random.randint(k2, (2, N_EDGES), 0, N_NODES, dtype=jnp.int64 if jax.config.jax_enable_x64 else jnp.int32).astype(jnp.int32)
    return {"x": x, "edge_index": edge_index}


def reference(x, edge_index):
    N = x.shape[0]
    src = edge_index[0]
    dst = edge_index[1]
    # gcn_norm with add_self_loops=True, fill_value=1, flow='source_to_target'
    loop = jnp.arange(N, dtype=src.dtype)
    src_full = jnp.concatenate([src, loop])
    dst_full = jnp.concatenate([dst, loop])
    ew = jnp.ones(src_full.shape[0], dtype=x.dtype)
    deg = jnp.zeros(N, dtype=x.dtype).at[dst_full].add(ew)
    deg_inv_sqrt = jnp.where(deg > 0, deg ** -0.5, 0.0)
    w = deg_inv_sqrt[src_full] * ew * deg_inv_sqrt[dst_full]
    # APPNP propagation: h = x; repeat K times: x = A_hat @ x; x = (1-alpha)*x + alpha*h
    h = x
    out = x
    for _ in range(K):
        msg = out[src_full] * w[:, None]
        agg = jnp.zeros_like(out).at[dst_full].add(msg)
        out = (1.0 - ALPHA) * agg + ALPHA * h
    return out

if __name__ == "__main__":
    import jax
    _d = setup_inputs()
    print(jax.jit(kernel)(*tuple(_d.values())))

</pallas_src>

<mosaic_0001>
#map = affine_map<(d0, d1) -> (0, 0)>
#map1 = affine_map<(d0, d1) -> (0)>
module attributes {stable_mosaic.version = 14 : i64} {
  func.func @_deg_body(%arg0: i32, %arg1: i32, %arg2: memref<32x10000xi32, #tpu.memory_space<hbm>>, %arg3: memref<10000xf32, #tpu.memory_space<hbm>>, %arg4: memref<125x80xi32, #tpu.memory_space<hbm>>, %arg5: memref<2x10000xf32, #tpu.memory_space<hbm>>, %arg6: memref<10000xi32, #tpu.memory_space<vmem>>, %arg7: memref<10000xf32, #tpu.memory_space<vmem>>, %arg8: memref<125x80xi32, #tpu.memory_space<vmem>>, %arg9: memref<10000xf32, #tpu.memory_space<vmem_shared>>) attributes {dimension_semantics = [#tpu.dimension_semantics<core_parallel>, #tpu.dimension_semantics<subcore_parallel>], iteration_bounds = array<i64: 2, 16>, scalar_prefetch = 0 : i64, scratch_operands = 4 : i64, tpu.core_type = #tpu.core_type<sc_vector_subcore>, window_params = [{transform_indices = #map}, {transform_indices = #map1}, {transform_indices = #map}, {transform_indices = #map}]} {
    %mul3A = arith.constant 2 : i32
    %mul3A_0 = arith.muli %arg1, %mul3A : i32
    %add3A = arith.addi %mul3A_0, %arg0 : i32
    "tpu.region"() ({
      %run_scoped3A = tpu.sem_alloc : memref<!tpu.dma_semaphore, #tpu.memory_space<semaphore_mem>>
      tpu.enqueue_dma source(%arg3 : memref<10000xf32, #tpu.memory_space<hbm>>) target(%arg7 : memref<10000xf32, #tpu.memory_space<vmem>>) target_semaphore(%run_scoped3A : memref<!tpu.dma_semaphore, #tpu.memory_space<semaphore_mem>>)
      tpu.wait_dma2 semaphore(%run_scoped3A : memref<!tpu.dma_semaphore, #tpu.memory_space<semaphore_mem>>) src(%arg3 : memref<10000xf32, #tpu.memory_space<hbm>>) dst(%arg7 : memref<10000xf32, #tpu.memory_space<vmem>>)
      tpu.yield
    }) : () -> ()
    %eq3A = arith.constant 0 : i32
    %eq3A_1 = arith.cmpi eq, %arg1, %eq3A : i32
    %convert_element_type3A = arith.extui %eq3A_1 : i1 to i32
    %cond3A = arith.constant 0 : i32
    %cond3A_2 = arith.cmpi ne, %convert_element_type3A, %cond3A : i32
    scf.if %cond3A_2 {
      "tpu.region"() ({
        %run_scoped3A = tpu.sem_alloc : memref<!tpu.dma_semaphore, #tpu.memory_space<semaphore_mem>>
        tpu.enqueue_dma source(%arg7 : memref<10000xf32, #tpu.memory_space<vmem>>) target(%arg9 : memref<10000xf32, #tpu.memory_space<vmem_shared>>) target_semaphore(%run_scoped3A : memref<!tpu.dma_semaphore, #tpu.memory_space<semaphore_mem>>)
        tpu.wait_dma2 semaphore(%run_scoped3A : memref<!tpu.dma_semaphore, #tpu.memory_space<semaphore_mem>>) src(%arg7 : memref<10000xf32, #tpu.memory_space<vmem>>) dst(%arg9 : memref<10000xf32, #tpu.memory_space<vmem_shared>>)
        tpu.yield
      }) : () -> ()
    } else {
    }
    %barrier3A = arith.constant 0 : index
    tpu.barrier barrier_id(%barrier3A)
    "tpu.region"() ({
      %run_scoped3A = tpu.sem_alloc : memref<!tpu.dma_semaphore, #tpu.memory_space<semaphore_mem>>
      %dma_start3A = arith.constant 0 : i32
      %dma_start3A_19 = tpu.memref_slice %arg2[%add3A, %dma_start3A] : memref<32x10000xi32, #tpu.memory_space<hbm>> -> memref<1x10000xi32, #tpu.memory_space<hbm>>
      %dma_start3A_20 = tpu.memref_squeeze %dma_start3A_19 : memref<1x10000xi32, #tpu.memory_space<hbm>> -> memref<10000xi32, #tpu.memory_space<hbm>>
      %dma_start3A_21 = arith.constant 0 : i32
      %dma_start3A_22 = tpu.memref_slice %arg2[%add3A, %dma_start3A_21] : memref<32x10000xi32, #tpu.memory_space<hbm>> -> memref<1x10000xi32, #tpu.memory_space<hbm>>
      %dma_start3A_23 = tpu.memref_squeeze %dma_start3A_22 : memref<1x10000xi32, #tpu.memory_space<hbm>> -> memref<10000xi32, #tpu.memory_space<hbm>>
      tpu.enqueue_dma source(%dma_start3A_23 : memref<10000xi32, #tpu.memory_space<hbm>>) target(%arg6 : memref<10000xi32, #tpu.memory_space<vmem>>) target_semaphore(%run_scoped3A : memref<!tpu.dma_semaphore, #tpu.memory_space<semaphore_mem>>)
      %dma_wait3A = arith.constant 0 : i32
      %dma_wait3A_24 = tpu.memref_slice %arg2[%add3A, %dma_wait3A] : memref<32x10000xi32, #tpu.memory_space<hbm>> -> memref<1x10000xi32, #tpu.memory_space<hbm>>
      %dma_wait3A_25 = tpu.memref_squeeze %dma_wait3A_24 : memref<1x10000xi32, #tpu.memory_space<hbm>> -> memref<10000xi32, #tpu.memory_space<hbm>>
      %dma_wait3A_26 = arith.constant 0 : i32
      %dma_wait3A_27 = tpu.memref_slice %arg2[%add3A, %dma_wait3A_26] : memref<32x10000xi32, #tpu.memory_space<hbm>> -> memref<1x10000xi32, #tpu.memory_space<hbm>>
      %dma_wait3A_28 = tpu.memref_squeeze %dma_wait3A_27 : memref<1x10000xi32, #tpu.memory_space<hbm>> -> memref<10000xi32, #tpu.memory_space<hbm>>
      tpu.wait_dma2 semaphore(%run_scoped3A : memref<!tpu.dma_semaphore, #tpu.memory_space<semaphore_mem>>) src(%dma_wait3A_28 : memref<10000xi32, #tpu.memory_space<hbm>>) dst(%arg6 : memref<10000xi32, #tpu.memory_space<vmem>>)
      tpu.yield
    }) : () -> ()
    "tpu.region"() ({
      %run_scoped3A = tpu.sem_alloc : memref<!tpu.dma_semaphore, #tpu.memory_space<semaphore_mem>>
      tpu.enqueue_dma source(%arg4 : memref<125x80xi32, #tpu.memory_space<hbm>>) target(%arg8 : memref<125x80xi32, #tpu.memory_space<vmem>>) target_semaphore(%run_scoped3A : memref<!tpu.dma_semaphore, #tpu.memory_space<semaphore_mem>>)
      tpu.wait_dma2 semaphore(%run_scoped3A : memref<!tpu.dma_semaphore, #tpu.memory_space<semaphore_mem>>) src(%arg4 : memref<125x80xi32, #tpu.memory_space<hbm>>) dst(%arg8 : memref<125x80xi32, #tpu.memory_space<vmem>>)
      tpu.yield
    }) : () -> ()
    %broadcast_in_dim3A = arith.constant 1.000000e+00 : f32
    %broadcast_in_dim3A_3 = vector.broadcast %broadcast_in_dim3A : f32 to vector<16xf32>
    %scan3A = arith.constant 0 : i32
    %scan3A_4 = arith.constant 625 : i32
    %scan3A_5 = arith.addi %scan3A, %scan3A_4 : i32
    %scan3A_6 = arith.constant 1 : i32
    scf.for %scan3A_19 = %scan3A to %scan3A_5 step %scan3A_6  : i32 {
      %mul3A_20 = arith.constant 1 : i32
      %mul3A_21 = arith.muli %scan3A_19, %mul3A_20 : i32
      %add3A_22 = arith.constant 0 : i32
      %add3A_23 = arith.addi %add3A_22, %mul3A_21 : i32
      %mul3A_24 = arith.constant 16 : i32
      %mul3A_25 = arith.muli %add3A_23, %mul3A_24 : i32
      %get3A = arith.index_cast %mul3A_25 : i32 to index
      %get3A_26 = tpu.vector_load %arg6[%get3A] {strides = array<i32>} : memref<10000xi32, #tpu.memory_space<vmem>>, vector<16xi32>,
      tpu.vector_store_idx %arg7[%get3A_26], %broadcast_in_dim3A_3 {add = true} : memref<10000xf32, #tpu.memory_space<vmem>>[vector<16xi32>], vector<16xf32>,
    }
    %scan3A_7 = arith.constant 625 : i32
    %scan3A_8 = arith.constant 0 : i32
    %scan3A_9 = arith.constant 125 : i32
    %scan3A_10 = arith.addi %scan3A_8, %scan3A_9 : i32
    %scan3A_11 = arith.constant 1 : i32
    scf.for %scan3A_19 = %scan3A_8 to %scan3A_10 step %scan3A_11  : i32 {
      %mul3A_20 = arith.constant 1 : i32
      %mul3A_21 = arith.muli %scan3A_19, %mul3A_20 : i32
      %add3A_22 = arith.constant 0 : i32
      %add3A_23 = arith.addi %add3A_22, %mul3A_21 : i32
      %mul3A_24 = arith.constant 80 : i32
      %mul3A_25 = arith.muli %add3A_23, %mul3A_24 : i32
      "tpu.region"() ({
        %run_scoped3A = tpu.sem_alloc : memref<!tpu.dma_semaphore, #tpu.memory_space<semaphore_mem>>
        %dma_start3A = tpu.memref_slice %arg7[%mul3A_25] : memref<10000xf32, #tpu.memory_space<vmem>> -> memref<80xf32, #tpu.memory_space<vmem>>
        %dma_start3A_26 = arith.constant 0 : i32
        %dma_start3A_27 = tpu.memref_slice %arg8[%add3A_23, %dma_start3A_26] : memref<125x80xi32, #tpu.memory_space<vmem>> -> memref<1x80xi32, #tpu.memory_space<vmem>>
        %dma_start3A_28 = tpu.memref_squeeze %dma_start3A_27 : memref<1x80xi32, #tpu.memory_space<vmem>> -> memref<80xi32, #tpu.memory_space<vmem>>
        %dma_start3A_29 = arith.constant 0 : i32
        %dma_start3A_30 = tpu.memref_slice %arg9[%dma_start3A_29] : memref<10000xf32, #tpu.memory_space<vmem_shared>> -> memref<10000xf32, #tpu.memory_space<vmem_shared>>
        tpu.enqueue_indirect_dma source(%dma_start3A : memref<80xf32, #tpu.memory_space<vmem>>) target(%dma_start3A_30 : memref<10000xf32, #tpu.memory_space<vmem_shared>>) offsets(%dma_start3A_28 : memref<80xi32, #tpu.memory_space<vmem>>) semaphore(%run_scoped3A : memref<!tpu.dma_semaphore, #tpu.memory_space<semaphore_mem>>) {add = true}
        %dma_wait3A = tpu.memref_slice %arg7[%mul3A_25] : memref<10000xf32, #tpu.memory_space<vmem>> -> memref<80xf32, #tpu.memory_space<vmem>>
        %dma_wait3A_31 = arith.constant 0 : i32
        %dma_wait3A_32 = tpu.memref_slice %arg8[%add3A_23, %dma_wait3A_31] : memref<125x80xi32, #tpu.memory_space<vmem>> -> memref<1x80xi32, #tpu.memory_space<vmem>>
        %dma_wait3A_33 = tpu.memref_squeeze %dma_wait3A_32 : memref<1x80xi32, #tpu.memory_space<vmem>> -> memref<80xi32, #tpu.memory_space<vmem>>
        %dma_wait3A_34 = arith.constant 0 : i32
        %dma_wait3A_35 = tpu.memref_slice %arg9[%dma_wait3A_34] : memref<10000xf32, #tpu.memory_space<vmem_shared>> -> memref<10000xf32, #tpu.memory_space<vmem_shared>>
        tpu.wait_indirect_dma semaphore(%run_scoped3A : memref<!tpu.dma_semaphore, #tpu.memory_space<semaphore_mem>>) src(%dma_wait3A : memref<80xf32, #tpu.memory_space<vmem>>) dst(%dma_wait3A_35 : memref<10000xf32, #tpu.memory_space<vmem_shared>>)
        tpu.yield
      }) : () -> ()
    }
    %scan3A_12 = arith.constant 125 : i32
    %barrier3A_13 = arith.constant 0 : index
    tpu.barrier barrier_id(%barrier3A_13)
    %eq3A_14 = arith.constant 0 : i32
    %eq3A_15 = arith.cmpi eq, %arg1, %eq3A_14 : i32
    %convert_element_type3A_16 = arith.extui %eq3A_15 : i1 to i32
    %cond3A_17 = arith.constant 0 : i32
    %cond3A_18 = arith.cmpi ne, %convert_element_type3A_16, %cond3A_17 : i32
    scf.if %cond3A_18 {
      "tpu.region"() ({
        %run_scoped3A = tpu.sem_alloc : memref<!tpu.dma_semaphore, #tpu.memory_space<semaphore_mem>>
        tpu.enqueue_dma source(%arg9 : memref<10000xf32, #tpu.memory_space<vmem_shared>>) target(%arg7 : memref<10000xf32, #tpu.memory_space<vmem>>) target_semaphore(%run_scoped3A : memref<!tpu.dma_semaphore, #tpu.memory_space<semaphore_mem>>)
        tpu.wait_dma2 semaphore(%run_scoped3A : memref<!tpu.dma_semaphore, #tpu.memory_space<semaphore_mem>>) src(%arg9 : memref<10000xf32, #tpu.memory_space<vmem_shared>>) dst(%arg7 : memref<10000xf32, #tpu.memory_space<vmem>>)
        tpu.yield
      }) : () -> ()
      "tpu.region"() ({
        %run_scoped3A = tpu.sem_alloc : memref<!tpu.dma_semaphore, #tpu.memory_space<semaphore_mem>>
        %dma_start3A = arith.constant 0 : i32
        %dma_start3A_19 = tpu.memref_slice %arg5[%arg0, %dma_start3A] : memref<2x10000xf32, #tpu.memory_space<hbm>> -> memref<1x10000xf32, #tpu.memory_space<hbm>>
        %dma_start3A_20 = tpu.memref_squeeze %dma_start3A_19 : memref<1x10000xf32, #tpu.memory_space<hbm>> -> memref<10000xf32, #tpu.memory_space<hbm>>
        %dma_start3A_21 = arith.constant 0 : i32
        %dma_start3A_22 = tpu.memref_slice %arg5[%arg0, %dma_start3A_21] : memref<2x10000xf32, #tpu.memory_space<hbm>> -> memref<1x10000xf32, #tpu.memory_space<hbm>>
        %dma_start3A_23 = tpu.memref_squeeze %dma_start3A_22 : memref<1x10000xf32, #tpu.memory_space<hbm>> -> memref<10000xf32, #tpu.memory_space<hbm>>
        tpu.enqueue_dma source(%arg7 : memref<10000xf32, #tpu.memory_space<vmem>>) target(%dma_start3A_23 : memref<10000xf32, #tpu.memory_space<hbm>>) target_semaphore(%run_scoped3A : memref<!tpu.dma_semaphore, #tpu.memory_space<semaphore_mem>>)
        %dma_wait3A = arith.constant 0 : i32
        %dma_wait3A_24 = tpu.memref_slice %arg5[%arg0, %dma_wait3A] : memref<2x10000xf32, #tpu.memory_space<hbm>> -> memref<1x10000xf32, #tpu.memory_space<hbm>>
        %dma_wait3A_25 = tpu.memref_squeeze %dma_wait3A_24 : memref<1x10000xf32, #tpu.memory_space<hbm>> -> memref<10000xf32, #tpu.memory_space<hbm>>
        %dma_wait3A_26 = arith.constant 0 : i32
        %dma_wait3A_27 = tpu.memref_slice %arg5[%arg0, %dma_wait3A_26] : memref<2x10000xf32, #tpu.memory_space<hbm>> -> memref<1x10000xf32, #tpu.memory_space<hbm>>
        %dma_wait3A_28 = tpu.memref_squeeze %dma_wait3A_27 : memref<1x10000xf32, #tpu.memory_space<hbm>> -> memref<10000xf32, #tpu.memory_space<hbm>>
        tpu.wait_dma2 semaphore(%run_scoped3A : memref<!tpu.dma_semaphore, #tpu.memory_space<semaphore_mem>>) src(%arg7 : memref<10000xf32, #tpu.memory_space<vmem>>) dst(%dma_wait3A_28 : memref<10000xf32, #tpu.memory_space<hbm>>)
        tpu.yield
      }) : () -> ()
    } else {
    }
    return
  }
}

#map = affine_map<(d0, d1) -> (0, 0)>
#map1 = affine_map<(d0, d1) -> (0, 0, 0)>
module attributes {stable_mosaic.version = 14 : i64} {
  func.func @_mono_body(%arg0: i32, %arg1: i32, %arg2: memref<10240x64xbf16, #tpu.memory_space<hbm>>, %arg3: memref<10240x64xbf16, #tpu.memory_space<hbm>>, %arg4: memref<10240x64xbf16, #tpu.memory_space<hbm>>, %arg5: memref<16x160x125xi32, #tpu.memory_space<hbm>>, %arg6: memref<16x160x125xi32, #tpu.memory_space<hbm>>, %arg7: memref<128x64xbf16, #tpu.memory_space<hbm>>, %arg8: memref<10240x64xbf16, #tpu.memory_space<hbm>>, %arg9: memref<10240x64xbf16, #tpu.memory_space<hbm>>, %arg10: memref<10240x64xbf16, #tpu.memory_space<hbm>>, %arg11: memref<10240x64xbf16, #tpu.memory_space<hbm>>, %arg12: memref<160x125xi32, #tpu.memory_space<vmem>>, %arg13: memref<160x125xi32, #tpu.memory_space<vmem>>, %arg14: memref<125x64xbf16, #tpu.memory_space<vmem>>, %arg15: memref<125x64xbf16, #tpu.memory_space<vmem>>, %arg16: memref<125x64xbf16, #tpu.memory_space<vmem>>, %arg17: memref<125x64xbf16, #tpu.memory_space<vmem>>, %arg18: memref<125x64xbf16, #tpu.memory_space<vmem>>, %arg19: memref<640x64xbf16, #tpu.memory_space<vmem>>, %arg20: memref<128x64xbf16, #tpu.memory_space<vmem>>, %arg21: memref<128x64xbf16, #tpu.memory_space<vmem>>, %arg22: memref<640x64xbf16, #tpu.memory_space<vmem>>, %arg23: memref<10240x64xbf16, #tpu.memory_space<vmem_shared>>, %arg24: memref<!tpu.dma_semaphore, #tpu.memory_space<semaphore_mem>>, %arg25: memref<!tpu.dma_semaphore, #tpu.memory_space<semaphore_mem>>, %arg26: memref<!tpu.dma_semaphore, #tpu.memory_space<semaphore_mem>>, %arg27: memref<!tpu.dma_semaphore, #tpu.memory_space<semaphore_mem>>, %arg28: memref<!tpu.dma_semaphore, #tpu.memory_space<semaphore_mem>>) attributes {dimension_semantics = [#tpu.dimension_semantics<core_parallel>, #tpu.dimension_semantics<subcore_parallel>], iteration_bounds = array<i64: 2, 16>, scalar_prefetch = 0 : i64, scratch_operands = 17 : i64, tpu.core_type = #tpu.core_type<sc_vector_subcore>, window_params = [{transform_indices = #map}, {transform_indices = #map}, {transform_indices = #map}, {transform_indices = #map1}, {transform_indices = #map1}, {transform_indices = #map}, {transform_indices = #map}, {transform_indices = #map}, {transform_indices = #map}, {transform_indices = #map}]} {
    %mul3A = arith.constant 640 : i32
    %mul3A_0 = arith.muli %arg1, %mul3A : i32
    "tpu.region"() ({
      %run_scoped3A = tpu.sem_alloc : memref<!tpu.dma_semaphore, #tpu.memory_space<semaphore_mem>>
      %dma_start3A = arith.constant 0 : i32
      %dma_start3A_8 = arith.constant 0 : i32
      %dma_start3A_9 = tpu.memref_slice %arg5[%arg1, %dma_start3A, %dma_start3A_8] : memref<16x160x125xi32, #tpu.memory_space<hbm>> -> memref<1x160x125xi32, #tpu.memory_space<hbm>>
      %dma_start3A_10 = tpu.memref_squeeze %dma_start3A_9 : memref<1x160x125xi32, #tpu.memory_space<hbm>> -> memref<160x125xi32, #tpu.memory_space<hbm>>
      %dma_start3A_11 = arith.constant 0 : i32
      %dma_start3A_12 = arith.constant 0 : i32
      %dma_start3A_13 = tpu.memref_slice %arg5[%arg1, %dma_start3A_11, %dma_start3A_12] : memref<16x160x125xi32, #tpu.memory_space<hbm>> -> memref<1x160x125xi32, #tpu.memory_space<hbm>>
      %dma_start3A_14 = tpu.memref_squeeze %dma_start3A_13 : memref<1x160x125xi32, #tpu.memory_space<hbm>> -> memref<160x125xi32, #tpu.memory_space<hbm>>
      tpu.enqueue_dma source(%dma_start3A_14 : memref<160x125xi32, #tpu.memory_space<hbm>>) target(%arg12 : memref<160x125xi32, #tpu.memory_space<vmem>>) target_semaphore(%run_scoped3A : memref<!tpu.dma_semaphore, #tpu.memory_space<semaphore_mem>>)
      %dma_wait3A = arith.constant 0 : i32
      %dma_wait3A_15 = arith.constant 0 : i32
      %dma_wait3A_16 = tpu.memref_slice %arg5[%arg1, %dma_wait3A, %dma_wait3A_15] : memref<16x160x125xi32, #tpu.memory_space<hbm>> -> memref<1x160x125xi32, #tpu.memory_space<hbm>>
      %dma_wait3A_17 = tpu.memref_squeeze %dma_wait3A_16 : memref<1x160x125xi32, #tpu.memory_space<hbm>> -> memref<160x125xi32, #tpu.memory_space<hbm>>
      %dma_wait3A_18 = arith.constant 0 : i32
      %dma_wait3A_19 = arith.constant 0 : i32
      %dma_wait3A_20 = tpu.memref_slice %arg5[%arg1, %dma_wait3A_18, %dma_wait3A_19] : memref<16x160x125xi32, #tpu.memory_space<hbm>> -> memref<1x160x125xi32, #tpu.memory_space<hbm>>
      %dma_wait3A_21 = tpu.memref_squeeze %dma_wait3A_20 : memref<1x160x125xi32, #tpu.memory_space<hbm>> -> memref<160x125xi32, #tpu.memory_space<hbm>>
      tpu.wait_dma2 semaphore(%run_scoped3A : memref<!tpu.dma_semaphore, #tpu.memory_space<semaphore_mem>>) src(%dma_wait3A_21 : memref<160x125xi32, #tpu.memory_space<hbm>>) dst(%arg12 : memref<160x125xi32, #tpu.memory_space<vmem>>)
      tpu.yield
    }) : () -> ()
    "tpu.region"() ({
      %run_scoped3A = tpu.sem_alloc : memref<!tpu.dma_semaphore, #tpu.memory_space<semaphore_mem>>
      %dma_start3A = arith.constant 0 : i32
      %dma_start3A_8 = arith.constant 0 : i32
      %dma_start3A_9 = tpu.memref_slice %arg6[%arg1, %dma_start3A, %dma_start3A_8] : memref<16x160x125xi32, #tpu.memory_space<hbm>> -> memref<1x160x125xi32, #tpu.memory_space<hbm>>
      %dma_start3A_10 = tpu.memref_squeeze %dma_start3A_9 : memref<1x160x125xi32, #tpu.memory_space<hbm>> -> memref<160x125xi32, #tpu.memory_space<hbm>>
      %dma_start3A_11 = arith.constant 0 : i32
      %dma_start3A_12 = arith.constant 0 : i32
      %dma_start3A_13 = tpu.memref_slice %arg6[%arg1, %dma_start3A_11, %dma_start3A_12] : memref<16x160x125xi32, #tpu.memory_space<hbm>> -> memref<1x160x125xi32, #tpu.memory_space<hbm>>
      %dma_start3A_14 = tpu.memref_squeeze %dma_start3A_13 : memref<1x160x125xi32, #tpu.memory_space<hbm>> -> memref<160x125xi32, #tpu.memory_space<hbm>>
      tpu.enqueue_dma source(%dma_start3A_14 : memref<160x125xi32, #tpu.memory_space<hbm>>) target(%arg13 : memref<160x125xi32, #tpu.memory_space<vmem>>) target_semaphore(%run_scoped3A : memref<!tpu.dma_semaphore, #tpu.memory_space<semaphore_mem>>)
      %dma_wait3A = arith.constant 0 : i32
      %dma_wait3A_15 = arith.constant 0 : i32
      %dma_wait3A_16 = tpu.memref_slice %arg6[%arg1, %dma_wait3A, %dma_wait3A_15] : memref<16x160x125xi32, #tpu.memory_space<hbm>> -> memref<1x160x125xi32, #tpu.memory_space<hbm>>
      %dma_wait3A_17 = tpu.memref_squeeze %dma_wait3A_16 : memref<1x160x125xi32, #tpu.memory_space<hbm>> -> memref<160x125xi32, #tpu.memory_space<hbm>>
      %dma_wait3A_18 = arith.constant 0 : i32
      %dma_wait3A_19 = arith.constant 0 : i32
      %dma_wait3A_20 = tpu.memref_slice %arg6[%arg1, %dma_wait3A_18, %dma_wait3A_19] : memref<16x160x125xi32, #tpu.memory_space<hbm>> -> memref<1x160x125xi32, #tpu.memory_space<hbm>>
      %dma_wait3A_21 = tpu.memref_squeeze %dma_wait3A_20 : memref<1x160x125xi32, #tpu.memory_space<hbm>> -> memref<160x125xi32, #tpu.memory_space<hbm>>
      tpu.wait_dma2 semaphore(%run_scoped3A : memref<!tpu.dma_semaphore, #tpu.memory_space<semaphore_mem>>) src(%dma_wait3A_21 : memref<160x125xi32, #tpu.memory_space<hbm>>) dst(%arg13 : memref<160x125xi32, #tpu.memory_space<vmem>>)
      tpu.yield
    }) : () -> ()
    "tpu.region"() ({
      %run_scoped3A = tpu.sem_alloc : memref<!tpu.dma_semaphore, #tpu.memory_space<semaphore_mem>>
      %dma_start3A = arith.constant 0 : i32
      %dma_start3A_8 = tpu.memref_slice %arg4[%mul3A_0, %dma_start3A] : memref<10240x64xbf16, #tpu.memory_space<hbm>> -> memref<640x64xbf16, #tpu.memory_space<hbm>>
      %dma_start3A_9 = arith.constant 0 : i32
      %dma_start3A_10 = tpu.memref_slice %arg4[%mul3A_0, %dma_start3A_9] : memref<10240x64xbf16, #tpu.memory_space<hbm>> -> memref<640x64xbf16, #tpu.memory_space<hbm>>
      tpu.enqueue_dma source(%dma_start3A_10 : memref<640x64xbf16, #tpu.memory_space<hbm>>) target(%arg22 : memref<640x64xbf16, #tpu.memory_space<vmem>>) target_semaphore(%run_scoped3A : memref<!tpu.dma_semaphore, #tpu.memory_space<semaphore_mem>>)
      %dma_wait3A = arith.constant 0 : i32
      %dma_wait3A_11 = tpu.memref_slice %arg4[%mul3A_0, %dma_wait3A] : memref<10240x64xbf16, #tpu.memory_space<hbm>> -> memref<640x64xbf16, #tpu.memory_space<hbm>>
      %dma_wait3A_12 = arith.constant 0 : i32
      %dma_wait3A_13 = tpu.memref_slice %arg4[%mul3A_0, %dma_wait3A_12] : memref<10240x64xbf16, #tpu.memory_space<hbm>> -> memref<640x64xbf16, #tpu.memory_space<hbm>>
      tpu.wait_dma2 semaphore(%run_scoped3A : memref<!tpu.dma_semaphore, #tpu.memory_space<semaphore_mem>>) src(%dma_wait3A_13 : memref<640x64xbf16, #tpu.memory_space<hbm>>) dst(%arg22 : memref<640x64xbf16, #tpu.memory_space<vmem>>)
      tpu.yield
    }) : () -> ()
    %eq3A = arith.constant 0 : i32
    %eq3A_1 = arith.cmpi eq, %arg0, %eq3A : i32
    %convert_element_type3A = arith.extui %eq3A_1 : i1 to i32
    %cond3A = arith.constant 0 : i32
    %cond3A_2 = arith.cmpi ne, %convert_element_type3A, %cond3A : i32
    scf.if %cond3A_2 {
      %scan3A = arith.constant 0 : i32
      %scan3A_8 = arith.constant 5 : i32
      %scan3A_9 = arith.addi %scan3A, %scan3A_8 : i32
      %scan3A_10 = arith.constant 1 : i32
      scf.for %scan3A_17 = %scan3A to %scan3A_9 step %scan3A_10  : i32 {
        %mul3A_18 = arith.constant 1 : i32
        %mul3A_19 = arith.muli %scan3A_17, %mul3A_18 : i32
        %add3A = arith.constant 0 : i32
        %add3A_20 = arith.addi %add3A, %mul3A_19 : i32
        %mul3A_21 = arith.constant 128 : i32
        %mul3A_22 = arith.muli %add3A_20, %mul3A_21 : i32
        %add3A_23 = arith.addi %mul3A_0, %mul3A_22 : i32
        "tpu.region"() ({
          %run_scoped3A = tpu.sem_alloc : memref<!tpu.dma_semaphore, #tpu.memory_space<semaphore_mem>>
          %dma_start3A = arith.constant 0 : i32
          %dma_start3A_29 = tpu.memref_slice %arg2[%add3A_23, %dma_start3A] : memref<10240x64xbf16, #tpu.memory_space<hbm>> -> memref<128x64xbf16, #tpu.memory_space<hbm>>
          %dma_start3A_30 = arith.constant 0 : i32
          %dma_start3A_31 = tpu.memref_slice %arg2[%add3A_23, %dma_start3A_30] : memref<10240x64xbf16, #tpu.memory_space<hbm>> -> memref<128x64xbf16, #tpu.memory_space<hbm>>
          tpu.enqueue_dma source(%dma_start3A_31 : memref<128x64xbf16, #tpu.memory_space<hbm>>) target(%arg20 : memref<128x64xbf16, #tpu.memory_space<vmem>>) target_semaphore(%run_scoped3A : memref<!tpu.dma_semaphore, #tpu.memory_space<semaphore_mem>>)
          %dma_wait3A = arith.constant 0 : i32
          %dma_wait3A_32 = tpu.memref_slice %arg2[%add3A_23, %dma_wait3A] : memref<10240x64xbf16, #tpu.memory_space<hbm>> -> memref<128x64xbf16, #tpu.memory_space<hbm>>
          %dma_wait3A_33 = arith.constant 0 : i32
          %dma_wait3A_34 = tpu.memref_slice %arg2[%add3A_23, %dma_wait3A_33] : memref<10240x64xbf16, #tpu.memory_space<hbm>> -> memref<128x64xbf16, #tpu.memory_space<hbm>>
          tpu.wait_dma2 semaphore(%run_scoped3A : memref<!tpu.dma_semaphore, #tpu.memory_space<semaphore_mem>>) src(%dma_wait3A_34 : memref<128x64xbf16, #tpu.memory_space<hbm>>) dst(%arg20 : memref<128x64xbf16, #tpu.memory_space<vmem>>)
          tpu.yield
        }) : () -> ()
        %scan3A_24 = arith.constant 0 : i32
        %scan3A_25 = arith.constant 128 : i32
        %scan3A_26 = arith.addi %scan3A_24, %scan3A_25 : i32
        %scan3A_27 = arith.constant 1 : i32
        scf.for %scan3A_29 = %scan3A_24 to %scan3A_26 step %scan3A_27  : i32 {
          %mul3A_30 = arith.constant 1 : i32
          %mul3A_31 = arith.muli %scan3A_29, %mul3A_30 : i32
          %add3A_32 = arith.constant 0 : i32
          %add3A_33 = arith.addi %add3A_32, %mul3A_31 : i32
          %mul3A_34 = arith.constant 128 : i32
          %mul3A_35 = arith.muli %add3A_20, %mul3A_34 : i32
          %add3A_36 = arith.addi %mul3A_35, %add3A_33 : i32
          %get3A = arith.index_cast %add3A_33 : i32 to index
          %get3A_37 = arith.constant 0 : index
          %get3A_38 = tpu.vector_load %arg20[%get3A, %get3A_37] {strides = array<i32>} : memref<128x64xbf16, #tpu.memory_space<vmem>>, vector<32xbf16>,
          %mul3A_39 = arith.constant 1.250000e+00 : bf16
          %mul3A_40 = vector.broadcast %mul3A_39 : bf16 to vector<32xbf16>
          %mul3A_41 = arith.mulf %get3A_38, %mul3A_40 : vector<32xbf16>
          %swap3A = arith.index_cast %add3A_36 : i32 to index
          %swap3A_42 = arith.constant 0 : index
          %swap3A_43 = tpu.vector_load %arg19[%swap3A, %swap3A_42] {strides = array<i32>} : memref<640x64xbf16, #tpu.memory_space<vmem>>, vector<32xbf16>,
          tpu.vector_store %arg19[%swap3A, %swap3A_42], %mul3A_41 {strides = array<i32>} : memref<640x64xbf16, #tpu.memory_space<vmem>>, vector<32xbf16>,
          %get3A_44 = arith.index_cast %add3A_33 : i32 to index
          %get3A_45 = arith.constant 32 : index
          %get3A_46 = tpu.vector_load %arg20[%get3A_44, %get3A_45] {strides = array<i32>} : memref<128x64xbf16, #tpu.memory_space<vmem>>, vector<32xbf16>,
          %mul3A_47 = arith.constant 1.250000e+00 : bf16
          %mul3A_48 = vector.broadcast %mul3A_47 : bf16 to vector<32xbf16>
          %mul3A_49 = arith.mulf %get3A_46, %mul3A_48 : vector<32xbf16>
          %swap3A_50 = arith.index_cast %add3A_36 : i32 to index
          %swap3A_51 = arith.constant 32 : index
          %swap3A_52 = tpu.vector_load %arg19[%swap3A_50, %swap3A_51] {strides = array<i32>} : memref<640x64xbf16, #tpu.memory_space<vmem>>, vector<32xbf16>,
          tpu.vector_store %arg19[%swap3A_50, %swap3A_51], %mul3A_49 {strides = array<i32>} : memref<640x64xbf16, #tpu.memory_space<vmem>>, vector<32xbf16>,
        }
        %scan3A_28 = arith.constant 128 : i32
      }
      %scan3A_11 = arith.constant 5 : i32
      "tpu.region"() ({
        %run_scoped3A = tpu.sem_alloc : memref<!tpu.dma_semaphore, #tpu.memory_space<semaphore_mem>>
        %dma_start3A = arith.constant 0 : i32
        %dma_start3A_17 = tpu.memref_slice %arg10[%mul3A_0, %dma_start3A] : memref<10240x64xbf16, #tpu.memory_space<hbm>> -> memref<640x64xbf16, #tpu.memory_space<hbm>>
        %dma_start3A_18 = arith.constant 0 : i32
        %dma_start3A_19 = tpu.memref_slice %arg10[%mul3A_0, %dma_start3A_18] : memref<10240x64xbf16, #tpu.memory_space<hbm>> -> memref<640x64xbf16, #tpu.memory_space<hbm>>
        tpu.enqueue_dma source(%arg19 : memref<640x64xbf16, #tpu.memory_space<vmem>>) target(%dma_start3A_19 : memref<640x64xbf16, #tpu.memory_space<hbm>>) target_semaphore(%run_scoped3A : memref<!tpu.dma_semaphore, #tpu.memory_space<semaphore_mem>>)
        %dma_wait3A = arith.constant 0 : i32
        %dma_wait3A_20 = tpu.memref_slice %arg10[%mul3A_0, %dma_wait3A] : memref<10240x64xbf16, #tpu.memory_space<hbm>> -> memref<640x64xbf16, #tpu.memory_space<hbm>>
        %dma_wait3A_21 = arith.constant 0 : i32
        %dma_wait3A_22 = tpu.memref_slice %arg10[%mul3A_0, %dma_wait3A_21] : memref<10240x64xbf16, #tpu.memory_space<hbm>> -> memref<640x64xbf16, #tpu.memory_space<hbm>>
        tpu.wait_dma2 semaphore(%run_scoped3A : memref<!tpu.dma_semaphore, #tpu.memory_space<semaphore_mem>>) src(%arg19 : memref<640x64xbf16, #tpu.memory_space<vmem>>) dst(%dma_wait3A_22 : memref<640x64xbf16, #tpu.memory_space<hbm>>)
        tpu.yield
      }) : () -> ()
      %scan3A_12 = arith.constant 0 : i32
      %scan3A_13 = arith.constant 5 : i32
      %scan3A_14 = arith.addi %scan3A_12, %scan3A_13 : i32
      %scan3A_15 = arith.constant 1 : i32
      scf.for %scan3A_17 = %scan3A_12 to %scan3A_14 step %scan3A_15  : i32 {
        %mul3A_18 = arith.constant 1 : i32
        %mul3A_19 = arith.muli %scan3A_17, %mul3A_18 : i32
        %add3A = arith.constant 0 : i32
        %add3A_20 = arith.addi %add3A, %mul3A_19 : i32
        "tpu.region"() ({
          %run_scoped3A = tpu.sem_alloc : memref<!tpu.dma_semaphore, #tpu.memory_space<semaphore_mem>>
          tpu.enqueue_dma source(%arg7 : memref<128x64xbf16, #tpu.memory_space<hbm>>) target(%arg21 : memref<128x64xbf16, #tpu.memory_space<vmem>>) target_semaphore(%run_scoped3A : memref<!tpu.dma_semaphore, #tpu.memory_space<semaphore_mem>>)
          tpu.wait_dma2 semaphore(%run_scoped3A : memref<!tpu.dma_semaphore, #tpu.memory_space<semaphore_mem>>) src(%arg7 : memref<128x64xbf16, #tpu.memory_space<hbm>>) dst(%arg21 : memref<128x64xbf16, #tpu.memory_space<vmem>>)
          tpu.yield
        }) : () -> ()
        %scan3A_21 = arith.constant 0 : i32
        %scan3A_22 = arith.constant 5 : i32
        %scan3A_23 = arith.addi %scan3A_21, %scan3A_22 : i32
        %scan3A_24 = arith.constant 1 : i32
        scf.for %scan3A_71 = %scan3A_21 to %scan3A_23 step %scan3A_24  : i32 {
          %mul3A_72 = arith.constant 1 : i32
          %mul3A_73 = arith.muli %scan3A_71, %mul3A_72 : i32
          %add3A_74 = arith.constant 0 : i32
          %add3A_75 = arith.addi %add3A_74, %mul3A_73 : i32
          %mul3A_76 = arith.constant 128 : i32
          %mul3A_77 = arith.muli %add3A_75, %mul3A_76 : i32
          %add3A_78 = arith.addi %mul3A_0, %mul3A_77 : i32
          "tpu.region"() ({
            %run_scoped3A = tpu.sem_alloc : memref<!tpu.dma_semaphore, #tpu.memory_space<semaphore_mem>>
            %dma_start3A_79 = arith.constant 0 : i32
            %dma_start3A_80 = tpu.memref_slice %arg23[%add3A_78, %dma_start3A_79] : memref<10240x64xbf16, #tpu.memory_space<vmem_shared>> -> memref<128x64xbf16, #tpu.memory_space<vmem_shared>>
            %dma_start3A_81 = arith.constant 0 : i32
            %dma_start3A_82 = tpu.memref_slice %arg23[%add3A_78, %dma_start3A_81] : memref<10240x64xbf16, #tpu.memory_space<vmem_shared>> -> memref<128x64xbf16, #tpu.memory_space<vmem_shared>>
            tpu.enqueue_dma source(%arg21 : memref<128x64xbf16, #tpu.memory_space<vmem>>) target(%dma_start3A_82 : memref<128x64xbf16, #tpu.memory_space<vmem_shared>>) target_semaphore(%run_scoped3A : memref<!tpu.dma_semaphore, #tpu.memory_space<semaphore_mem>>)
            %dma_wait3A = arith.constant 0 : i32
            %dma_wait3A_83 = tpu.memref_slice %arg23[%add3A_78, %dma_wait3A] : memref<10240x64xbf16, #tpu.memory_space<vmem_shared>> -> memref<128x64xbf16, #tpu.memory_space<vmem_shared>>
            %dma_wait3A_84 = arith.constant 0 : i32
            %dma_wait3A_85 = tpu.memref_slice %arg23[%add3A_78, %dma_wait3A_84] : memref<10240x64xbf16, #tpu.memory_space<vmem_shared>> -> memref<128x64xbf16, #tpu.memory_space<vmem_shared>>
            tpu.wait_dma2 semaphore(%run_scoped3A : memref<!tpu.dma_semaphore, #tpu.memory_space<semaphore_mem>>) src(%arg21 : memref<128x64xbf16, #tpu.memory_space<vmem>>) dst(%dma_wait3A_85 : memref<128x64xbf16, #tpu.memory_space<vmem_shared>>)
            tpu.yield
          }) : () -> ()
        }
        %scan3A_25 = arith.constant 5 : i32
        %barrier3A = arith.constant 0 : index
        tpu.barrier barrier_id(%barrier3A)
        %dma_start3A = arith.constant 0 : i32
        %dma_start3A_26 = arith.constant 0 : i32
        %dma_start3A_27 = tpu.memref_slice %arg12[%dma_start3A, %dma_start3A_26] : memref<160x125xi32, #tpu.memory_space<vmem>> -> memref<1x125xi32, #tpu.memory_space<vmem>>
        %dma_start3A_28 = tpu.memref_squeeze %dma_start3A_27 : memref<1x125xi32, #tpu.memory_space<vmem>> -> memref<125xi32, #tpu.memory_space<vmem>>
        %dma_start3A_29 = arith.constant 0 : i32
        %dma_start3A_30 = arith.constant 0 : i32
        %dma_start3A_31 = tpu.memref_slice %arg10[%dma_start3A_29, %dma_start3A_30] : memref<10240x64xbf16, #tpu.memory_space<hbm>> -> memref<10240x64xbf16, #tpu.memory_space<hbm>>
        tpu.enqueue_indirect_dma source(%dma_start3A_31 : memref<10240x64xbf16, #tpu.memory_space<hbm>>) target(%arg14 : memref<125x64xbf16, #tpu.memory_space<vmem>>) offsets(%dma_start3A_28 : memref<125xi32, #tpu.memory_space<vmem>>) semaphore(%arg24 : memref<!tpu.dma_semaphore, #tpu.memory_space<semaphore_mem>>)
        %dma_start3A_32 = arith.constant 1 : i32
        %dma_start3A_33 = arith.constant 0 : i32
        %dma_start3A_34 = tpu.memref_slice %arg12[%dma_start3A_32, %dma_start3A_33] : memref<160x125xi32, #tpu.memory_space<vmem>> -> memref<1x125xi32, #tpu.memory_space<vmem>>
        %dma_start3A_35 = tpu.memref_squeeze %dma_start3A_34 : memref<1x125xi32, #tpu.memory_space<vmem>> -> memref<125xi32, #tpu.memory_space<vmem>>
        %dma_start3A_36 = arith.constant 0 : i32
        %dma_start3A_37 = arith.constant 0 : i32
        %dma_start3A_38 = tpu.memref_slice %arg10[%dma_start3A_36, %dma_start3A_37] : memref<10240x64xbf16, #tpu.memory_space<hbm>> -> memref<10240x64xbf16, #tpu.memory_space<hbm>>
        tpu.enqueue_indirect_dma source(%dma_start3A_38 : memref<10240x64xbf16, #tpu.memory_space<hbm>>) target(%arg15 : memref<125x64xbf16, #tpu.memory_space<vmem>>) offsets(%dma_start3A_35 : memref<125xi32, #tpu.memory_space<vmem>>) semaphore(%arg25 : memref<!tpu.dma_semaphore, #tpu.memory_space<semaphore_mem>>)
        %dma_start3A_39 = arith.constant 2 : i32
        %dma_start3A_40 = arith.constant 0 : i32
        %dma_start3A_41 = tpu.memref_slice %arg12[%dma_start3A_39, %dma_start3A_40] : memref<160x125xi32, #tpu.memory_space<vmem>> -> memref<1x125xi32, #tpu.memory_space<vmem>>
        %dma_start3A_42 = tpu.memref_squeeze %dma_start3A_41 : memref<1x125xi32, #tpu.memory_space<vmem>> -> memref<125xi32, #tpu.memory_space<vmem>>
        %dma_start3A_43 = arith.constant 0 : i32
        %dma_start3A_44 = arith.constant 0 : i32
        %dma_start3A_45 = tpu.memref_slice %arg10[%dma_start3A_43, %dma_start3A_44] : memref<10240x64xbf16, #tpu.memory_space<hbm>> -> memref<10240x64xbf16, #tpu.memory_space<hbm>>
        tpu.enqueue_indirect_dma source(%dma_start3A_45 : memref<10240x64xbf16, #tpu.memory_space<hbm>>) target(%arg16 : memref<125x64xbf16, #tpu.memory_space<vmem>>) offsets(%dma_start3A_42 : memref<125xi32, #tpu.memory_space<vmem>>) semaphore(%arg26 : memref<!tpu.dma_semaphore, #tpu.memory_space<semaphore_mem>>)
        %dma_start3A_46 = arith.constant 3 : i32
        %dma_start3A_47 = arith.constant 0 : i32
        %dma_start3A_48 = tpu.memref_slice %arg12[%dma_start3A_46, %dma_start3A_47] : memref<160x125xi32, #tpu.memory_space<vmem>> -> memref<1x125xi32, #tpu.memory_space<vmem>>
        %dma_start3A_49 = tpu.memref_squeeze %dma_start3A_48 : memref<1x125xi32, #tpu.memory_space<vmem>> -> memref<125xi32, #tpu.memory_space<vmem>>
        %dma_start3A_50 = arith.constant 0 : i32
        %dma_start3A_51 = arith.constant 0 : i32
        %dma_start3A_52 = tpu.memref_slice %arg10[%dma_start3A_50, %dma_start3A_51] : memref<10240x64xbf16, #tpu.memory_space<hbm>> -> memref<10240x64xbf16, #tpu.memory_space<hbm>>
        tpu.enqueue_indirect_dma source(%dma_start3A_52 : memref<10240x64xbf16, #tpu.memory_space<hbm>>) target(%arg17 : memref<125x64xbf16, #tpu.memory_space<vmem>>) offsets(%dma_start3A_49 : memref<125xi32, #tpu.memory_space<vmem>>) semaphore(%arg27 : memref<!tpu.dma_semaphore, #tpu.memory_space<semaphore_mem>>)
        %dma_start3A_53 = arith.constant 4 : i32
        %dma_start3A_54 = arith.constant 0 : i32
        %dma_start3A_55 = tpu.memref_slice %arg12[%dma_start3A_53, %dma_start3A_54] : memref<160x125xi32, #tpu.memory_space<vmem>> -> memref<1x125xi32, #tpu.memory_space<vmem>>
        %dma_start3A_56 = tpu.memref_squeeze %dma_start3A_55 : memref<1x125xi32, #tpu.memory_space<vmem>> -> memref<125xi32, #tpu.memory_space<vmem>>
        %dma_start3A_57 = arith.constant 0 : i32
        %dma_start3A_58 = arith.constant 0 : i32
        %dma_start3A_59 = tpu.memref_slice %arg10[%dma_start3A_57, %dma_start3A_58] : memref<10240x64xbf16, #tpu.memory_space<hbm>> -> memref<10240x64xbf16, #tpu.memory_space<hbm>>
        tpu.enqueue_indirect_dma source(%dma_start3A_59 : memref<10240x64xbf16, #tpu.memory_space<hbm>>) target(%arg18 : memref<125x64xbf16, #tpu.memory_space<vmem>>) offsets(%dma_start3A_56 : memref<125xi32, #tpu.memory_space<vmem>>) semaphore(%arg28 : memref<!tpu.dma_semaphore, #tpu.memory_space<semaphore_mem>>)
        %scan3A_60 = arith.constant 0 : i32
        %scan3A_61 = arith.constant 32 : i32
        %scan3A_62 = arith.addi %scan3A_60, %scan3A_61 : i32
        %scan3A_63 = arith.constant 1 : i32
        scf.for %scan3A_71 = %scan3A_60 to %scan3A_62 step %scan3A_63  : i32 {
          %mul3A_72 = arith.constant 1 : i32
          %mul3A_73 = arith.muli %scan3A_71, %mul3A_72 : i32
          %add3A_74 = arith.constant 0 : i32
          %add3A_75 = arith.addi %add3A_74, %mul3A_73 : i32
          %mul3A_76 = arith.constant 5 : i32
          %mul3A_77 = arith.muli %add3A_75, %mul3A_76 : i32
          %add3A_78 = arith.constant 0 : i32
          %add3A_79 = arith.addi %mul3A_77, %add3A_78 : i32
          %dma_wait3A = arith.constant 0 : i32
          %dma_wait3A_80 = tpu.memref_slice %arg12[%add3A_79, %dma_wait3A] : memref<160x125xi32, #tpu.memory_space<vmem>> -> memref<1x125xi32, #tpu.memory_space<vmem>>
          %dma_wait3A_81 = tpu.memref_squeeze %dma_wait3A_80 : memref<1x125xi32, #tpu.memory_space<vmem>> -> memref<125xi32, #tpu.memory_space<vmem>>
          %dma_wait3A_82 = arith.constant 0 : i32
          %dma_wait3A_83 = arith.constant 0 : i32
          %dma_wait3A_84 = tpu.memref_slice %arg10[%dma_wait3A_82, %dma_wait3A_83] : memref<10240x64xbf16, #tpu.memory_space<hbm>> -> memref<10240x64xbf16, #tpu.memory_space<hbm>>
          tpu.wait_indirect_dma semaphore(%arg24 : memref<!tpu.dma_semaphore, #tpu.memory_space<semaphore_mem>>) src(%dma_wait3A_84 : memref<10240x64xbf16, #tpu.memory_space<hbm>>) dst(%arg14 : memref<125x64xbf16, #tpu.memory_space<vmem>>)
          "tpu.region"() ({
            %run_scoped3A = tpu.sem_alloc : memref<!tpu.dma_semaphore, #tpu.memory_space<semaphore_mem>>
            %dma_start3A_149 = arith.constant 0 : i32
            %dma_start3A_150 = tpu.memref_slice %arg13[%add3A_79, %dma_start3A_149] : memref<160x125xi32, #tpu.memory_space<vmem>> -> memref<1x125xi32, #tpu.memory_space<vmem>>
            %dma_start3A_151 = tpu.memref_squeeze %dma_start3A_150 : memref<1x125xi32, #tpu.memory_space<vmem>> -> memref<125xi32, #tpu.memory_space<vmem>>
            %dma_start3A_152 = arith.constant 0 : i32
            %dma_start3A_153 = arith.constant 0 : i32
            %dma_start3A_154 = tpu.memref_slice %arg23[%dma_start3A_152, %dma_start3A_153] : memref<10240x64xbf16, #tpu.memory_space<vmem_shared>> -> memref<10240x64xbf16, #tpu.memory_space<vmem_shared>>
            tpu.enqueue_indirect_dma source(%arg14 : memref<125x64xbf16, #tpu.memory_space<vmem>>) target(%dma_start3A_154 : memref<10240x64xbf16, #tpu.memory_space<vmem_shared>>) offsets(%dma_start3A_151 : memref<125xi32, #tpu.memory_space<vmem>>) semaphore(%run_scoped3A : memref<!tpu.dma_semaphore, #tpu.memory_space<semaphore_mem>>) {add = true}
            %dma_wait3A_155 = arith.constant 0 : i32
            %dma_wait3A_156 = tpu.memref_slice %arg13[%add3A_79, %dma_wait3A_155] : memref<160x125xi32, #tpu.memory_space<vmem>> -> memref<1x125xi32, #tpu.memory_space<vmem>>
            %dma_wait3A_157 = tpu.memref_squeeze %dma_wait3A_156 : memref<1x125xi32, #tpu.memory_space<vmem>> -> memref<125xi32, #tpu.memory_space<vmem>>
            %dma_wait3A_158 = arith.constant 0 : i32
            %dma_wait3A_159 = arith.constant 0 : i32
            %dma_wait3A_160 = tpu.memref_slice %arg23[%dma_wait3A_158, %dma_wait3A_159] : memref<10240x64xbf16, #tpu.memory_space<vmem_shared>> -> memref<10240x64xbf16, #tpu.memory_space<vmem_shared>>
            tpu.wait_indirect_dma semaphore(%run_scoped3A : memref<!tpu.dma_semaphore, #tpu.memory_space<semaphore_mem>>) src(%arg14 : memref<125x64xbf16, #tpu.memory_space<vmem>>) dst(%dma_wait3A_160 : memref<10240x64xbf16, #tpu.memory_space<vmem_shared>>)
            tpu.yield
          }) : () -> ()
          %lt3A = arith.constant 155 : i32
          %lt3A_85 = arith.cmpi slt, %add3A_79, %lt3A : i32
          %convert_element_type3A_86 = arith.extui %lt3A_85 : i1 to i32
          %cond3A_87 = arith.constant 0 : i32
          %cond3A_88 = arith.cmpi ne, %convert_element_type3A_86, %cond3A_87 : i32
          scf.if %cond3A_88 {
            %add3A_149 = arith.constant 5 : i32
            %add3A_150 = arith.addi %add3A_79, %add3A_149 : i32
            %dma_start3A_151 = arith.constant 0 : i32
            %dma_start3A_152 = tpu.memref_slice %arg12[%add3A_150, %dma_start3A_151] : memref<160x125xi32, #tpu.memory_space<vmem>> -> memref<1x125xi32, #tpu.memory_space<vmem>>
            %dma_start3A_153 = tpu.memref_squeeze %dma_start3A_152 : memref<1x125xi32, #tpu.memory_space<vmem>> -> memref<125xi32, #tpu.memory_space<vmem>>
            %dma_start3A_154 = arith.constant 0 : i32
            %dma_start3A_155 = arith.constant 0 : i32
            %dma_start3A_156 = tpu.memref_slice %arg10[%dma_start3A_154, %dma_start3A_155] : memref<10240x64xbf16, #tpu.memory_space<hbm>> -> memref<10240x64xbf16, #tpu.memory_space<hbm>>
            tpu.enqueue_indirect_dma source(%dma_start3A_156 : memref<10240x64xbf16, #tpu.memory_space<hbm>>) target(%arg14 : memref<125x64xbf16, #tpu.memory_space<vmem>>) offsets(%dma_start3A_153 : memref<125xi32, #tpu.memory_space<vmem>>) semaphore(%arg24 : memref<!tpu.dma_semaphore, #tpu.memory_space<semaphore_mem>>)
          } else {
          }
          %mul3A_89 = arith.constant 5 : i32
          %mul3A_90 = arith.muli %add3A_75, %mul3A_89 : i32
          %add3A_91 = arith.constant 1 : i32
          %add3A_92 = arith.addi %mul3A_90, %add3A_91 : i32
          %dma_wait3A_93 = arith.constant 0 : i32
          %dma_wait3A_94 = tpu.memref_slice %arg12[%add3A_92, %dma_wait3A_93] : memref<160x125xi32, #tpu.memory_space<vmem>> -> memref<1x125xi32, #tpu.memory_space<vmem>>
          %dma_wait3A_95 = tpu.memref_squeeze %dma_wait3A_94 : memref<1x125xi32, #tpu.memory_space<vmem>> -> memref<125xi32, #tpu.memory_space<vmem>>
          %dma_wait3A_96 = arith.constant 0 : i32
          %dma_wait3A_97 = arith.constant 0 : i32
          %dma_wait3A_98 = tpu.memref_slice %arg10[%dma_wait3A_96, %dma_wait3A_97] : memref<10240x64xbf16, #tpu.memory_space<hbm>> -> memref<10240x64xbf16, #tpu.memory_space<hbm>>
          tpu.wait_indirect_dma semaphore(%arg25 : memref<!tpu.dma_semaphore, #tpu.memory_space<semaphore_mem>>) src(%dma_wait3A_98 : memref<10240x64xbf16, #tpu.memory_space<hbm>>) dst(%arg15 : memref<125x64xbf16, #tpu.memory_space<vmem>>)
          "tpu.region"() ({
            %run_scoped3A = tpu.sem_alloc : memref<!tpu.dma_semaphore, #tpu.memory_space<semaphore_mem>>
            %dma_start3A_149 = arith.constant 0 : i32
            %dma_start3A_150 = tpu.memref_slice %arg13[%add3A_92, %dma_start3A_149] : memref<160x125xi32, #tpu.memory_space<vmem>> -> memref<1x125xi32, #tpu.memory_space<vmem>>
            %dma_start3A_151 = tpu.memref_squeeze %dma_start3A_150 : memref<1x125xi32, #tpu.memory_space<vmem>> -> memref<125xi32, #tpu.memory_space<vmem>>
            %dma_start3A_152 = arith.constant 0 : i32
            %dma_start3A_153 = arith.constant 0 : i32
            %dma_start3A_154 = tpu.memref_slice %arg23[%dma_start3A_152, %dma_start3A_153] : memref<10240x64xbf16, #tpu.memory_space<vmem_shared>> -> memref<10240x64xbf16, #tpu.memory_space<vmem_shared>>
            tpu.enqueue_indirect_dma source(%arg15 : memref<125x64xbf16, #tpu.memory_space<vmem>>) target(%dma_start3A_154 : memref<10240x64xbf16, #tpu.memory_space<vmem_shared>>) offsets(%dma_start3A_151 : memref<125xi32, #tpu.memory_space<vmem>>) semaphore(%run_scoped3A : memref<!tpu.dma_semaphore, #tpu.memory_space<semaphore_mem>>) {add = true}
            %dma_wait3A_155 = arith.constant 0 : i32
            %dma_wait3A_156 = tpu.memref_slice %arg13[%add3A_92, %dma_wait3A_155] : memref<160x125xi32, #tpu.memory_space<vmem>> -> memref<1x125xi32, #tpu.memory_space<vmem>>
            %dma_wait3A_157 = tpu.memref_squeeze %dma_wait3A_156 : memref<1x125xi32, #tpu.memory_space<vmem>> -> memref<125xi32, #tpu.memory_space<vmem>>
            %dma_wait3A_158 = arith.constant 0 : i32
            %dma_wait3A_159 = arith.constant 0 : i32
            %dma_wait3A_160 = tpu.memref_slice %arg23[%dma_wait3A_158, %dma_wait3A_159] : memref<10240x64xbf16, #tpu.memory_space<vmem_shared>> -> memref<10240x64xbf16, #tpu.memory_space<vmem_shared>>
            tpu.wait_indirect_dma semaphore(%run_scoped3A : memref<!tpu.dma_semaphore, #tpu.memory_space<semaphore_mem>>) src(%arg15 : memref<125x64xbf16, #tpu.memory_space<vmem>>) dst(%dma_wait3A_160 : memref<10240x64xbf16, #tpu.memory_space<vmem_shared>>)
            tpu.yield
          }) : () -> ()
          %lt3A_99 = arith.constant 155 : i32
          %lt3A_100 = arith.cmpi slt, %add3A_92, %lt3A_99 : i32
          %convert_element_type3A_101 = arith.extui %lt3A_100 : i1 to i32
          %cond3A_102 = arith.constant 0 : i32
          %cond3A_103 = arith.cmpi ne, %convert_element_type3A_101, %cond3A_102 : i32
          scf.if %cond3A_103 {
            %add3A_149 = arith.constant 5 : i32
            %add3A_150 = arith.addi %add3A_92, %add3A_149 : i32
            %dma_start3A_151 = arith.constant 0 : i32
            %dma_start3A_152 = tpu.memref_slice %arg12[%add3A_150, %dma_start3A_151] : memref<160x125xi32, #tpu.memory_space<vmem>> -> memref<1x125xi32, #tpu.memory_space<vmem>>
            %dma_start3A_153 = tpu.memref_squeeze %dma_start3A_152 : memref<1x125xi32, #tpu.memory_space<vmem>> -> memref<125xi32, #tpu.memory_space<vmem>>
            %dma_start3A_154 = arith.constant 0 : i32
            %dma_start3A_155 = arith.constant 0 : i32
            %dma_start3A_156 = tpu.memref_slice %arg10[%dma_start3A_154, %dma_start3A_155] : memref<10240x64xbf16, #tpu.memory_space<hbm>> -> memref<10240x64xbf16, #tpu.memory_space<hbm>>
            tpu.enqueue_indirect_dma source(%dma_start3A_156 : memref<10240x64xbf16, #tpu.memory_space<hbm>>) target(%arg15 : memref<125x64xbf16, #tpu.memory_space<vmem>>) offsets(%dma_start3A_153 : memref<125xi32, #tpu.memory_space<vmem>>) semaphore(%arg25 : memref<!tpu.dma_semaphore, #tpu.memory_space<semaphore_mem>>)
          } else {
          }
          %mul3A_104 = arith.constant 5 : i32
          %mul3A_105 = arith.muli %add3A_75, %mul3A_104 : i32
          %add3A_106 = arith.constant 2 : i32
          %add3A_107 = arith.addi %mul3A_105, %add3A_106 : i32
          %dma_wait3A_108 = arith.constant 0 : i32
          %dma_wait3A_109 = tpu.memref_slice %arg12[%add3A_107, %dma_wait3A_108] : memref<160x125xi32, #tpu.memory_space<vmem>> -> memref<1x125xi32, #tpu.memory_space<vmem>>
          %dma_wait3A_110 = tpu.memref_squeeze %dma_wait3A_109 : memref<1x125xi32, #tpu.memory_space<vmem>> -> memref<125xi32, #tpu.memory_space<vmem>>
          %dma_wait3A_111 = arith.constant 0 : i32
          %dma_wait3A_112 = arith.constant 0 : i32
          %dma_wait3A_113 = tpu.memref_slice %arg10[%dma_wait3A_111, %dma_wait3A_112] : memref<10240x64xbf16, #tpu.memory_space<hbm>> -> memref<10240x64xbf16, #tpu.memory_space<hbm>>
          tpu.wait_indirect_dma semaphore(%arg26 : memref<!tpu.dma_semaphore, #tpu.memory_space<semaphore_mem>>) src(%dma_wait3A_113 : memref<10240x64xbf16, #tpu.memory_space<hbm>>) dst(%arg16 : memref<125x64xbf16, #tpu.memory_space<vmem>>)
          "tpu.region"() ({
            %run_scoped3A = tpu.sem_alloc : memref<!tpu.dma_semaphore, #tpu.memory_space<semaphore_mem>>
            %dma_start3A_149 = arith.constant 0 : i32
            %dma_start3A_150 = tpu.memref_slice %arg13[%add3A_107, %dma_start3A_149] : memref<160x125xi32, #tpu.memory_space<vmem>> -> memref<1x125xi32, #tpu.memory_space<vmem>>
            %dma_start3A_151 = tpu.memref_squeeze %dma_start3A_150 : memref<1x125xi32, #tpu.memory_space<vmem>> -> memref<125xi32, #tpu.memory_space<vmem>>
            %dma_start3A_152 = arith.constant 0 : i32
            %dma_start3A_153 = arith.constant 0 : i32
            %dma_start3A_154 = tpu.memref_slice %arg23[%dma_start3A_152, %dma_start3A_153] : memref<10240x64xbf16, #tpu.memory_space<vmem_shared>> -> memref<10240x64xbf16, #tpu.memory_space<vmem_shared>>
            tpu.enqueue_indirect_dma source(%arg16 : memref<125x64xbf16, #tpu.memory_space<vmem>>) target(%dma_start3A_154 : memref<10240x64xbf16, #tpu.memory_space<vmem_shared>>) offsets(%dma_start3A_151 : memref<125xi32, #tpu.memory_space<vmem>>) semaphore(%run_scoped3A : memref<!tpu.dma_semaphore, #tpu.memory_space<semaphore_mem>>) {add = true}
            %dma_wait3A_155 = arith.constant 0 : i32
            %dma_wait3A_156 = tpu.memref_slice %arg13[%add3A_107, %dma_wait3A_155] : memref<160x125xi32, #tpu.memory_space<vmem>> -> memref<1x125xi32, #tpu.memory_space<vmem>>
            %dma_wait3A_157 = tpu.memref_squeeze %dma_wait3A_156 : memref<1x125xi32, #tpu.memory_space<vmem>> -> memref<125xi32, #tpu.memory_space<vmem>>
            %dma_wait3A_158 = arith.constant 0 : i32
            %dma_wait3A_159 = arith.constant 0 : i32
            %dma_wait3A_160 = tpu.memref_slice %arg23[%dma_wait3A_158, %dma_wait3A_159] : memref<10240x64xbf16, #tpu.memory_space<vmem_shared>> -> memref<10240x64xbf16, #tpu.memory_space<vmem_shared>>
            tpu.wait_indirect_dma semaphore(%run_scoped3A : memref<!tpu.dma_semaphore, #tpu.memory_space<semaphore_mem>>) src(%arg16 : memref<125x64xbf16, #tpu.memory_space<vmem>>) dst(%dma_wait3A_160 : memref<10240x64xbf16, #tpu.memory_space<vmem_shared>>)
            tpu.yield
          }) : () -> ()
          %lt3A_114 = arith.constant 155 : i32
          %lt3A_115 = arith.cmpi slt, %add3A_107, %lt3A_114 : i32
          %convert_element_type3A_116 = arith.extui %lt3A_115 : i1 to i32
          %cond3A_117 = arith.constant 0 : i32
          %cond3A_118 = arith.cmpi ne, %convert_element_type3A_116, %cond3A_117 : i32
          scf.if %cond3A_118 {
            %add3A_149 = arith.constant 5 : i32
            %add3A_150 = arith.addi %add3A_107, %add3A_149 : i32
            %dma_start3A_151 = arith.constant 0 : i32
            %dma_start3A_152 = tpu.memref_slice %arg12[%add3A_150, %dma_start3A_151] : memref<160x125xi32, #tpu.memory_space<vmem>> -> memref<1x125xi32, #tpu.memory_space<vmem>>
            %dma_start3A_153 = tpu.memref_squeeze %dma_start3A_152 : memref<1x125xi32, #tpu.memory_space<vmem>> -> memref<125xi32, #tpu.memory_space<vmem>>
            %dma_start3A_154 = arith.constant 0 : i32
            %dma_start3A_155 = arith.constant 0 : i32
            %dma_start3A_156 = tpu.memref_slice %arg10[%dma_start3A_154, %dma_start3A_155] : memref<10240x64xbf16, #tpu.memory_space<hbm>> -> memref<10240x64xbf16, #tpu.memory_space<hbm>>
            tpu.enqueue_indirect_dma source(%dma_start3A_156 : memref<10240x64xbf16, #tpu.memory_space<hbm>>) target(%arg16 : memref<125x64xbf16, #tpu.memory_space<vmem>>) offsets(%dma_start3A_153 : memref<125xi32, #tpu.memory_space<vmem>>) semaphore(%arg26 : memref<!tpu.dma_semaphore, #tpu.memory_space<semaphore_mem>>)
          } else {
          }
          %mul3A_119 = arith.constant 5 : i32
          %mul3A_120 = arith.muli %add3A_75, %mul3A_119 : i32
          %add3A_121 = arith.constant 3 : i32
          %add3A_122 = arith.addi %mul3A_120, %add3A_121 : i32
          %dma_wait3A_123 = arith.constant 0 : i32
          %dma_wait3A_124 = tpu.memref_slice %arg12[%add3A_122, %dma_wait3A_123] : memref<160x125xi32, #tpu.memory_space<vmem>> -> memref<1x125xi32, #tpu.memory_space<vmem>>
          %dma_wait3A_125 = tpu.memref_squeeze %dma_wait3A_124 : memref<1x125xi32, #tpu.memory_space<vmem>> -> memref<125xi32, #tpu.memory_space<vmem>>
          %dma_wait3A_126 = arith.constant 0 : i32
          %dma_wait3A_127 = arith.constant 0 : i32
          %dma_wait3A_128 = tpu.memref_slice %arg10[%dma_wait3A_126, %dma_wait3A_127] : memref<10240x64xbf16, #tpu.memory_space<hbm>> -> memref<10240x64xbf16, #tpu.memory_space<hbm>>
          tpu.wait_indirect_dma semaphore(%arg27 : memref<!tpu.dma_semaphore, #tpu.memory_space<semaphore_mem>>) src(%dma_wait3A_128 : memref<10240x64xbf16, #tpu.memory_space<hbm>>) dst(%arg17 : memref<125x64xbf16, #tpu.memory_space<vmem>>)
          "tpu.region"() ({
            %run_scoped3A = tpu.sem_alloc : memref<!tpu.dma_semaphore, #tpu.memory_space<semaphore_mem>>
            %dma_start3A_149 = arith.constant 0 : i32
            %dma_start3A_150 = tpu.memref_slice %arg13[%add3A_122, %dma_start3A_149] : memref<160x125xi32, #tpu.memory_space<vmem>> -> memref<1x125xi32, #tpu.memory_space<vmem>>
            %dma_start3A_151 = tpu.memref_squeeze %dma_start3A_150 : memref<1x125xi32, #tpu.memory_space<vmem>> -> memref<125xi32, #tpu.memory_space<vmem>>
            %dma_start3A_152 = arith.constant 0 : i32
            %dma_start3A_153 = arith.constant 0 : i32
            %dma_start3A_154 = tpu.memref_slice %arg23[%dma_start3A_152, %dma_start3A_153] : memref<10240x64xbf16, #tpu.memory_space<vmem_shared>> -> memref<10240x64xbf16, #tpu.memory_space<vmem_shared>>
            tpu.enqueue_indirect_dma source(%arg17 : memref<125x64xbf16, #tpu.memory_space<vmem>>) target(%dma_start3A_154 : memref<10240x64xbf16, #tpu.memory_space<vmem_shared>>) offsets(%dma_start3A_151 : memref<125xi32, #tpu.memory_space<vmem>>) semaphore(%run_scoped3A : memref<!tpu.dma_semaphore, #tpu.memory_space<semaphore_mem>>) {add = true}
            %dma_wait3A_155 = arith.constant 0 : i32
            %dma_wait3A_156 = tpu.memref_slice %arg13[%add3A_122, %dma_wait3A_155] : memref<160x125xi32, #tpu.memory_space<vmem>> -> memref<1x125xi32, #tpu.memory_space<vmem>>
            %dma_wait3A_157 = tpu.memref_squeeze %dma_wait3A_156 : memref<1x125xi32, #tpu.memory_space<vmem>> -> memref<125xi32, #tpu.memory_space<vmem>>
            %dma_wait3A_158 = arith.constant 0 : i32
            %dma_wait3A_159 = arith.constant 0 : i32
            %dma_wait3A_160 = tpu.memref_slice %arg23[%dma_wait3A_158, %dma_wait3A_159] : memref<10240x64xbf16, #tpu.memory_space<vmem_shared>> -> memref<10240x64xbf16, #tpu.memory_space<vmem_shared>>
            tpu.wait_indirect_dma semaphore(%run_scoped3A : memref<!tpu.dma_semaphore, #tpu.memory_space<semaphore_mem>>) src(%arg17 : memref<125x64xbf16, #tpu.memory_space<vmem>>) dst(%dma_wait3A_160 : memref<10240x64xbf16, #tpu.memory_space<vmem_shared>>)
            tpu.yield
          }) : () -> ()
          %lt3A_129 = arith.constant 155 : i32
          %lt3A_130 = arith.cmpi slt, %add3A_122, %lt3A_129 : i32
          %convert_element_type3A_131 = arith.extui %lt3A_130 : i1 to i32
          %cond3A_132 = arith.constant 0 : i32
          %cond3A_133 = arith.cmpi ne, %convert_element_type3A_131, %cond3A_132 : i32
          scf.if %cond3A_133 {
            %add3A_149 = arith.constant 5 : i32
            %add3A_150 = arith.addi %add3A_122, %add3A_149 : i32
            %dma_start3A_151 = arith.constant 0 : i32
            %dma_start3A_152 = tpu.memref_slice %arg12[%add3A_150, %dma_start3A_151] : memref<160x125xi32, #tpu.memory_space<vmem>> -> memref<1x125xi32, #tpu.memory_space<vmem>>
            %dma_start3A_153 = tpu.memref_squeeze %dma_start3A_152 : memref<1x125xi32, #tpu.memory_space<vmem>> -> memref<125xi32, #tpu.memory_space<vmem>>
            %dma_start3A_154 = arith.constant 0 : i32
            %dma_start3A_155 = arith.constant 0 : i32
            %dma_start3A_156 = tpu.memref_slice %arg10[%dma_start3A_154, %dma_start3A_155] : memref<10240x64xbf16, #tpu.memory_space<hbm>> -> memref<10240x64xbf16, #tpu.memory_space<hbm>>
            tpu.enqueue_indirect_dma source(%dma_start3A_156 : memref<10240x64xbf16, #tpu.memory_space<hbm>>) target(%arg17 : memref<125x64xbf16, #tpu.memory_space<vmem>>) offsets(%dma_start3A_153 : memref<125xi32, #tpu.memory_space<vmem>>) semaphore(%arg27 : memref<!tpu.dma_semaphore, #tpu.memory_space<semaphore_mem>>)
          } else {
          }
          %mul3A_134 = arith.constant 5 : i32
          %mul3A_135 = arith.muli %add3A_75, %mul3A_134 : i32
          %add3A_136 = arith.constant 4 : i32
          %add3A_137 = arith.addi %mul3A_135, %add3A_136 : i32
          %dma_wait3A_138 = arith.constant 0 : i32
          %dma_wait3A_139 = tpu.memref_slice %arg12[%add3A_137, %dma_wait3A_138] : memref<160x125xi32, #tpu.memory_space<vmem>> -> memref<1x125xi32, #tpu.memory_space<vmem>>
          %dma_wait3A_140 = tpu.memref_squeeze %dma_wait3A_139 : memref<1x125xi32, #tpu.memory_space<vmem>> -> memref<125xi32, #tpu.memory_space<vmem>>
          %dma_wait3A_141 = arith.constant 0 : i32
          %dma_wait3A_142 = arith.constant 0 : i32
          %dma_wait3A_143 = tpu.memref_slice %arg10[%dma_wait3A_141, %dma_wait3A_142] : memref<10240x64xbf16, #tpu.memory_space<hbm>> -> memref<10240x64xbf16, #tpu.memory_space<hbm>>
          tpu.wait_indirect_dma semaphore(%arg28 : memref<!tpu.dma_semaphore, #tpu.memory_space<semaphore_mem>>) src(%dma_wait3A_143 : memref<10240x64xbf16, #tpu.memory_space<hbm>>) dst(%arg18 : memref<125x64xbf16, #tpu.memory_space<vmem>>)
          "tpu.region"() ({
            %run_scoped3A = tpu.sem_alloc : memref<!tpu.dma_semaphore, #tpu.memory_space<semaphore_mem>>
            %dma_start3A_149 = arith.constant 0 : i32
            %dma_start3A_150 = tpu.memref_slice %arg13[%add3A_137, %dma_start3A_149] : memref<160x125xi32, #tpu.memory_space<vmem>> -> memref<1x125xi32, #tpu.memory_space<vmem>>
            %dma_start3A_151 = tpu.memref_squeeze %dma_start3A_150 : memref<1x125xi32, #tpu.memory_space<vmem>> -> memref<125xi32, #tpu.memory_space<vmem>>
            %dma_start3A_152 = arith.constant 0 : i32
            %dma_start3A_153 = arith.constant 0 : i32
            %dma_start3A_154 = tpu.memref_slice %arg23[%dma_start3A_152, %dma_start3A_153] : memref<10240x64xbf16, #tpu.memory_space<vmem_shared>> -> memref<10240x64xbf16, #tpu.memory_space<vmem_shared>>
            tpu.enqueue_indirect_dma source(%arg18 : memref<125x64xbf16, #tpu.memory_space<vmem>>) target(%dma_start3A_154 : memref<10240x64xbf16, #tpu.memory_space<vmem_shared>>) offsets(%dma_start3A_151 : memref<125xi32, #tpu.memory_space<vmem>>) semaphore(%run_scoped3A : memref<!tpu.dma_semaphore, #tpu.memory_space<semaphore_mem>>) {add = true}
            %dma_wait3A_155 = arith.constant 0 : i32
            %dma_wait3A_156 = tpu.memref_slice %arg13[%add3A_137, %dma_wait3A_155] : memref<160x125xi32, #tpu.memory_space<vmem>> -> memref<1x125xi32, #tpu.memory_space<vmem>>
            %dma_wait3A_157 = tpu.memref_squeeze %dma_wait3A_156 : memref<1x125xi32, #tpu.memory_space<vmem>> -> memref<125xi32, #tpu.memory_space<vmem>>
            %dma_wait3A_158 = arith.constant 0 : i32
            %dma_wait3A_159 = arith.constant 0 : i32
            %dma_wait3A_160 = tpu.memref_slice %arg23[%dma_wait3A_158, %dma_wait3A_159] : memref<10240x64xbf16, #tpu.memory_space<vmem_shared>> -> memref<10240x64xbf16, #tpu.memory_space<vmem_shared>>
            tpu.wait_indirect_dma semaphore(%run_scoped3A : memref<!tpu.dma_semaphore, #tpu.memory_space<semaphore_mem>>) src(%arg18 : memref<125x64xbf16, #tpu.memory_space<vmem>>) dst(%dma_wait3A_160 : memref<10240x64xbf16, #tpu.memory_space<vmem_shared>>)
            tpu.yield
          }) : () -> ()
          %lt3A_144 = arith.constant 155 : i32
          %lt3A_145 = arith.cmpi slt, %add3A_137, %lt3A_144 : i32
          %convert_element_type3A_146 = arith.extui %lt3A_145 : i1 to i32
          %cond3A_147 = arith.constant 0 : i32
          %cond3A_148 = arith.cmpi ne, %convert_element_type3A_146, %cond3A_147 : i32
          scf.if %cond3A_148 {
            %add3A_149 = arith.constant 5 : i32
            %add3A_150 = arith.addi %add3A_137, %add3A_149 : i32
            %dma_start3A_151 = arith.constant 0 : i32
            %dma_start3A_152 = tpu.memref_slice %arg12[%add3A_150, %dma_start3A_151] : memref<160x125xi32, #tpu.memory_space<vmem>> -> memref<1x125xi32, #tpu.memory_space<vmem>>
            %dma_start3A_153 = tpu.memref_squeeze %dma_start3A_152 : memref<1x125xi32, #tpu.memory_space<vmem>> -> memref<125xi32, #tpu.memory_space<vmem>>
            %dma_start3A_154 = arith.constant 0 : i32
            %dma_start3A_155 = arith.constant 0 : i32
            %dma_start3A_156 = tpu.memref_slice %arg10[%dma_start3A_154, %dma_start3A_155] : memref<10240x64xbf16, #tpu.memory_space<hbm>> -> memref<10240x64xbf16, #tpu.memory_space<hbm>>
            tpu.enqueue_indirect_dma source(%dma_start3A_156 : memref<10240x64xbf16, #tpu.memory_space<hbm>>) target(%arg18 : memref<125x64xbf16, #tpu.memory_space<vmem>>) offsets(%dma_start3A_153 : memref<125xi32, #tpu.memory_space<vmem>>) semaphore(%arg28 : memref<!tpu.dma_semaphore, #tpu.memory_space<semaphore_mem>>)
          } else {
          }
        }
        %scan3A_64 = arith.constant 32 : i32
        %barrier3A_65 = arith.constant 0 : index
        tpu.barrier barrier_id(%barrier3A_65)
        %scan3A_66 = arith.constant 0 : i32
        %scan3A_67 = arith.constant 5 : i32
        %scan3A_68 = arith.addi %scan3A_66, %scan3A_67 : i32
        %scan3A_69 = arith.constant 1 : i32
        scf.for %scan3A_71 = %scan3A_66 to %scan3A_68 step %scan3A_69  : i32 {
          %mul3A_72 = arith.constant 1 : i32
          %mul3A_73 = arith.muli %scan3A_71, %mul3A_72 : i32
          %add3A_74 = arith.constant 0 : i32
          %add3A_75 = arith.addi %add3A_74, %mul3A_73 : i32
          %mul3A_76 = arith.constant 128 : i32
          %mul3A_77 = arith.muli %add3A_75, %mul3A_76 : i32
          %add3A_78 = arith.addi %mul3A_0, %mul3A_77 : i32
          "tpu.region"() ({
            %run_scoped3A = tpu.sem_alloc : memref<!tpu.dma_semaphore, #tpu.memory_space<semaphore_mem>>
            %dma_start3A_84 = arith.constant 0 : i32
            %dma_start3A_85 = tpu.memref_slice %arg23[%add3A_78, %dma_start3A_84] : memref<10240x64xbf16, #tpu.memory_space<vmem_shared>> -> memref<128x64xbf16, #tpu.memory_space<vmem_shared>>
            %dma_start3A_86 = arith.constant 0 : i32
            %dma_start3A_87 = tpu.memref_slice %arg23[%add3A_78, %dma_start3A_86] : memref<10240x64xbf16, #tpu.memory_space<vmem_shared>> -> memref<128x64xbf16, #tpu.memory_space<vmem_shared>>
            tpu.enqueue_dma source(%dma_start3A_87 : memref<128x64xbf16, #tpu.memory_space<vmem_shared>>) target(%arg21 : memref<128x64xbf16, #tpu.memory_space<vmem>>) target_semaphore(%run_scoped3A : memref<!tpu.dma_semaphore, #tpu.memory_space<semaphore_mem>>)
            %dma_wait3A = arith.constant 0 : i32
            %dma_wait3A_88 = tpu.memref_slice %arg23[%add3A_78, %dma_wait3A] : memref<10240x64xbf16, #tpu.memory_space<vmem_shared>> -> memref<128x64xbf16, #tpu.memory_space<vmem_shared>>
            %dma_wait3A_89 = arith.constant 0 : i32
            %dma_wait3A_90 = tpu.memref_slice %arg23[%add3A_78, %dma_wait3A_89] : memref<10240x64xbf16, #tpu.memory_space<vmem_shared>> -> memref<128x64xbf16, #tpu.memory_space<vmem_shared>>
            tpu.wait_dma2 semaphore(%run_scoped3A : memref<!tpu.dma_semaphore, #tpu.memory_space<semaphore_mem>>) src(%dma_wait3A_90 : memref<128x64xbf16, #tpu.memory_space<vmem_shared>>) dst(%arg21 : memref<128x64xbf16, #tpu.memory_space<vmem>>)
            tpu.yield
          }) : () -> ()
          "tpu.region"() ({
            %run_scoped3A = tpu.sem_alloc : memref<!tpu.dma_semaphore, #tpu.memory_space<semaphore_mem>>
            %dma_start3A_84 = arith.constant 0 : i32
            %dma_start3A_85 = tpu.memref_slice %arg2[%add3A_78, %dma_start3A_84] : memref<10240x64xbf16, #tpu.memory_space<hbm>> -> memref<128x64xbf16, #tpu.memory_space<hbm>>
            %dma_start3A_86 = arith.constant 0 : i32
            %dma_start3A_87 = tpu.memref_slice %arg2[%add3A_78, %dma_start3A_86] : memref<10240x64xbf16, #tpu.memory_space<hbm>> -> memref<128x64xbf16, #tpu.memory_space<hbm>>
            tpu.enqueue_dma source(%dma_start3A_87 : memref<128x64xbf16, #tpu.memory_space<hbm>>) target(%arg20 : memref<128x64xbf16, #tpu.memory_space<vmem>>) target_semaphore(%run_scoped3A : memref<!tpu.dma_semaphore, #tpu.memory_space<semaphore_mem>>)
            %dma_wait3A = arith.constant 0 : i32
            %dma_wait3A_88 = tpu.memref_slice %arg2[%add3A_78, %dma_wait3A] : memref<10240x64xbf16, #tpu.memory_space<hbm>> -> memref<128x64xbf16, #tpu.memory_space<hbm>>
            %dma_wait3A_89 = arith.constant 0 : i32
            %dma_wait3A_90 = tpu.memref_slice %arg2[%add3A_78, %dma_wait3A_89] : memref<10240x64xbf16, #tpu.memory_space<hbm>> -> memref<128x64xbf16, #tpu.memory_space<hbm>>
            tpu.wait_dma2 semaphore(%run_scoped3A : memref<!tpu.dma_semaphore, #tpu.memory_space<semaphore_mem>>) src(%dma_wait3A_90 : memref<128x64xbf16, #tpu.memory_space<hbm>>) dst(%arg20 : memref<128x64xbf16, #tpu.memory_space<vmem>>)
            tpu.yield
          }) : () -> ()
          %scan3A_79 = arith.constant 0 : i32
          %scan3A_80 = arith.constant 128 : i32
          %scan3A_81 = arith.addi %scan3A_79, %scan3A_80 : i32
          %scan3A_82 = arith.constant 1 : i32
          scf.for %scan3A_84 = %scan3A_79 to %scan3A_81 step %scan3A_82  : i32 {
            %mul3A_85 = arith.constant 1 : i32
            %mul3A_86 = arith.muli %scan3A_84, %mul3A_85 : i32
            %add3A_87 = arith.constant 0 : i32
            %add3A_88 = arith.addi %add3A_87, %mul3A_86 : i32
            %mul3A_89 = arith.constant 128 : i32
            %mul3A_90 = arith.muli %add3A_75, %mul3A_89 : i32
            %add3A_91 = arith.addi %mul3A_90, %add3A_88 : i32
            %get3A = arith.index_cast %add3A_91 : i32 to index
            %get3A_92 = arith.constant 0 : index
            %get3A_93 = tpu.vector_load %arg22[%get3A, %get3A_92] {strides = array<i32>} : memref<640x64xbf16, #tpu.memory_space<vmem>>, vector<32xbf16>,
            %get3A_94 = arith.index_cast %add3A_88 : i32 to index
            %get3A_95 = arith.constant 0 : index
            %get3A_96 = tpu.vector_load %arg21[%get3A_94, %get3A_95] {strides = array<i32>} : memref<128x64xbf16, #tpu.memory_space<vmem>>, vector<32xbf16>,
            %get3A_97 = arith.index_cast %add3A_91 : i32 to index
            %get3A_98 = arith.constant 0 : index
            %get3A_99 = tpu.vector_load %arg19[%get3A_97, %get3A_98] {strides = array<i32>} : memref<640x64xbf16, #tpu.memory_space<vmem>>, vector<32xbf16>,
            %add3A_100 = arith.addf %get3A_96, %get3A_99 : vector<32xbf16>
            %mul3A_101 = arith.mulf %get3A_93, %add3A_100 : vector<32xbf16>
            %get3A_102 = arith.index_cast %add3A_88 : i32 to index
            %get3A_103 = arith.constant 0 : index
            %get3A_104 = tpu.vector_load %arg20[%get3A_102, %get3A_103] {strides = array<i32>} : memref<128x64xbf16, #tpu.memory_space<vmem>>, vector<32xbf16>,
            %add3A_105 = arith.addf %mul3A_101, %get3A_104 : vector<32xbf16>
            %swap3A = arith.index_cast %add3A_91 : i32 to index
            %swap3A_106 = arith.constant 0 : index
            %swap3A_107 = tpu.vector_load %arg19[%swap3A, %swap3A_106] {strides = array<i32>} : memref<640x64xbf16, #tpu.memory_space<vmem>>, vector<32xbf16>,
            tpu.vector_store %arg19[%swap3A, %swap3A_106], %add3A_105 {strides = array<i32>} : memref<640x64xbf16, #tpu.memory_space<vmem>>, vector<32xbf16>,
            %get3A_108 = arith.index_cast %add3A_91 : i32 to index
            %get3A_109 = arith.constant 32 : index
            %get3A_110 = tpu.vector_load %arg22[%get3A_108, %get3A_109] {strides = array<i32>} : memref<640x64xbf16, #tpu.memory_space<vmem>>, vector<32xbf16>,
            %get3A_111 = arith.index_cast %add3A_88 : i32 to index
            %get3A_112 = arith.constant 32 : index
            %get3A_113 = tpu.vector_load %arg21[%get3A_111, %get3A_112] {strides = array<i32>} : memref<128x64xbf16, #tpu.memory_space<vmem>>, vector<32xbf16>,
            %get3A_114 = arith.index_cast %add3A_91 : i32 to index
            %get3A_115 = arith.constant 32 : index
            %get3A_116 = tpu.vector_load %arg19[%get3A_114, %get3A_115] {strides = array<i32>} : memref<640x64xbf16, #tpu.memory_space<vmem>>, vector<32xbf16>,
            %add3A_117 = arith.addf %get3A_113, %get3A_116 : vector<32xbf16>
            %mul3A_118 = arith.mulf %get3A_110, %add3A_117 : vector<32xbf16>
            %get3A_119 = arith.index_cast %add3A_88 : i32 to index
            %get3A_120 = arith.constant 32 : index
            %get3A_121 = tpu.vector_load %arg20[%get3A_119, %get3A_120] {strides = array<i32>} : memref<128x64xbf16, #tpu.memory_space<vmem>>, vector<32xbf16>,
            %add3A_122 = arith.addf %mul3A_118, %get3A_121 : vector<32xbf16>
            %swap3A_123 = arith.index_cast %add3A_91 : i32 to index
            %swap3A_124 = arith.constant 32 : index
            %swap3A_125 = tpu.vector_load %arg19[%swap3A_123, %swap3A_124] {strides = array<i32>} : memref<640x64xbf16, #tpu.memory_space<vmem>>, vector<32xbf16>,
            tpu.vector_store %arg19[%swap3A_123, %swap3A_124], %add3A_122 {strides = array<i32>} : memref<640x64xbf16, #tpu.memory_space<vmem>>, vector<32xbf16>,
          }
          %scan3A_83 = arith.constant 128 : i32
        }
        %scan3A_70 = arith.constant 5 : i32
        "tpu.region"() ({
          %run_scoped3A = tpu.sem_alloc : memref<!tpu.dma_semaphore, #tpu.memory_space<semaphore_mem>>
          %dma_start3A_71 = arith.constant 0 : i32
          %dma_start3A_72 = tpu.memref_slice %arg10[%mul3A_0, %dma_start3A_71] : memref<10240x64xbf16, #tpu.memory_space<hbm>> -> memref<640x64xbf16, #tpu.memory_space<hbm>>
          %dma_start3A_73 = arith.constant 0 : i32
          %dma_start3A_74 = tpu.memref_slice %arg10[%mul3A_0, %dma_start3A_73] : memref<10240x64xbf16, #tpu.memory_space<hbm>> -> memref<640x64xbf16, #tpu.memory_space<hbm>>
          tpu.enqueue_dma source(%arg19 : memref<640x64xbf16, #tpu.memory_space<vmem>>) target(%dma_start3A_74 : memref<640x64xbf16, #tpu.memory_space<hbm>>) target_semaphore(%run_scoped3A : memref<!tpu.dma_semaphore, #tpu.memory_space<semaphore_mem>>)
          %dma_wait3A = arith.constant 0 : i32
          %dma_wait3A_75 = tpu.memref_slice %arg10[%mul3A_0, %dma_wait3A] : memref<10240x64xbf16, #tpu.memory_space<hbm>> -> memref<640x64xbf16, #tpu.memory_space<hbm>>
          %dma_wait3A_76 = arith.constant 0 : i32
          %dma_wait3A_77 = tpu.memref_slice %arg10[%mul3A_0, %dma_wait3A_76] : memref<10240x64xbf16, #tpu.memory_space<hbm>> -> memref<640x64xbf16, #tpu.memory_space<hbm>>
          tpu.wait_dma2 semaphore(%run_scoped3A : memref<!tpu.dma_semaphore, #tpu.memory_space<semaphore_mem>>) src(%arg19 : memref<640x64xbf16, #tpu.memory_space<vmem>>) dst(%dma_wait3A_77 : memref<640x64xbf16, #tpu.memory_space<hbm>>)
          tpu.yield
        }) : () -> ()
      }
      %scan3A_16 = arith.constant 5 : i32
      "tpu.region"() ({
        %run_scoped3A = tpu.sem_alloc : memref<!tpu.dma_semaphore, #tpu.memory_space<semaphore_mem>>
        %dma_start3A = arith.constant 0 : i32
        %dma_start3A_17 = tpu.memref_slice %arg8[%mul3A_0, %dma_start3A] : memref<10240x64xbf16, #tpu.memory_space<hbm>> -> memref<640x64xbf16, #tpu.memory_space<hbm>>
        %dma_start3A_18 = arith.constant 0 : i32
        %dma_start3A_19 = tpu.memref_slice %arg8[%mul3A_0, %dma_start3A_18] : memref<10240x64xbf16, #tpu.memory_space<hbm>> -> memref<640x64xbf16, #tpu.memory_space<hbm>>
        tpu.enqueue_dma source(%arg19 : memref<640x64xbf16, #tpu.memory_space<vmem>>) target(%dma_start3A_19 : memref<640x64xbf16, #tpu.memory_space<hbm>>) target_semaphore(%run_scoped3A : memref<!tpu.dma_semaphore, #tpu.memory_space<semaphore_mem>>)
        %dma_wait3A = arith.constant 0 : i32
        %dma_wait3A_20 = tpu.memref_slice %arg8[%mul3A_0, %dma_wait3A] : memref<10240x64xbf16, #tpu.memory_space<hbm>> -> memref<640x64xbf16, #tpu.memory_space<hbm>>
        %dma_wait3A_21 = arith.constant 0 : i32
        %dma_wait3A_22 = tpu.memref_slice %arg8[%mul3A_0, %dma_wait3A_21] : memref<10240x64xbf16, #tpu.memory_space<hbm>> -> memref<640x64xbf16, #tpu.memory_space<hbm>>
        tpu.wait_dma2 semaphore(%run_scoped3A : memref<!tpu.dma_semaphore, #tpu.memory_space<semaphore_mem>>) src(%arg19 : memref<640x64xbf16, #tpu.memory_space<vmem>>) dst(%dma_wait3A_22 : memref<640x64xbf16, #tpu.memory_space<hbm>>)
        tpu.yield
      }) : () -> ()
    } else {
    }
    %eq3A_3 = arith.constant 1 : i32
    %eq3A_4 = arith.cmpi eq, %arg0, %eq3A_3 : i32
    %convert_element_type3A_5 = arith.extui %eq3A_4 : i1 to i32
    %cond3A_6 = arith.constant 0 : i32
    %cond3A_7 = arith.cmpi ne, %convert_element_type3A_5, %cond3A_6 : i32
    scf.if %cond3A_7 {
      %scan3A = arith.constant 0 : i32
      %scan3A_8 = arith.constant 5 : i32
      %scan3A_9 = arith.addi %scan3A, %scan3A_8 : i32
      %scan3A_10 = arith.constant 1 : i32
      scf.for %scan3A_17 = %scan3A to %scan3A_9 step %scan3A_10  : i32 {
        %mul3A_18 = arith.constant 1 : i32
        %mul3A_19 = arith.muli %scan3A_17, %mul3A_18 : i32
        %add3A = arith.constant 0 : i32
        %add3A_20 = arith.addi %add3A, %mul3A_19 : i32
        %mul3A_21 = arith.constant 128 : i32
        %mul3A_22 = arith.muli %add3A_20, %mul3A_21 : i32
        %add3A_23 = arith.addi %mul3A_0, %mul3A_22 : i32
        "tpu.region"() ({
          %run_scoped3A = tpu.sem_alloc : memref<!tpu.dma_semaphore, #tpu.memory_space<semaphore_mem>>
          %dma_start3A = arith.constant 0 : i32
          %dma_start3A_29 = tpu.memref_slice %arg3[%add3A_23, %dma_start3A] : memref<10240x64xbf16, #tpu.memory_space<hbm>> -> memref<128x64xbf16, #tpu.memory_space<hbm>>
          %dma_start3A_30 = arith.constant 0 : i32
          %dma_start3A_31 = tpu.memref_slice %arg3[%add3A_23, %dma_start3A_30] : memref<10240x64xbf16, #tpu.memory_space<hbm>> -> memref<128x64xbf16, #tpu.memory_space<hbm>>
          tpu.enqueue_dma source(%dma_start3A_31 : memref<128x64xbf16, #tpu.memory_space<hbm>>) target(%arg20 : memref<128x64xbf16, #tpu.memory_space<vmem>>) target_semaphore(%run_scoped3A : memref<!tpu.dma_semaphore, #tpu.memory_space<semaphore_mem>>)
          %dma_wait3A = arith.constant 0 : i32
          %dma_wait3A_32 = tpu.memref_slice %arg3[%add3A_23, %dma_wait3A] : memref<10240x64xbf16, #tpu.memory_space<hbm>> -> memref<128x64xbf16, #tpu.memory_space<hbm>>
          %dma_wait3A_33 = arith.constant 0 : i32
          %dma_wait3A_34 = tpu.memref_slice %arg3[%add3A_23, %dma_wait3A_33] : memref<10240x64xbf16, #tpu.memory_space<hbm>> -> memref<128x64xbf16, #tpu.memory_space<hbm>>
          tpu.wait_dma2 semaphore(%run_scoped3A : memref<!tpu.dma_semaphore, #tpu.memory_space<semaphore_mem>>) src(%dma_wait3A_34 : memref<128x64xbf16, #tpu.memory_space<hbm>>) dst(%arg20 : memref<128x64xbf16, #tpu.memory_space<vmem>>)
          tpu.yield
        }) : () -> ()
        %scan3A_24 = arith.constant 0 : i32
        %scan3A_25 = arith.constant 128 : i32
        %scan3A_26 = arith.addi %scan3A_24, %scan3A_25 : i32
        %scan3A_27 = arith.constant 1 : i32
        scf.for %scan3A_29 = %scan3A_24 to %scan3A_26 step %scan3A_27  : i32 {
          %mul3A_30 = arith.constant 1 : i32
          %mul3A_31 = arith.muli %scan3A_29, %mul3A_30 : i32
          %add3A_32 = arith.constant 0 : i32
          %add3A_33 = arith.addi %add3A_32, %mul3A_31 : i32
          %mul3A_34 = arith.constant 128 : i32
          %mul3A_35 = arith.muli %add3A_20, %mul3A_34 : i32
          %add3A_36 = arith.addi %mul3A_35, %add3A_33 : i32
          %get3A = arith.index_cast %add3A_33 : i32 to index
          %get3A_37 = arith.constant 0 : index
          %get3A_38 = tpu.vector_load %arg20[%get3A, %get3A_37] {strides = array<i32>} : memref<128x64xbf16, #tpu.memory_space<vmem>>, vector<32xbf16>,
          %mul3A_39 = arith.constant 1.250000e+00 : bf16
          %mul3A_40 = vector.broadcast %mul3A_39 : bf16 to vector<32xbf16>
          %mul3A_41 = arith.mulf %get3A_38, %mul3A_40 : vector<32xbf16>
          %swap3A = arith.index_cast %add3A_36 : i32 to index
          %swap3A_42 = arith.constant 0 : index
          %swap3A_43 = tpu.vector_load %arg19[%swap3A, %swap3A_42] {strides = array<i32>} : memref<640x64xbf16, #tpu.memory_space<vmem>>, vector<32xbf16>,
          tpu.vector_store %arg19[%swap3A, %swap3A_42], %mul3A_41 {strides = array<i32>} : memref<640x64xbf16, #tpu.memory_space<vmem>>, vector<32xbf16>,
          %get3A_44 = arith.index_cast %add3A_33 : i32 to index
          %get3A_45 = arith.constant 32 : index
          %get3A_46 = tpu.vector_load %arg20[%get3A_44, %get3A_45] {strides = array<i32>} : memref<128x64xbf16, #tpu.memory_space<vmem>>, vector<32xbf16>,
          %mul3A_47 = arith.constant 1.250000e+00 : bf16
          %mul3A_48 = vector.broadcast %mul3A_47 : bf16 to vector<32xbf16>
          %mul3A_49 = arith.mulf %get3A_46, %mul3A_48 : vector<32xbf16>
          %swap3A_50 = arith.index_cast %add3A_36 : i32 to index
          %swap3A_51 = arith.constant 32 : index
          %swap3A_52 = tpu.vector_load %arg19[%swap3A_50, %swap3A_51] {strides = array<i32>} : memref<640x64xbf16, #tpu.memory_space<vmem>>, vector<32xbf16>,
          tpu.vector_store %arg19[%swap3A_50, %swap3A_51], %mul3A_49 {strides = array<i32>} : memref<640x64xbf16, #tpu.memory_space<vmem>>, vector<32xbf16>,
        }
        %scan3A_28 = arith.constant 128 : i32
      }
      %scan3A_11 = arith.constant 5 : i32
      "tpu.region"() ({
        %run_scoped3A = tpu.sem_alloc : memref<!tpu.dma_semaphore, #tpu.memory_space<semaphore_mem>>
        %dma_start3A = arith.constant 0 : i32
        %dma_start3A_17 = tpu.memref_slice %arg11[%mul3A_0, %dma_start3A] : memref<10240x64xbf16, #tpu.memory_space<hbm>> -> memref<640x64xbf16, #tpu.memory_space<hbm>>
        %dma_start3A_18 = arith.constant 0 : i32
        %dma_start3A_19 = tpu.memref_slice %arg11[%mul3A_0, %dma_start3A_18] : memref<10240x64xbf16, #tpu.memory_space<hbm>> -> memref<640x64xbf16, #tpu.memory_space<hbm>>
        tpu.enqueue_dma source(%arg19 : memref<640x64xbf16, #tpu.memory_space<vmem>>) target(%dma_start3A_19 : memref<640x64xbf16, #tpu.memory_space<hbm>>) target_semaphore(%run_scoped3A : memref<!tpu.dma_semaphore, #tpu.memory_space<semaphore_mem>>)
        %dma_wait3A = arith.constant 0 : i32
        %dma_wait3A_20 = tpu.memref_slice %arg11[%mul3A_0, %dma_wait3A] : memref<10240x64xbf16, #tpu.memory_space<hbm>> -> memref<640x64xbf16, #tpu.memory_space<hbm>>
        %dma_wait3A_21 = arith.constant 0 : i32
        %dma_wait3A_22 = tpu.memref_slice %arg11[%mul3A_0, %dma_wait3A_21] : memref<10240x64xbf16, #tpu.memory_space<hbm>> -> memref<640x64xbf16, #tpu.memory_space<hbm>>
        tpu.wait_dma2 semaphore(%run_scoped3A : memref<!tpu.dma_semaphore, #tpu.memory_space<semaphore_mem>>) src(%arg19 : memref<640x64xbf16, #tpu.memory_space<vmem>>) dst(%dma_wait3A_22 : memref<640x64xbf16, #tpu.memory_space<hbm>>)
        tpu.yield
      }) : () -> ()
      %scan3A_12 = arith.constant 0 : i32
      %scan3A_13 = arith.constant 5 : i32
      %scan3A_14 = arith.addi %scan3A_12, %scan3A_13 : i32
      %scan3A_15 = arith.constant 1 : i32
      scf.for %scan3A_17 = %scan3A_12 to %scan3A_14 step %scan3A_15  : i32 {
        %mul3A_18 = arith.constant 1 : i32
        %mul3A_19 = arith.muli %scan3A_17, %mul3A_18 : i32
        %add3A = arith.constant 0 : i32
        %add3A_20 = arith.addi %add3A, %mul3A_19 : i32
        "tpu.region"() ({
          %run_scoped3A = tpu.sem_alloc : memref<!tpu.dma_semaphore, #tpu.memory_space<semaphore_mem>>
          tpu.enqueue_dma source(%arg7 : memref<128x64xbf16, #tpu.memory_space<hbm>>) target(%arg21 : memref<128x64xbf16, #tpu.memory_space<vmem>>) target_semaphore(%run_scoped3A : memref<!tpu.dma_semaphore, #tpu.memory_space<semaphore_mem>>)
          tpu.wait_dma2 semaphore(%run_scoped3A : memref<!tpu.dma_semaphore, #tpu.memory_space<semaphore_mem>>) src(%arg7 : memref<128x64xbf16, #tpu.memory_space<hbm>>) dst(%arg21 : memref<128x64xbf16, #tpu.memory_space<vmem>>)
          tpu.yield
        }) : () -> ()
        %scan3A_21 = arith.constant 0 : i32
        %scan3A_22 = arith.constant 5 : i32
        %scan3A_23 = arith.addi %scan3A_21, %scan3A_22 : i32
        %scan3A_24 = arith.constant 1 : i32
        scf.for %scan3A_71 = %scan3A_21 to %scan3A_23 step %scan3A_24  : i32 {
          %mul3A_72 = arith.constant 1 : i32
          %mul3A_73 = arith.muli %scan3A_71, %mul3A_72 : i32
          %add3A_74 = arith.constant 0 : i32
          %add3A_75 = arith.addi %add3A_74, %mul3A_73 : i32
          %mul3A_76 = arith.constant 128 : i32
          %mul3A_77 = arith.muli %add3A_75, %mul3A_76 : i32
          %add3A_78 = arith.addi %mul3A_0, %mul3A_77 : i32
          "tpu.region"() ({
            %run_scoped3A = tpu.sem_alloc : memref<!tpu.dma_semaphore, #tpu.memory_space<semaphore_mem>>
            %dma_start3A_79 = arith.constant 0 : i32
            %dma_start3A_80 = tpu.memref_slice %arg23[%add3A_78, %dma_start3A_79] : memref<10240x64xbf16, #tpu.memory_space<vmem_shared>> -> memref<128x64xbf16, #tpu.memory_space<vmem_shared>>
            %dma_start3A_81 = arith.constant 0 : i32
            %dma_start3A_82 = tpu.memref_slice %arg23[%add3A_78, %dma_start3A_81] : memref<10240x64xbf16, #tpu.memory_space<vmem_shared>> -> memref<128x64xbf16, #tpu.memory_space<vmem_shared>>
            tpu.enqueue_dma source(%arg21 : memref<128x64xbf16, #tpu.memory_space<vmem>>) target(%dma_start3A_82 : memref<128x64xbf16, #tpu.memory_space<vmem_shared>>) target_semaphore(%run_scoped3A : memref<!tpu.dma_semaphore, #tpu.memory_space<semaphore_mem>>)
            %dma_wait3A = arith.constant 0 : i32
            %dma_wait3A_83 = tpu.memref_slice %arg23[%add3A_78, %dma_wait3A] : memref<10240x64xbf16, #tpu.memory_space<vmem_shared>> -> memref<128x64xbf16, #tpu.memory_space<vmem_shared>>
            %dma_wait3A_84 = arith.constant 0 : i32
            %dma_wait3A_85 = tpu.memref_slice %arg23[%add3A_78, %dma_wait3A_84] : memref<10240x64xbf16, #tpu.memory_space<vmem_shared>> -> memref<128x64xbf16, #tpu.memory_space<vmem_shared>>
            tpu.wait_dma2 semaphore(%run_scoped3A : memref<!tpu.dma_semaphore, #tpu.memory_space<semaphore_mem>>) src(%arg21 : memref<128x64xbf16, #tpu.memory_space<vmem>>) dst(%dma_wait3A_85 : memref<128x64xbf16, #tpu.memory_space<vmem_shared>>)
            tpu.yield
          }) : () -> ()
        }
        %scan3A_25 = arith.constant 5 : i32
        %barrier3A = arith.constant 0 : index
        tpu.barrier barrier_id(%barrier3A)
        %dma_start3A = arith.constant 0 : i32
        %dma_start3A_26 = arith.constant 0 : i32
        %dma_start3A_27 = tpu.memref_slice %arg12[%dma_start3A, %dma_start3A_26] : memref<160x125xi32, #tpu.memory_space<vmem>> -> memref<1x125xi32, #tpu.memory_space<vmem>>
        %dma_start3A_28 = tpu.memref_squeeze %dma_start3A_27 : memref<1x125xi32, #tpu.memory_space<vmem>> -> memref<125xi32, #tpu.memory_space<vmem>>
        %dma_start3A_29 = arith.constant 0 : i32
        %dma_start3A_30 = arith.constant 0 : i32
        %dma_start3A_31 = tpu.memref_slice %arg11[%dma_start3A_29, %dma_start3A_30] : memref<10240x64xbf16, #tpu.memory_space<hbm>> -> memref<10240x64xbf16, #tpu.memory_space<hbm>>
        tpu.enqueue_indirect_dma source(%dma_start3A_31 : memref<10240x64xbf16, #tpu.memory_space<hbm>>) target(%arg14 : memref<125x64xbf16, #tpu.memory_space<vmem>>) offsets(%dma_start3A_28 : memref<125xi32, #tpu.memory_space<vmem>>) semaphore(%arg24 : memref<!tpu.dma_semaphore, #tpu.memory_space<semaphore_mem>>)
        %dma_start3A_32 = arith.constant 1 : i32
        %dma_start3A_33 = arith.constant 0 : i32
        %dma_start3A_34 = tpu.memref_slice %arg12[%dma_start3A_32, %dma_start3A_33] : memref<160x125xi32, #tpu.memory_space<vmem>> -> memref<1x125xi32, #tpu.memory_space<vmem>>
        %dma_start3A_35 = tpu.memref_squeeze %dma_start3A_34 : memref<1x125xi32, #tpu.memory_space<vmem>> -> memref<125xi32, #tpu.memory_space<vmem>>
        %dma_start3A_36 = arith.constant 0 : i32
        %dma_start3A_37 = arith.constant 0 : i32
        %dma_start3A_38 = tpu.memref_slice %arg11[%dma_start3A_36, %dma_start3A_37] : memref<10240x64xbf16, #tpu.memory_space<hbm>> -> memref<10240x64xbf16, #tpu.memory_space<hbm>>
        tpu.enqueue_indirect_dma source(%dma_start3A_38 : memref<10240x64xbf16, #tpu.memory_space<hbm>>) target(%arg15 : memref<125x64xbf16, #tpu.memory_space<vmem>>) offsets(%dma_start3A_35 : memref<125xi32, #tpu.memory_space<vmem>>) semaphore(%arg25 : memref<!tpu.dma_semaphore, #tpu.memory_space<semaphore_mem>>)
        %dma_start3A_39 = arith.constant 2 : i32
        %dma_start3A_40 = arith.constant 0 : i32
        %dma_start3A_41 = tpu.memref_slice %arg12[%dma_start3A_39, %dma_start3A_40] : memref<160x125xi32, #tpu.memory_space<vmem>> -> memref<1x125xi32, #tpu.memory_space<vmem>>
        %dma_start3A_42 = tpu.memref_squeeze %dma_start3A_41 : memref<1x125xi32, #tpu.memory_space<vmem>> -> memref<125xi32, #tpu.memory_space<vmem>>
        %dma_start3A_43 = arith.constant 0 : i32
        %dma_start3A_44 = arith.constant 0 : i32
        %dma_start3A_45 = tpu.memref_slice %arg11[%dma_start3A_43, %dma_start3A_44] : memref<10240x64xbf16, #tpu.memory_space<hbm>> -> memref<10240x64xbf16, #tpu.memory_space<hbm>>
        tpu.enqueue_indirect_dma source(%dma_start3A_45 : memref<10240x64xbf16, #tpu.memory_space<hbm>>) target(%arg16 : memref<125x64xbf16, #tpu.memory_space<vmem>>) offsets(%dma_start3A_42 : memref<125xi32, #tpu.memory_space<vmem>>) semaphore(%arg26 : memref<!tpu.dma_semaphore, #tpu.memory_space<semaphore_mem>>)
        %dma_start3A_46 = arith.constant 3 : i32
        %dma_start3A_47 = arith.constant 0 : i32
        %dma_start3A_48 = tpu.memref_slice %arg12[%dma_start3A_46, %dma_start3A_47] : memref<160x125xi32, #tpu.memory_space<vmem>> -> memref<1x125xi32, #tpu.memory_space<vmem>>
        %dma_start3A_49 = tpu.memref_squeeze %dma_start3A_48 : memref<1x125xi32, #tpu.memory_space<vmem>> -> memref<125xi32, #tpu.memory_space<vmem>>
        %dma_start3A_50 = arith.constant 0 : i32
        %dma_start3A_51 = arith.constant 0 : i32
        %dma_start3A_52 = tpu.memref_slice %arg11[%dma_start3A_50, %dma_start3A_51] : memref<10240x64xbf16, #tpu.memory_space<hbm>> -> memref<10240x64xbf16, #tpu.memory_space<hbm>>
        tpu.enqueue_indirect_dma source(%dma_start3A_52 : memref<10240x64xbf16, #tpu.memory_space<hbm>>) target(%arg17 : memref<125x64xbf16, #tpu.memory_space<vmem>>) offsets(%dma_start3A_49 : memref<125xi32, #tpu.memory_space<vmem>>) semaphore(%arg27 : memref<!tpu.dma_semaphore, #tpu.memory_space<semaphore_mem>>)
        %dma_start3A_53 = arith.constant 4 : i32
        %dma_start3A_54 = arith.constant 0 : i32
        %dma_start3A_55 = tpu.memref_slice %arg12[%dma_start3A_53, %dma_start3A_54] : memref<160x125xi32, #tpu.memory_space<vmem>> -> memref<1x125xi32, #tpu.memory_space<vmem>>
        %dma_start3A_56 = tpu.memref_squeeze %dma_start3A_55 : memref<1x125xi32, #tpu.memory_space<vmem>> -> memref<125xi32, #tpu.memory_space<vmem>>
        %dma_start3A_57 = arith.constant 0 : i32
        %dma_start3A_58 = arith.constant 0 : i32
        %dma_start3A_59 = tpu.memref_slice %arg11[%dma_start3A_57, %dma_start3A_58] : memref<10240x64xbf16, #tpu.memory_space<hbm>> -> memref<10240x64xbf16, #tpu.memory_space<hbm>>
        tpu.enqueue_indirect_dma source(%dma_start3A_59 : memref<10240x64xbf16, #tpu.memory_space<hbm>>) target(%arg18 : memref<125x64xbf16, #tpu.memory_space<vmem>>) offsets(%dma_start3A_56 : memref<125xi32, #tpu.memory_space<vmem>>) semaphore(%arg28 : memref<!tpu.dma_semaphore, #tpu.memory_space<semaphore_mem>>)
        %scan3A_60 = arith.constant 0 : i32
        %scan3A_61 = arith.constant 32 : i32
        %scan3A_62 = arith.addi %scan3A_60, %scan3A_61 : i32
        %scan3A_63 = arith.constant 1 : i32
        scf.for %scan3A_71 = %scan3A_60 to %scan3A_62 step %scan3A_63  : i32 {
          %mul3A_72 = arith.constant 1 : i32
          %mul3A_73 = arith.muli %scan3A_71, %mul3A_72 : i32
          %add3A_74 = arith.constant 0 : i32
          %add3A_75 = arith.addi %add3A_74, %mul3A_73 : i32
          %mul3A_76 = arith.constant 5 : i32
          %mul3A_77 = arith.muli %add3A_75, %mul3A_76 : i32
          %add3A_78 = arith.constant 0 : i32
          %add3A_79 = arith.addi %mul3A_77, %add3A_78 : i32
          %dma_wait3A = arith.constant 0 : i32
          %dma_wait3A_80 = tpu.memref_slice %arg12[%add3A_79, %dma_wait3A] : memref<160x125xi32, #tpu.memory_space<vmem>> -> memref<1x125xi32, #tpu.memory_space<vmem>>
          %dma_wait3A_81 = tpu.memref_squeeze %dma_wait3A_80 : memref<1x125xi32, #tpu.memory_space<vmem>> -> memref<125xi32, #tpu.memory_space<vmem>>
          %dma_wait3A_82 = arith.constant 0 : i32
          %dma_wait3A_83 = arith.constant 0 : i32
          %dma_wait3A_84 = tpu.memref_slice %arg11[%dma_wait3A_82, %dma_wait3A_83] : memref<10240x64xbf16, #tpu.memory_space<hbm>> -> memref<10240x64xbf16, #tpu.memory_space<hbm>>
          tpu.wait_indirect_dma semaphore(%arg24 : memref<!tpu.dma_semaphore, #tpu.memory_space<semaphore_mem>>) src(%dma_wait3A_84 : memref<10240x64xbf16, #tpu.memory_space<hbm>>) dst(%arg14 : memref<125x64xbf16, #tpu.memory_space<vmem>>)
          "tpu.region"() ({
            %run_scoped3A = tpu.sem_alloc : memref<!tpu.dma_semaphore, #tpu.memory_space<semaphore_mem>>
            %dma_start3A_149 = arith.constant 0 : i32
            %dma_start3A_150 = tpu.memref_slice %arg13[%add3A_79, %dma_start3A_149] : memref<160x125xi32, #tpu.memory_space<vmem>> -> memref<1x125xi32, #tpu.memory_space<vmem>>
            %dma_start3A_151 = tpu.memref_squeeze %dma_start3A_150 : memref<1x125xi32, #tpu.memory_space<vmem>> -> memref<125xi32, #tpu.memory_space<vmem>>
            %dma_start3A_152 = arith.constant 0 : i32
            %dma_start3A_153 = arith.constant 0 : i32
            %dma_start3A_154 = tpu.memref_slice %arg23[%dma_start3A_152, %dma_start3A_153] : memref<10240x64xbf16, #tpu.memory_space<vmem_shared>> -> memref<10240x64xbf16, #tpu.memory_space<vmem_shared>>
            tpu.enqueue_indirect_dma source(%arg14 : memref<125x64xbf16, #tpu.memory_space<vmem>>) target(%dma_start3A_154 : memref<10240x64xbf16, #tpu.memory_space<vmem_shared>>) offsets(%dma_start3A_151 : memref<125xi32, #tpu.memory_space<vmem>>) semaphore(%run_scoped3A : memref<!tpu.dma_semaphore, #tpu.memory_space<semaphore_mem>>) {add = true}
            %dma_wait3A_155 = arith.constant 0 : i32
            %dma_wait3A_156 = tpu.memref_slice %arg13[%add3A_79, %dma_wait3A_155] : memref<160x125xi32, #tpu.memory_space<vmem>> -> memref<1x125xi32, #tpu.memory_space<vmem>>
            %dma_wait3A_157 = tpu.memref_squeeze %dma_wait3A_156 : memref<1x125xi32, #tpu.memory_space<vmem>> -> memref<125xi32, #tpu.memory_space<vmem>>
            %dma_wait3A_158 = arith.constant 0 : i32
            %dma_wait3A_159 = arith.constant 0 : i32
            %dma_wait3A_160 = tpu.memref_slice %arg23[%dma_wait3A_158, %dma_wait3A_159] : memref<10240x64xbf16, #tpu.memory_space<vmem_shared>> -> memref<10240x64xbf16, #tpu.memory_space<vmem_shared>>
            tpu.wait_indirect_dma semaphore(%run_scoped3A : memref<!tpu.dma_semaphore, #tpu.memory_space<semaphore_mem>>) src(%arg14 : memref<125x64xbf16, #tpu.memory_space<vmem>>) dst(%dma_wait3A_160 : memref<10240x64xbf16, #tpu.memory_space<vmem_shared>>)
            tpu.yield
          }) : () -> ()
          %lt3A = arith.constant 155 : i32
          %lt3A_85 = arith.cmpi slt, %add3A_79, %lt3A : i32
          %convert_element_type3A_86 = arith.extui %lt3A_85 : i1 to i32
          %cond3A_87 = arith.constant 0 : i32
          %cond3A_88 = arith.cmpi ne, %convert_element_type3A_86, %cond3A_87 : i32
          scf.if %cond3A_88 {
            %add3A_149 = arith.constant 5 : i32
            %add3A_150 = arith.addi %add3A_79, %add3A_149 : i32
            %dma_start3A_151 = arith.constant 0 : i32
            %dma_start3A_152 = tpu.memref_slice %arg12[%add3A_150, %dma_start3A_151] : memref<160x125xi32, #tpu.memory_space<vmem>> -> memref<1x125xi32, #tpu.memory_space<vmem>>
            %dma_start3A_153 = tpu.memref_squeeze %dma_start3A_152 : memref<1x125xi32, #tpu.memory_space<vmem>> -> memref<125xi32, #tpu.memory_space<vmem>>
            %dma_start3A_154 = arith.constant 0 : i32
            %dma_start3A_155 = arith.constant 0 : i32
            %dma_start3A_156 = tpu.memref_slice %arg11[%dma_start3A_154, %dma_start3A_155] : memref<10240x64xbf16, #tpu.memory_space<hbm>> -> memref<10240x64xbf16, #tpu.memory_space<hbm>>
            tpu.enqueue_indirect_dma source(%dma_start3A_156 : memref<10240x64xbf16, #tpu.memory_space<hbm>>) target(%arg14 : memref<125x64xbf16, #tpu.memory_space<vmem>>) offsets(%dma_start3A_153 : memref<125xi32, #tpu.memory_space<vmem>>) semaphore(%arg24 : memref<!tpu.dma_semaphore, #tpu.memory_space<semaphore_mem>>)
          } else {
          }
          %mul3A_89 = arith.constant 5 : i32
          %mul3A_90 = arith.muli %add3A_75, %mul3A_89 : i32
          %add3A_91 = arith.constant 1 : i32
          %add3A_92 = arith.addi %mul3A_90, %add3A_91 : i32
          %dma_wait3A_93 = arith.constant 0 : i32
          %dma_wait3A_94 = tpu.memref_slice %arg12[%add3A_92, %dma_wait3A_93] : memref<160x125xi32, #tpu.memory_space<vmem>> -> memref<1x125xi32, #tpu.memory_space<vmem>>
          %dma_wait3A_95 = tpu.memref_squeeze %dma_wait3A_94 : memref<1x125xi32, #tpu.memory_space<vmem>> -> memref<125xi32, #tpu.memory_space<vmem>>
          %dma_wait3A_96 = arith.constant 0 : i32
          %dma_wait3A_97 = arith.constant 0 : i32
          %dma_wait3A_98 = tpu.memref_slice %arg11[%dma_wait3A_96, %dma_wait3A_97] : memref<10240x64xbf16, #tpu.memory_space<hbm>> -> memref<10240x64xbf16, #tpu.memory_space<hbm>>
          tpu.wait_indirect_dma semaphore(%arg25 : memref<!tpu.dma_semaphore, #tpu.memory_space<semaphore_mem>>) src(%dma_wait3A_98 : memref<10240x64xbf16, #tpu.memory_space<hbm>>) dst(%arg15 : memref<125x64xbf16, #tpu.memory_space<vmem>>)
          "tpu.region"() ({
            %run_scoped3A = tpu.sem_alloc : memref<!tpu.dma_semaphore, #tpu.memory_space<semaphore_mem>>
            %dma_start3A_149 = arith.constant 0 : i32
            %dma_start3A_150 = tpu.memref_slice %arg13[%add3A_92, %dma_start3A_149] : memref<160x125xi32, #tpu.memory_space<vmem>> -> memref<1x125xi32, #tpu.memory_space<vmem>>
            %dma_start3A_151 = tpu.memref_squeeze %dma_start3A_150 : memref<1x125xi32, #tpu.memory_space<vmem>> -> memref<125xi32, #tpu.memory_space<vmem>>
            %dma_start3A_152 = arith.constant 0 : i32
            %dma_start3A_153 = arith.constant 0 : i32
            %dma_start3A_154 = tpu.memref_slice %arg23[%dma_start3A_152, %dma_start3A_153] : memref<10240x64xbf16, #tpu.memory_space<vmem_shared>> -> memref<10240x64xbf16, #tpu.memory_space<vmem_shared>>
            tpu.enqueue_indirect_dma source(%arg15 : memref<125x64xbf16, #tpu.memory_space<vmem>>) target(%dma_start3A_154 : memref<10240x64xbf16, #tpu.memory_space<vmem_shared>>) offsets(%dma_start3A_151 : memref<125xi32, #tpu.memory_space<vmem>>) semaphore(%run_scoped3A : memref<!tpu.dma_semaphore, #tpu.memory_space<semaphore_mem>>) {add = true}
            %dma_wait3A_155 = arith.constant 0 : i32
            %dma_wait3A_156 = tpu.memref_slice %arg13[%add3A_92, %dma_wait3A_155] : memref<160x125xi32, #tpu.memory_space<vmem>> -> memref<1x125xi32, #tpu.memory_space<vmem>>
            %dma_wait3A_157 = tpu.memref_squeeze %dma_wait3A_156 : memref<1x125xi32, #tpu.memory_space<vmem>> -> memref<125xi32, #tpu.memory_space<vmem>>
            %dma_wait3A_158 = arith.constant 0 : i32
            %dma_wait3A_159 = arith.constant 0 : i32
            %dma_wait3A_160 = tpu.memref_slice %arg23[%dma_wait3A_158, %dma_wait3A_159] : memref<10240x64xbf16, #tpu.memory_space<vmem_shared>> -> memref<10240x64xbf16, #tpu.memory_space<vmem_shared>>
            tpu.wait_indirect_dma semaphore(%run_scoped3A : memref<!tpu.dma_semaphore, #tpu.memory_space<semaphore_mem>>) src(%arg15 : memref<125x64xbf16, #tpu.memory_space<vmem>>) dst(%dma_wait3A_160 : memref<10240x64xbf16, #tpu.memory_space<vmem_shared>>)
            tpu.yield
          }) : () -> ()
          %lt3A_99 = arith.constant 155 : i32
          %lt3A_100 = arith.cmpi slt, %add3A_92, %lt3A_99 : i32
          %convert_element_type3A_101 = arith.extui %lt3A_100 : i1 to i32
          %cond3A_102 = arith.constant 0 : i32
          %cond3A_103 = arith.cmpi ne, %convert_element_type3A_101, %cond3A_102 : i32
          scf.if %cond3A_103 {
            %add3A_149 = arith.constant 5 : i32
            %add3A_150 = arith.addi %add3A_92, %add3A_149 : i32
            %dma_start3A_151 = arith.constant 0 : i32
            %dma_start3A_152 = tpu.memref_slice %arg12[%add3A_150, %dma_start3A_151] : memref<160x125xi32, #tpu.memory_space<vmem>> -> memref<1x125xi32, #tpu.memory_space<vmem>>
            %dma_start3A_153 = tpu.memref_squeeze %dma_start3A_152 : memref<1x125xi32, #tpu.memory_space<vmem>> -> memref<125xi32, #tpu.memory_space<vmem>>
            %dma_start3A_154 = arith.constant 0 : i32
            %dma_start3A_155 = arith.constant 0 : i32
            %dma_start3A_156 = tpu.memref_slice %arg11[%dma_start3A_154, %dma_start3A_155] : memref<10240x64xbf16, #tpu.memory_space<hbm>> -> memref<10240x64xbf16, #tpu.memory_space<hbm>>
            tpu.enqueue_indirect_dma source(%dma_start3A_156 : memref<10240x64xbf16, #tpu.memory_space<hbm>>) target(%arg15 : memref<125x64xbf16, #tpu.memory_space<vmem>>) offsets(%dma_start3A_153 : memref<125xi32, #tpu.memory_space<vmem>>) semaphore(%arg25 : memref<!tpu.dma_semaphore, #tpu.memory_space<semaphore_mem>>)
          } else {
          }
          %mul3A_104 = arith.constant 5 : i32
          %mul3A_105 = arith.muli %add3A_75, %mul3A_104 : i32
          %add3A_106 = arith.constant 2 : i32
          %add3A_107 = arith.addi %mul3A_105, %add3A_106 : i32
          %dma_wait3A_108 = arith.constant 0 : i32
          %dma_wait3A_109 = tpu.memref_slice %arg12[%add3A_107, %dma_wait3A_108] : memref<160x125xi32, #tpu.memory_space<vmem>> -> memref<1x125xi32, #tpu.memory_space<vmem>>
          %dma_wait3A_110 = tpu.memref_squeeze %dma_wait3A_109 : memref<1x125xi32, #tpu.memory_space<vmem>> -> memref<125xi32, #tpu.memory_space<vmem>>
          %dma_wait3A_111 = arith.constant 0 : i32
          %dma_wait3A_112 = arith.constant 0 : i32
          %dma_wait3A_113 = tpu.memref_slice %arg11[%dma_wait3A_111, %dma_wait3A_112] : memref<10240x64xbf16, #tpu.memory_space<hbm>> -> memref<10240x64xbf16, #tpu.memory_space<hbm>>
          tpu.wait_indirect_dma semaphore(%arg26 : memref<!tpu.dma_semaphore, #tpu.memory_space<semaphore_mem>>) src(%dma_wait3A_113 : memref<10240x64xbf16, #tpu.memory_space<hbm>>) dst(%arg16 : memref<125x64xbf16, #tpu.memory_space<vmem>>)
          "tpu.region"() ({
            %run_scoped3A = tpu.sem_alloc : memref<!tpu.dma_semaphore, #tpu.memory_space<semaphore_mem>>
            %dma_start3A_149 = arith.constant 0 : i32
            %dma_start3A_150 = tpu.memref_slice %arg13[%add3A_107, %dma_start3A_149] : memref<160x125xi32, #tpu.memory_space<vmem>> -> memref<1x125xi32, #tpu.memory_space<vmem>>
            %dma_start3A_151 = tpu.memref_squeeze %dma_start3A_150 : memref<1x125xi32, #tpu.memory_space<vmem>> -> memref<125xi32, #tpu.memory_space<vmem>>
            %dma_start3A_152 = arith.constant 0 : i32
            %dma_start3A_153 = arith.constant 0 : i32
            %dma_start3A_154 = tpu.memref_slice %arg23[%dma_start3A_152, %dma_start3A_153] : memref<10240x64xbf16, #tpu.memory_space<vmem_shared>> -> memref<10240x64xbf16, #tpu.memory_space<vmem_shared>>
            tpu.enqueue_indirect_dma source(%arg16 : memref<125x64xbf16, #tpu.memory_space<vmem>>) target(%dma_start3A_154 : memref<10240x64xbf16, #tpu.memory_space<vmem_shared>>) offsets(%dma_start3A_151 : memref<125xi32, #tpu.memory_space<vmem>>) semaphore(%run_scoped3A : memref<!tpu.dma_semaphore, #tpu.memory_space<semaphore_mem>>) {add = true}
            %dma_wait3A_155 = arith.constant 0 : i32
            %dma_wait3A_156 = tpu.memref_slice %arg13[%add3A_107, %dma_wait3A_155] : memref<160x125xi32, #tpu.memory_space<vmem>> -> memref<1x125xi32, #tpu.memory_space<vmem>>
            %dma_wait3A_157 = tpu.memref_squeeze %dma_wait3A_156 : memref<1x125xi32, #tpu.memory_space<vmem>> -> memref<125xi32, #tpu.memory_space<vmem>>
            %dma_wait3A_158 = arith.constant 0 : i32
            %dma_wait3A_159 = arith.constant 0 : i32
            %dma_wait3A_160 = tpu.memref_slice %arg23[%dma_wait3A_158, %dma_wait3A_159] : memref<10240x64xbf16, #tpu.memory_space<vmem_shared>> -> memref<10240x64xbf16, #tpu.memory_space<vmem_shared>>
            tpu.wait_indirect_dma semaphore(%run_scoped3A : memref<!tpu.dma_semaphore, #tpu.memory_space<semaphore_mem>>) src(%arg16 : memref<125x64xbf16, #tpu.memory_space<vmem>>) dst(%dma_wait3A_160 : memref<10240x64xbf16, #tpu.memory_space<vmem_shared>>)
            tpu.yield
          }) : () -> ()
          %lt3A_114 = arith.constant 155 : i32
          %lt3A_115 = arith.cmpi slt, %add3A_107, %lt3A_114 : i32
          %convert_element_type3A_116 = arith.extui %lt3A_115 : i1 to i32
          %cond3A_117 = arith.constant 0 : i32
          %cond3A_118 = arith.cmpi ne, %convert_element_type3A_116, %cond3A_117 : i32
          scf.if %cond3A_118 {
            %add3A_149 = arith.constant 5 : i32
            %add3A_150 = arith.addi %add3A_107, %add3A_149 : i32
            %dma_start3A_151 = arith.constant 0 : i32
            %dma_start3A_152 = tpu.memref_slice %arg12[%add3A_150, %dma_start3A_151] : memref<160x125xi32, #tpu.memory_space<vmem>> -> memref<1x125xi32, #tpu.memory_space<vmem>>
            %dma_start3A_153 = tpu.memref_squeeze %dma_start3A_152 : memref<1x125xi32, #tpu.memory_space<vmem>> -> memref<125xi32, #tpu.memory_space<vmem>>
            %dma_start3A_154 = arith.constant 0 : i32
            %dma_start3A_155 = arith.constant 0 : i32
            %dma_start3A_156 = tpu.memref_slice %arg11[%dma_start3A_154, %dma_start3A_155] : memref<10240x64xbf16, #tpu.memory_space<hbm>> -> memref<10240x64xbf16, #tpu.memory_space<hbm>>
            tpu.enqueue_indirect_dma source(%dma_start3A_156 : memref<10240x64xbf16, #tpu.memory_space<hbm>>) target(%arg16 : memref<125x64xbf16, #tpu.memory_space<vmem>>) offsets(%dma_start3A_153 : memref<125xi32, #tpu.memory_space<vmem>>) semaphore(%arg26 : memref<!tpu.dma_semaphore, #tpu.memory_space<semaphore_mem>>)
          } else {
          }
          %mul3A_119 = arith.constant 5 : i32
          %mul3A_120 = arith.muli %add3A_75, %mul3A_119 : i32
          %add3A_121 = arith.constant 3 : i32
          %add3A_122 = arith.addi %mul3A_120, %add3A_121 : i32
          %dma_wait3A_123 = arith.constant 0 : i32
          %dma_wait3A_124 = tpu.memref_slice %arg12[%add3A_122, %dma_wait3A_123] : memref<160x125xi32, #tpu.memory_space<vmem>> -> memref<1x125xi32, #tpu.memory_space<vmem>>
          %dma_wait3A_125 = tpu.memref_squeeze %dma_wait3A_124 : memref<1x125xi32, #tpu.memory_space<vmem>> -> memref<125xi32, #tpu.memory_space<vmem>>
          %dma_wait3A_126 = arith.constant 0 : i32
          %dma_wait3A_127 = arith.constant 0 : i32
          %dma_wait3A_128 = tpu.memref_slice %arg11[%dma_wait3A_126, %dma_wait3A_127] : memref<10240x64xbf16, #tpu.memory_space<hbm>> -> memref<10240x64xbf16, #tpu.memory_space<hbm>>
          tpu.wait_indirect_dma semaphore(%arg27 : memref<!tpu.dma_semaphore, #tpu.memory_space<semaphore_mem>>) src(%dma_wait3A_128 : memref<10240x64xbf16, #tpu.memory_space<hbm>>) dst(%arg17 : memref<125x64xbf16, #tpu.memory_space<vmem>>)
          "tpu.region"() ({
            %run_scoped3A = tpu.sem_alloc : memref<!tpu.dma_semaphore, #tpu.memory_space<semaphore_mem>>
            %dma_start3A_149 = arith.constant 0 : i32
            %dma_start3A_150 = tpu.memref_slice %arg13[%add3A_122, %dma_start3A_149] : memref<160x125xi32, #tpu.memory_space<vmem>> -> memref<1x125xi32, #tpu.memory_space<vmem>>
            %dma_start3A_151 = tpu.memref_squeeze %dma_start3A_150 : memref<1x125xi32, #tpu.memory_space<vmem>> -> memref<125xi32, #tpu.memory_space<vmem>>
            %dma_start3A_152 = arith.constant 0 : i32
            %dma_start3A_153 = arith.constant 0 : i32
            %dma_start3A_154 = tpu.memref_slice %arg23[%dma_start3A_152, %dma_start3A_153] : memref<10240x64xbf16, #tpu.memory_space<vmem_shared>> -> memref<10240x64xbf16, #tpu.memory_space<vmem_shared>>
            tpu.enqueue_indirect_dma source(%arg17 : memref<125x64xbf16, #tpu.memory_space<vmem>>) target(%dma_start3A_154 : memref<10240x64xbf16, #tpu.memory_space<vmem_shared>>) offsets(%dma_start3A_151 : memref<125xi32, #tpu.memory_space<vmem>>) semaphore(%run_scoped3A : memref<!tpu.dma_semaphore, #tpu.memory_space<semaphore_mem>>) {add = true}
            %dma_wait3A_155 = arith.constant 0 : i32
            %dma_wait3A_156 = tpu.memref_slice %arg13[%add3A_122, %dma_wait3A_155] : memref<160x125xi32, #tpu.memory_space<vmem>> -> memref<1x125xi32, #tpu.memory_space<vmem>>
            %dma_wait3A_157 = tpu.memref_squeeze %dma_wait3A_156 : memref<1x125xi32, #tpu.memory_space<vmem>> -> memref<125xi32, #tpu.memory_space<vmem>>
            %dma_wait3A_158 = arith.constant 0 : i32
            %dma_wait3A_159 = arith.constant 0 : i32
            %dma_wait3A_160 = tpu.memref_slice %arg23[%dma_wait3A_158, %dma_wait3A_159] : memref<10240x64xbf16, #tpu.memory_space<vmem_shared>> -> memref<10240x64xbf16, #tpu.memory_space<vmem_shared>>
            tpu.wait_indirect_dma semaphore(%run_scoped3A : memref<!tpu.dma_semaphore, #tpu.memory_space<semaphore_mem>>) src(%arg17 : memref<125x64xbf16, #tpu.memory_space<vmem>>) dst(%dma_wait3A_160 : memref<10240x64xbf16, #tpu.memory_space<vmem_shared>>)
            tpu.yield
          }) : () -> ()
          %lt3A_129 = arith.constant 155 : i32
          %lt3A_130 = arith.cmpi slt, %add3A_122, %lt3A_129 : i32
          %convert_element_type3A_131 = arith.extui %lt3A_130 : i1 to i32
          %cond3A_132 = arith.constant 0 : i32
          %cond3A_133 = arith.cmpi ne, %convert_element_type3A_131, %cond3A_132 : i32
          scf.if %cond3A_133 {
            %add3A_149 = arith.constant 5 : i32
            %add3A_150 = arith.addi %add3A_122, %add3A_149 : i32
            %dma_start3A_151 = arith.constant 0 : i32
            %dma_start3A_152 = tpu.memref_slice %arg12[%add3A_150, %dma_start3A_151] : memref<160x125xi32, #tpu.memory_space<vmem>> -> memref<1x125xi32, #tpu.memory_space<vmem>>
            %dma_start3A_153 = tpu.memref_squeeze %dma_start3A_152 : memref<1x125xi32, #tpu.memory_space<vmem>> -> memref<125xi32, #tpu.memory_space<vmem>>
            %dma_start3A_154 = arith.constant 0 : i32
            %dma_start3A_155 = arith.constant 0 : i32
            %dma_start3A_156 = tpu.memref_slice %arg11[%dma_start3A_154, %dma_start3A_155] : memref<10240x64xbf16, #tpu.memory_space<hbm>> -> memref<10240x64xbf16, #tpu.memory_space<hbm>>
            tpu.enqueue_indirect_dma source(%dma_start3A_156 : memref<10240x64xbf16, #tpu.memory_space<hbm>>) target(%arg17 : memref<125x64xbf16, #tpu.memory_space<vmem>>) offsets(%dma_start3A_153 : memref<125xi32, #tpu.memory_space<vmem>>) semaphore(%arg27 : memref<!tpu.dma_semaphore, #tpu.memory_space<semaphore_mem>>)
          } else {
          }
          %mul3A_134 = arith.constant 5 : i32
          %mul3A_135 = arith.muli %add3A_75, %mul3A_134 : i32
          %add3A_136 = arith.constant 4 : i32
          %add3A_137 = arith.addi %mul3A_135, %add3A_136 : i32
          %dma_wait3A_138 = arith.constant 0 : i32
          %dma_wait3A_139 = tpu.memref_slice %arg12[%add3A_137, %dma_wait3A_138] : memref<160x125xi32, #tpu.memory_space<vmem>> -> memref<1x125xi32, #tpu.memory_space<vmem>>
          %dma_wait3A_140 = tpu.memref_squeeze %dma_wait3A_139 : memref<1x125xi32, #tpu.memory_space<vmem>> -> memref<125xi32, #tpu.memory_space<vmem>>
          %dma_wait3A_141 = arith.constant 0 : i32
          %dma_wait3A_142 = arith.constant 0 : i32
          %dma_wait3A_143 = tpu.memref_slice %arg11[%dma_wait3A_141, %dma_wait3A_142] : memref<10240x64xbf16, #tpu.memory_space<hbm>> -> memref<10240x64xbf16, #tpu.memory_space<hbm>>
          tpu.wait_indirect_dma semaphore(%arg28 : memref<!tpu.dma_semaphore, #tpu.memory_space<semaphore_mem>>) src(%dma_wait3A_143 : memref<10240x64xbf16, #tpu.memory_space<hbm>>) dst(%arg18 : memref<125x64xbf16, #tpu.memory_space<vmem>>)
          "tpu.region"() ({
            %run_scoped3A = tpu.sem_alloc : memref<!tpu.dma_semaphore, #tpu.memory_space<semaphore_mem>>
            %dma_start3A_149 = arith.constant 0 : i32
            %dma_start3A_150 = tpu.memref_slice %arg13[%add3A_137, %dma_start3A_149] : memref<160x125xi32, #tpu.memory_space<vmem>> -> memref<1x125xi32, #tpu.memory_space<vmem>>
            %dma_start3A_151 = tpu.memref_squeeze %dma_start3A_150 : memref<1x125xi32, #tpu.memory_space<vmem>> -> memref<125xi32, #tpu.memory_space<vmem>>
            %dma_start3A_152 = arith.constant 0 : i32
            %dma_start3A_153 = arith.constant 0 : i32
            %dma_start3A_154 = tpu.memref_slice %arg23[%dma_start3A_152, %dma_start3A_153] : memref<10240x64xbf16, #tpu.memory_space<vmem_shared>> -> memref<10240x64xbf16, #tpu.memory_space<vmem_shared>>
            tpu.enqueue_indirect_dma source(%arg18 : memref<125x64xbf16, #tpu.memory_space<vmem>>) target(%dma_start3A_154 : memref<10240x64xbf16, #tpu.memory_space<vmem_shared>>) offsets(%dma_start3A_151 : memref<125xi32, #tpu.memory_space<vmem>>) semaphore(%run_scoped3A : memref<!tpu.dma_semaphore, #tpu.memory_space<semaphore_mem>>) {add = true}
            %dma_wait3A_155 = arith.constant 0 : i32
            %dma_wait3A_156 = tpu.memref_slice %arg13[%add3A_137, %dma_wait3A_155] : memref<160x125xi32, #tpu.memory_space<vmem>> -> memref<1x125xi32, #tpu.memory_space<vmem>>
            %dma_wait3A_157 = tpu.memref_squeeze %dma_wait3A_156 : memref<1x125xi32, #tpu.memory_space<vmem>> -> memref<125xi32, #tpu.memory_space<vmem>>
            %dma_wait3A_158 = arith.constant 0 : i32
            %dma_wait3A_159 = arith.constant 0 : i32
            %dma_wait3A_160 = tpu.memref_slice %arg23[%dma_wait3A_158, %dma_wait3A_159] : memref<10240x64xbf16, #tpu.memory_space<vmem_shared>> -> memref<10240x64xbf16, #tpu.memory_space<vmem_shared>>
            tpu.wait_indirect_dma semaphore(%run_scoped3A : memref<!tpu.dma_semaphore, #tpu.memory_space<semaphore_mem>>) src(%arg18 : memref<125x64xbf16, #tpu.memory_space<vmem>>) dst(%dma_wait3A_160 : memref<10240x64xbf16, #tpu.memory_space<vmem_shared>>)
            tpu.yield
          }) : () -> ()
          %lt3A_144 = arith.constant 155 : i32
          %lt3A_145 = arith.cmpi slt, %add3A_137, %lt3A_144 : i32
          %convert_element_type3A_146 = arith.extui %lt3A_145 : i1 to i32
          %cond3A_147 = arith.constant 0 : i32
          %cond3A_148 = arith.cmpi ne, %convert_element_type3A_146, %cond3A_147 : i32
          scf.if %cond3A_148 {
            %add3A_149 = arith.constant 5 : i32
            %add3A_150 = arith.addi %add3A_137, %add3A_149 : i32
            %dma_start3A_151 = arith.constant 0 : i32
            %dma_start3A_152 = tpu.memref_slice %arg12[%add3A_150, %dma_start3A_151] : memref<160x125xi32, #tpu.memory_space<vmem>> -> memref<1x125xi32, #tpu.memory_space<vmem>>
            %dma_start3A_153 = tpu.memref_squeeze %dma_start3A_152 : memref<1x125xi32, #tpu.memory_space<vmem>> -> memref<125xi32, #tpu.memory_space<vmem>>
            %dma_start3A_154 = arith.constant 0 : i32
            %dma_start3A_155 = arith.constant 0 : i32
            %dma_start3A_156 = tpu.memref_slice %arg11[%dma_start3A_154, %dma_start3A_155] : memref<10240x64xbf16, #tpu.memory_space<hbm>> -> memref<10240x64xbf16, #tpu.memory_space<hbm>>
            tpu.enqueue_indirect_dma source(%dma_start3A_156 : memref<10240x64xbf16, #tpu.memory_space<hbm>>) target(%arg18 : memref<125x64xbf16, #tpu.memory_space<vmem>>) offsets(%dma_start3A_153 : memref<125xi32, #tpu.memory_space<vmem>>) semaphore(%arg28 : memref<!tpu.dma_semaphore, #tpu.memory_space<semaphore_mem>>)
          } else {
          }
        }
        %scan3A_64 = arith.constant 32 : i32
        %barrier3A_65 = arith.constant 0 : index
        tpu.barrier barrier_id(%barrier3A_65)
        %scan3A_66 = arith.constant 0 : i32
        %scan3A_67 = arith.constant 5 : i32
        %scan3A_68 = arith.addi %scan3A_66, %scan3A_67 : i32
        %scan3A_69 = arith.constant 1 : i32
        scf.for %scan3A_71 = %scan3A_66 to %scan3A_68 step %scan3A_69  : i32 {
          %mul3A_72 = arith.constant 1 : i32
          %mul3A_73 = arith.muli %scan3A_71, %mul3A_72 : i32
          %add3A_74 = arith.constant 0 : i32
          %add3A_75 = arith.addi %add3A_74, %mul3A_73 : i32
          %mul3A_76 = arith.constant 128 : i32
          %mul3A_77 = arith.muli %add3A_75, %mul3A_76 : i32
          %add3A_78 = arith.addi %mul3A_0, %mul3A_77 : i32
          "tpu.region"() ({
            %run_scoped3A = tpu.sem_alloc : memref<!tpu.dma_semaphore, #tpu.memory_space<semaphore_mem>>
            %dma_start3A_84 = arith.constant 0 : i32
            %dma_start3A_85 = tpu.memref_slice %arg23[%add3A_78, %dma_start3A_84] : memref<10240x64xbf16, #tpu.memory_space<vmem_shared>> -> memref<128x64xbf16, #tpu.memory_space<vmem_shared>>
            %dma_start3A_86 = arith.constant 0 : i32
            %dma_start3A_87 = tpu.memref_slice %arg23[%add3A_78, %dma_start3A_86] : memref<10240x64xbf16, #tpu.memory_space<vmem_shared>> -> memref<128x64xbf16, #tpu.memory_space<vmem_shared>>
            tpu.enqueue_dma source(%dma_start3A_87 : memref<128x64xbf16, #tpu.memory_space<vmem_shared>>) target(%arg21 : memref<128x64xbf16, #tpu.memory_space<vmem>>) target_semaphore(%run_scoped3A : memref<!tpu.dma_semaphore, #tpu.memory_space<semaphore_mem>>)
            %dma_wait3A = arith.constant 0 : i32
            %dma_wait3A_88 = tpu.memref_slice %arg23[%add3A_78, %dma_wait3A] : memref<10240x64xbf16, #tpu.memory_space<vmem_shared>> -> memref<128x64xbf16, #tpu.memory_space<vmem_shared>>
            %dma_wait3A_89 = arith.constant 0 : i32
            %dma_wait3A_90 = tpu.memref_slice %arg23[%add3A_78, %dma_wait3A_89] : memref<10240x64xbf16, #tpu.memory_space<vmem_shared>> -> memref<128x64xbf16, #tpu.memory_space<vmem_shared>>
            tpu.wait_dma2 semaphore(%run_scoped3A : memref<!tpu.dma_semaphore, #tpu.memory_space<semaphore_mem>>) src(%dma_wait3A_90 : memref<128x64xbf16, #tpu.memory_space<vmem_shared>>) dst(%arg21 : memref<128x64xbf16, #tpu.memory_space<vmem>>)
            tpu.yield
          }) : () -> ()
          "tpu.region"() ({
            %run_scoped3A = tpu.sem_alloc : memref<!tpu.dma_semaphore, #tpu.memory_space<semaphore_mem>>
            %dma_start3A_84 = arith.constant 0 : i32
            %dma_start3A_85 = tpu.memref_slice %arg3[%add3A_78, %dma_start3A_84] : memref<10240x64xbf16, #tpu.memory_space<hbm>> -> memref<128x64xbf16, #tpu.memory_space<hbm>>
            %dma_start3A_86 = arith.constant 0 : i32
            %dma_start3A_87 = tpu.memref_slice %arg3[%add3A_78, %dma_start3A_86] : memref<10240x64xbf16, #tpu.memory_space<hbm>> -> memref<128x64xbf16, #tpu.memory_space<hbm>>
            tpu.enqueue_dma source(%dma_start3A_87 : memref<128x64xbf16, #tpu.memory_space<hbm>>) target(%arg20 : memref<128x64xbf16, #tpu.memory_space<vmem>>) target_semaphore(%run_scoped3A : memref<!tpu.dma_semaphore, #tpu.memory_space<semaphore_mem>>)
            %dma_wait3A = arith.constant 0 : i32
            %dma_wait3A_88 = tpu.memref_slice %arg3[%add3A_78, %dma_wait3A] : memref<10240x64xbf16, #tpu.memory_space<hbm>> -> memref<128x64xbf16, #tpu.memory_space<hbm>>
            %dma_wait3A_89 = arith.constant 0 : i32
            %dma_wait3A_90 = tpu.memref_slice %arg3[%add3A_78, %dma_wait3A_89] : memref<10240x64xbf16, #tpu.memory_space<hbm>> -> memref<128x64xbf16, #tpu.memory_space<hbm>>
            tpu.wait_dma2 semaphore(%run_scoped3A : memref<!tpu.dma_semaphore, #tpu.memory_space<semaphore_mem>>) src(%dma_wait3A_90 : memref<128x64xbf16, #tpu.memory_space<hbm>>) dst(%arg20 : memref<128x64xbf16, #tpu.memory_space<vmem>>)
            tpu.yield
          }) : () -> ()
          %scan3A_79 = arith.constant 0 : i32
          %scan3A_80 = arith.constant 128 : i32
          %scan3A_81 = arith.addi %scan3A_79, %scan3A_80 : i32
          %scan3A_82 = arith.constant 1 : i32
          scf.for %scan3A_84 = %scan3A_79 to %scan3A_81 step %scan3A_82  : i32 {
            %mul3A_85 = arith.constant 1 : i32
            %mul3A_86 = arith.muli %scan3A_84, %mul3A_85 : i32
            %add3A_87 = arith.constant 0 : i32
            %add3A_88 = arith.addi %add3A_87, %mul3A_86 : i32
            %mul3A_89 = arith.constant 128 : i32
            %mul3A_90 = arith.muli %add3A_75, %mul3A_89 : i32
            %add3A_91 = arith.addi %mul3A_90, %add3A_88 : i32
            %get3A = arith.index_cast %add3A_91 : i32 to index
            %get3A_92 = arith.constant 0 : index
            %get3A_93 = tpu.vector_load %arg22[%get3A, %get3A_92] {strides = array<i32>} : memref<640x64xbf16, #tpu.memory_space<vmem>>, vector<32xbf16>,
            %get3A_94 = arith.index_cast %add3A_88 : i32 to index
            %get3A_95 = arith.constant 0 : index
            %get3A_96 = tpu.vector_load %arg21[%get3A_94, %get3A_95] {strides = array<i32>} : memref<128x64xbf16, #tpu.memory_space<vmem>>, vector<32xbf16>,
            %get3A_97 = arith.index_cast %add3A_91 : i32 to index
            %get3A_98 = arith.constant 0 : index
            %get3A_99 = tpu.vector_load %arg19[%get3A_97, %get3A_98] {strides = array<i32>} : memref<640x64xbf16, #tpu.memory_space<vmem>>, vector<32xbf16>,
            %add3A_100 = arith.addf %get3A_96, %get3A_99 : vector<32xbf16>
            %mul3A_101 = arith.mulf %get3A_93, %add3A_100 : vector<32xbf16>
            %get3A_102 = arith.index_cast %add3A_88 : i32 to index
            %get3A_103 = arith.constant 0 : index
            %get3A_104 = tpu.vector_load %arg20[%get3A_102, %get3A_103] {strides = array<i32>} : memref<128x64xbf16, #tpu.memory_space<vmem>>, vector<32xbf16>,
            %add3A_105 = arith.addf %mul3A_101, %get3A_104 : vector<32xbf16>
            %swap3A = arith.index_cast %add3A_91 : i32 to index
            %swap3A_106 = arith.constant 0 : index
            %swap3A_107 = tpu.vector_load %arg19[%swap3A, %swap3A_106] {strides = array<i32>} : memref<640x64xbf16, #tpu.memory_space<vmem>>, vector<32xbf16>,
            tpu.vector_store %arg19[%swap3A, %swap3A_106], %add3A_105 {strides = array<i32>} : memref<640x64xbf16, #tpu.memory_space<vmem>>, vector<32xbf16>,
            %get3A_108 = arith.index_cast %add3A_91 : i32 to index
            %get3A_109 = arith.constant 32 : index
            %get3A_110 = tpu.vector_load %arg22[%get3A_108, %get3A_109] {strides = array<i32>} : memref<640x64xbf16, #tpu.memory_space<vmem>>, vector<32xbf16>,
            %get3A_111 = arith.index_cast %add3A_88 : i32 to index
            %get3A_112 = arith.constant 32 : index
            %get3A_113 = tpu.vector_load %arg21[%get3A_111, %get3A_112] {strides = array<i32>} : memref<128x64xbf16, #tpu.memory_space<vmem>>, vector<32xbf16>,
            %get3A_114 = arith.index_cast %add3A_91 : i32 to index
            %get3A_115 = arith.constant 32 : index
            %get3A_116 = tpu.vector_load %arg19[%get3A_114, %get3A_115] {strides = array<i32>} : memref<640x64xbf16, #tpu.memory_space<vmem>>, vector<32xbf16>,
            %add3A_117 = arith.addf %get3A_113, %get3A_116 : vector<32xbf16>
            %mul3A_118 = arith.mulf %get3A_110, %add3A_117 : vector<32xbf16>
            %get3A_119 = arith.index_cast %add3A_88 : i32 to index
            %get3A_120 = arith.constant 32 : index
            %get3A_121 = tpu.vector_load %arg20[%get3A_119, %get3A_120] {strides = array<i32>} : memref<128x64xbf16, #tpu.memory_space<vmem>>, vector<32xbf16>,
            %add3A_122 = arith.addf %mul3A_118, %get3A_121 : vector<32xbf16>
            %swap3A_123 = arith.index_cast %add3A_91 : i32 to index
            %swap3A_124 = arith.constant 32 : index
            %swap3A_125 = tpu.vector_load %arg19[%swap3A_123, %swap3A_124] {strides = array<i32>} : memref<640x64xbf16, #tpu.memory_space<vmem>>, vector<32xbf16>,
            tpu.vector_store %arg19[%swap3A_123, %swap3A_124], %add3A_122 {strides = array<i32>} : memref<640x64xbf16, #tpu.memory_space<vmem>>, vector<32xbf16>,
          }
          %scan3A_83 = arith.constant 128 : i32
        }
        %scan3A_70 = arith.constant 5 : i32
        "tpu.region"() ({
          %run_scoped3A = tpu.sem_alloc : memref<!tpu.dma_semaphore, #tpu.memory_space<semaphore_mem>>
          %dma_start3A_71 = arith.constant 0 : i32
          %dma_start3A_72 = tpu.memref_slice %arg11[%mul3A_0, %dma_start3A_71] : memref<10240x64xbf16, #tpu.memory_space<hbm>> -> memref<640x64xbf16, #tpu.memory_space<hbm>>
          %dma_start3A_73 = arith.constant 0 : i32
          %dma_start3A_74 = tpu.memref_slice %arg11[%mul3A_0, %dma_start3A_73] : memref<10240x64xbf16, #tpu.memory_space<hbm>> -> memref<640x64xbf16, #tpu.memory_space<hbm>>
          tpu.enqueue_dma source(%arg19 : memref<640x64xbf16, #tpu.memory_space<vmem>>) target(%dma_start3A_74 : memref<640x64xbf16, #tpu.memory_space<hbm>>) target_semaphore(%run_scoped3A : memref<!tpu.dma_semaphore, #tpu.memory_space<semaphore_mem>>)
          %dma_wait3A = arith.constant 0 : i32
          %dma_wait3A_75 = tpu.memref_slice %arg11[%mul3A_0, %dma_wait3A] : memref<10240x64xbf16, #tpu.memory_space<hbm>> -> memref<640x64xbf16, #tpu.memory_space<hbm>>
          %dma_wait3A_76 = arith.constant 0 : i32
          %dma_wait3A_77 = tpu.memref_slice %arg11[%mul3A_0, %dma_wait3A_76] : memref<10240x64xbf16, #tpu.memory_space<hbm>> -> memref<640x64xbf16, #tpu.memory_space<hbm>>
          tpu.wait_dma2 semaphore(%run_scoped3A : memref<!tpu.dma_semaphore, #tpu.memory_space<semaphore_mem>>) src(%arg19 : memref<640x64xbf16, #tpu.memory_space<vmem>>) dst(%dma_wait3A_77 : memref<640x64xbf16, #tpu.memory_space<hbm>>)
          tpu.yield
        }) : () -> ()
      }
      %scan3A_16 = arith.constant 5 : i32
      "tpu.region"() ({
        %run_scoped3A = tpu.sem_alloc : memref<!tpu.dma_semaphore, #tpu.memory_space<semaphore_mem>>
        %dma_start3A = arith.constant 0 : i32
        %dma_start3A_17 = tpu.memref_slice %arg9[%mul3A_0, %dma_start3A] : memref<10240x64xbf16, #tpu.memory_space<hbm>> -> memref<640x64xbf16, #tpu.memory_space<hbm>>
        %dma_start3A_18 = arith.constant 0 : i32
        %dma_start3A_19 = tpu.memref_slice %arg9[%mul3A_0, %dma_start3A_18] : memref<10240x64xbf16, #tpu.memory_space<hbm>> -> memref<640x64xbf16, #tpu.memory_space<hbm>>
        tpu.enqueue_dma source(%arg19 : memref<640x64xbf16, #tpu.memory_space<vmem>>) target(%dma_start3A_19 : memref<640x64xbf16, #tpu.memory_space<hbm>>) target_semaphore(%run_scoped3A : memref<!tpu.dma_semaphore, #tpu.memory_space<semaphore_mem>>)
        %dma_wait3A = arith.constant 0 : i32
        %dma_wait3A_20 = tpu.memref_slice %arg9[%mul3A_0, %dma_wait3A] : memref<10240x64xbf16, #tpu.memory_space<hbm>> -> memref<640x64xbf16, #tpu.memory_space<hbm>>
        %dma_wait3A_21 = arith.constant 0 : i32
        %dma_wait3A_22 = tpu.memref_slice %arg9[%mul3A_0, %dma_wait3A_21] : memref<10240x64xbf16, #tpu.memory_space<hbm>> -> memref<640x64xbf16, #tpu.memory_space<hbm>>
        tpu.wait_dma2 semaphore(%run_scoped3A : memref<!tpu.dma_semaphore, #tpu.memory_space<semaphore_mem>>) src(%arg19 : memref<640x64xbf16, #tpu.memory_space<vmem>>) dst(%dma_wait3A_22 : memref<640x64xbf16, #tpu.memory_space<hbm>>)
        tpu.yield
      }) : () -> ()
    } else {
    }
    return
  }
}

module attributes {stable_mosaic.version = 14 : i64} {
  func.func @_prep_body(%arg0: i32, %arg1: memref<2000x2xf32, #tpu.memory_space<vmem>>, %arg2: memref<2000x128xf32, #tpu.memory_space<vmem>>, %arg3: memref<2000x64xbf16, #tpu.memory_space<vmem>>, %arg4: memref<2000x1xf32, #tpu.memory_space<vmem>>, %arg5: memref<2000x64xbf16, #tpu.memory_space<vmem>>, %arg6: memref<2000x64xbf16, #tpu.memory_space<vmem>>) attributes {dimension_semantics = [#tpu.dimension_semantics<arbitrary>], iteration_bounds = array<i64: 5>, scalar_prefetch = 0 : i64, scratch_operands = 0 : i64, tpu.core_type = #tpu.core_type<tc>, window_params = [{transform_indices = @transform_0, window_bounds = array<i64: 2000, 2>}, {transform_indices = @transform_1, window_bounds = array<i64: 2000, 128>}, {transform_indices = @transform_2, window_bounds = array<i64: 2000, 64>}, {transform_indices = @transform_3, window_bounds = array<i64: 2000, 1>}, {transform_indices = @transform_4, window_bounds = array<i64: 2000, 64>}, {transform_indices = @transform_5, window_bounds = array<i64: 2000, 64>}]} {
    %get3A = arith.constant 0 : index
    %get3A_0 = arith.constant 0 : index
    %get3A_1 = vector.load %arg1[%get3A, %get3A_0] : memref<2000x2xf32, #tpu.memory_space<vmem>>, vector<2000x2xf32>
    %slice3A = vector.extract_strided_slice %get3A_1 {offsets = [0, 0], sizes = [2000, 1], strides = [1, 1]} : vector<2000x2xf32> to vector<2000x1xf32>
    %slice3A_2 = vector.extract_strided_slice %get3A_1 {offsets = [0, 1], sizes = [2000, 1], strides = [1, 1]} : vector<2000x2xf32> to vector<2000x1xf32>
    %add3A = arith.addf %slice3A, %slice3A_2 : vector<2000x1xf32>
    %add3A_3 = arith.constant 1.000000e+00 : f32
    %add3A_4 = vector.broadcast %add3A_3 : f32 to vector<2000x1xf32>
    %add3A_5 = arith.addf %add3A, %add3A_4 : vector<2000x1xf32>
    %rsqrt3A = math.rsqrt %add3A_5 : vector<2000x1xf32>
    %div3A = arith.constant 2.000000e-01 : f32
    %div3A_6 = vector.broadcast %div3A : f32 to vector<2000x1xf32>
    %div3A_7 = arith.divf %div3A_6, %add3A_5 : vector<2000x1xf32>
    %broadcast_in_dim3A = vector.shape_cast %div3A_7 : vector<2000x1xf32> to vector<2000x1xf32>
    %broadcast_in_dim3A_8 = vector.broadcast %broadcast_in_dim3A : vector<2000x1xf32> to vector<2000x64xf32>
    %convert_element_type3A = arith.truncf %broadcast_in_dim3A_8 : vector<2000x64xf32> to vector<2000x64xbf16>
    %swap3A = arith.constant 0 : index
    %swap3A_9 = arith.constant 0 : index
    %swap3A_10 = vector.load %arg3[%swap3A, %swap3A_9] : memref<2000x64xbf16, #tpu.memory_space<vmem>>, vector<2000x64xbf16>
    tpu.vector_store %arg3[%swap3A, %swap3A_9], %convert_element_type3A {strides = array<i32>} : memref<2000x64xbf16, #tpu.memory_space<vmem>>, vector<2000x64xbf16>,
    %mul3A = arith.mulf %add3A_5, %rsqrt3A : vector<2000x1xf32>
    %swap3A_11 = arith.constant 0 : index
    %swap3A_12 = arith.constant 0 : index
    %swap3A_13 = vector.load %arg4[%swap3A_11, %swap3A_12] : memref<2000x1xf32, #tpu.memory_space<vmem>>, vector<2000x1xf32>
    tpu.vector_store %arg4[%swap3A_11, %swap3A_12], %mul3A {strides = array<i32>} : memref<2000x1xf32, #tpu.memory_space<vmem>>, vector<2000x1xf32>,
    %mul3A_14 = arith.constant 8.000000e-01 : f32
    %mul3A_15 = vector.broadcast %mul3A_14 : f32 to vector<2000x1xf32>
    %mul3A_16 = arith.mulf %mul3A_15, %rsqrt3A : vector<2000x1xf32>
    %get3A_17 = arith.constant 0 : index
    %get3A_18 = arith.constant 0 : index
    %get3A_19 = vector.load %arg2[%get3A_17, %get3A_18] : memref<2000x128xf32, #tpu.memory_space<vmem>>, vector<2000x128xf32>
    %mul3A_20 = vector.broadcast %mul3A_16 : vector<2000x1xf32> to vector<2000x128xf32>
    %mul3A_21 = arith.mulf %mul3A_20, %get3A_19 : vector<2000x128xf32>
    %convert_element_type3A_22 = arith.truncf %mul3A_21 : vector<2000x128xf32> to vector<2000x128xbf16>
    %slice3A_23 = vector.extract_strided_slice %convert_element_type3A_22 {offsets = [0, 0], sizes = [2000, 64], strides = [1, 1]} : vector<2000x128xbf16> to vector<2000x64xbf16>
    %swap3A_24 = arith.constant 0 : index
    %swap3A_25 = arith.constant 0 : index
    %swap3A_26 = vector.load %arg5[%swap3A_24, %swap3A_25] : memref<2000x64xbf16, #tpu.memory_space<vmem>>, vector<2000x64xbf16>
    tpu.vector_store %arg5[%swap3A_24, %swap3A_25], %slice3A_23 {strides = array<i32>} : memref<2000x64xbf16, #tpu.memory_space<vmem>>, vector<2000x64xbf16>,
    %slice3A_27 = vector.extract_strided_slice %convert_element_type3A_22 {offsets = [0, 64], sizes = [2000, 64], strides = [1, 1]} : vector<2000x128xbf16> to vector<2000x64xbf16>
    %swap3A_28 = arith.constant 0 : index
    %swap3A_29 = arith.constant 0 : index
    %swap3A_30 = vector.load %arg6[%swap3A_28, %swap3A_29] : memref<2000x64xbf16, #tpu.memory_space<vmem>>, vector<2000x64xbf16>
    tpu.vector_store %arg6[%swap3A_28, %swap3A_29], %slice3A_27 {strides = array<i32>} : memref<2000x64xbf16, #tpu.memory_space<vmem>>, vector<2000x64xbf16>,
    return
  }
  func.func @transform_0(%arg0: i32) -> (i32, i32) {
    %c0_i32 = arith.constant 0 : i32
    %c0_i32_0 = arith.constant 0 : i32
    return %arg0, %c0_i32 : i32, i32
  }
  func.func @transform_1(%arg0: i32) -> (i32, i32) {
    %c0_i32 = arith.constant 0 : i32
    %c0_i32_0 = arith.constant 0 : i32
    return %arg0, %c0_i32 : i32, i32
  }
  func.func @transform_2(%arg0: i32) -> (i32, i32) {
    %c0_i32 = arith.constant 0 : i32
    %c0_i32_0 = arith.constant 0 : i32
    return %arg0, %c0_i32 : i32, i32
  }
  func.func @transform_3(%arg0: i32) -> (i32, i32) {
    %c0_i32 = arith.constant 0 : i32
    %c0_i32_0 = arith.constant 0 : i32
    return %arg0, %c0_i32 : i32, i32
  }
  func.func @transform_4(%arg0: i32) -> (i32, i32) {
    %c0_i32 = arith.constant 0 : i32
    %c0_i32_0 = arith.constant 0 : i32
    return %arg0, %c0_i32 : i32, i32
  }
  func.func @transform_5(%arg0: i32) -> (i32, i32) {
    %c0_i32 = arith.constant 0 : i32
    %c0_i32_0 = arith.constant 0 : i32
    return %arg0, %c0_i32 : i32, i32
  }
}

module attributes {stable_mosaic.version = 14 : i64} {
  func.func @_post_body(%arg0: i32, %arg1: memref<2000x64xbf16, #tpu.memory_space<vmem>>, %arg2: memref<2000x64xbf16, #tpu.memory_space<vmem>>, %arg3: memref<2000x1xf32, #tpu.memory_space<vmem>>, %arg4: memref<2000x128xf32, #tpu.memory_space<vmem>>) attributes {dimension_semantics = [#tpu.dimension_semantics<arbitrary>], iteration_bounds = array<i64: 5>, scalar_prefetch = 0 : i64, scratch_operands = 0 : i64, tpu.core_type = #tpu.core_type<tc>, window_params = [{transform_indices = @transform_0, window_bounds = array<i64: 2000, 64>}, {transform_indices = @transform_1, window_bounds = array<i64: 2000, 64>}, {transform_indices = @transform_2, window_bounds = array<i64: 2000, 1>}, {transform_indices = @transform_3, window_bounds = array<i64: 2000, 128>}]} {
    %get3A = arith.constant 0 : index
    %get3A_0 = arith.constant 0 : index
    %get3A_1 = vector.load %arg1[%get3A, %get3A_0] : memref<2000x64xbf16, #tpu.memory_space<vmem>>, vector<2000x64xbf16>
    %get3A_2 = arith.constant 0 : index
    %get3A_3 = arith.constant 0 : index
    %get3A_4 = vector.load %arg2[%get3A_2, %get3A_3] : memref<2000x64xbf16, #tpu.memory_space<vmem>>, vector<2000x64xbf16>
    %concatenate3A = tpu.concatenate %get3A_1, %get3A_4 in 1 : vector<2000x64xbf16>, vector<2000x64xbf16> -> vector<2000x128xbf16>
    %convert_element_type3A = arith.extf %concatenate3A : vector<2000x128xbf16> to vector<2000x128xf32>
    %get3A_5 = arith.constant 0 : index
    %get3A_6 = arith.constant 0 : index
    %get3A_7 = vector.load %arg3[%get3A_5, %get3A_6] : memref<2000x1xf32, #tpu.memory_space<vmem>>, vector<2000x1xf32>
    %mul3A = vector.broadcast %get3A_7 : vector<2000x1xf32> to vector<2000x128xf32>
    %mul3A_8 = arith.mulf %convert_element_type3A, %mul3A : vector<2000x128xf32>
    %swap3A = arith.constant 0 : index
    %swap3A_9 = arith.constant 0 : index
    %swap3A_10 = vector.load %arg4[%swap3A, %swap3A_9] : memref<2000x128xf32, #tpu.memory_space<vmem>>, vector<2000x128xf32>
    tpu.vector_store %arg4[%swap3A, %swap3A_9], %mul3A_8 {strides = array<i32>} : memref<2000x128xf32, #tpu.memory_space<vmem>>, vector<2000x128xf32>,
    return
  }
  func.func @transform_0(%arg0: i32) -> (i32, i32) {
    %c0_i32 = arith.constant 0 : i32
    %c0_i32_0 = arith.constant 0 : i32
    return %arg0, %c0_i32 : i32, i32
  }
  func.func @transform_1(%arg0: i32) -> (i32, i32) {
    %c0_i32 = arith.constant 0 : i32
    %c0_i32_0 = arith.constant 0 : i32
    return %arg0, %c0_i32 : i32, i32
  }
  func.func @transform_2(%arg0: i32) -> (i32, i32) {
    %c0_i32 = arith.constant 0 : i32
    %c0_i32_0 = arith.constant 0 : i32
    return %arg0, %c0_i32 : i32, i32
  }
  func.func @transform_3(%arg0: i32) -> (i32, i32) {
    %c0_i32 = arith.constant 0 : i32
    %c0_i32_0 = arith.constant 0 : i32
    return %arg0, %c0_i32 : i32, i32
  }
}

</mosaic_0001>

<sc_bundles>
// kernel: kernel.6.cloned.1.call-start
scs
__scs_entry_jumppad:
0x0: {  	(pc) =	sbr.rel $0x88, $3  }
0x1: {  	(tag) =	ssettag $0x0;
	lr =	simm.s32 $0x1  }
0x2: {  	[smem:$0x3F9F] =	sst lr;
	_ =	strace $0xD0000000  }
0x3: {  	_ = 	snop  }
0x4: {  	_ = 	snop  }
0x5: {  	_ = 	snop  }
0x6: {  	_ = 	snop  }
0x7: {  	_ = 	snop  }
__scs_overlays_trampoline_lowered:
0x8: {  	[smem:$0x3FAE] =	sst s0  }
0x9: {  	[smem:$0x3FAF] =	sst s1  }
0xa: {  	[smem:$0x3FB0] =	sst s2  }
0xb: {  	[smem:$0x3FB1] =	sst s3  }
0xc: {  	[smem:$0x3FB2] =	sst s4  }
0xd: {  	[smem:$0x3FB3] =	sst s5  }
0xe: {  	[smem:$0x3FB4] =	sst s6  }
0xf: {  	[smem:$0x3FB5] =	sst s7  }
0x10: {  	[smem:$0x3FB6] =	sst s8  }
0x11: {  	[smem:$0x3FB7] =	sst s9;
	s0 =	simm.s32 @!p0 $0x0  }
0x12: {  	s1 =	sld [smem:$0x3F9D];
	s0 =	simm.s32 @p0 $0x1  }
0x13: {  	[smem:$0x3FB8] =	sst s0;
	s0 =	simm.s32 @!p1 $0x0  }
0x14: {  	s2 =	sld [smem:$0x3F9C];
	s0 =	simm.s32 @p1 $0x1  }
0x15: {  	[smem:$0x3FB9] =	sst s0;
	s0 =	simm.s32 @!p2 $0x0  }
0x16: {  	s3 =	sld [smem:$0x3FDB];
	s0 =	simm.s32 @p2 $0x1  }
0x17: {  	s4 =	simm.s32 $0x1BF5;
	[smem:$0x3FBB] =	sst s0  }
0x18: {  	s0 =	sld [smem:$0x3F9E];
	_ =	swait.ge [sflag:s4], $0x0  }
0x19: {  	s7 =	sld [smem:$0x3F9F]  }
0x1a: {  	s8 =	sadd.s32 $0xFFFFE003, lr  }
0x1b: {  	s9 =	sadd.s32 $0xFFFFFEF7, lr;
	s5 =	simm.s32 $0xFFFFFFFF;
	p2 =	slt.u32 s8, $0xFFFFF086  }
0x1c: {  	p1 =	slt.u32 s9, $0xF7A;
	s5 =	simm.s32 @!p2 $0x0  }
0x1d: {  	s5 =	simm.s32 @p1 $0x1;
	p0 =	seq.s32 s7, s2  }
0x1e: {  	s7 =	smul.u32 @!p0 $0xF7A, s2;
	p2 =	seq.s32 @!p0 s5, $0x0  }
0x1f: {  	s9 =	smul.u32 $0xF7A, s1;
	s8 =	simm.s32 @!p0 $0x1BF5;
	p2 =	por !p2, p0  }
0x20: {  	[sflag:s8] =	ssyncset.s32 @!p0 $0xFFFFF086;
	s6 =	sadd.s32 @!p0 s3, s7;
	s7 =	simm.s32 @!p0 $0x108  }
0x21: {  	s3 =	sadd.s32 s3, s9;
	s6 =	sadd.s32 @!p0 $0x88, s6;
	s7 =	simm.s32 @p2 $0x1082  }
0x22: {  	[simem:s7], [sflag:s8] =	dma.local @!p0 [hbm:s6], $0xF7A  }
0x23: {  	s9 =	sor.u32 $0xD0000000, s2;
	s6 =	simm.s32 $0x108;
	_ =	swait.ge @!p0 [sflag:s8], $0x0  }
0x24: {  	s3 =	sadd.s32 $0x88, s3;
	s6 =	simm.s32 @!p1 $0x1082;
	[sflag:s4] =	ssyncset.s32 $0xFFFFF086  }
0x25: {  	[simem:s6], [sflag:s4] =	dma.local [hbm:s3], $0xF7A  }
0x26: {  	[smem:$0x3F9F] =	sst s1;
	(tag) =	ssettag s2;
	_ =	strace s9  }
0x27: {  	s1 =	sld [smem:$0x3FAF]  }
0x28: {  	s2 =	sld [smem:$0x3FB0]  }
0x29: {  	s4 =	sld [smem:$0x3FB2]  }
0x2a: {  	p0 =	seq.s32 s5, $0x0;
	s5 =	sld [smem:$0x3FB3]  }
0x2b: {  	s6 =	sld [smem:$0x3FB4]  }
0x2c: {  	s7 =	sld [smem:$0x3FB5]  }
0x2d: {  	s3 =	simm.s32 $0x108;
	s8 =	sld [smem:$0x3FB6]  }
0x2e: {  	s3 =	simm.s32 @!p0 $0x1082;
	s9 =	sld [smem:$0x3FB7]  }
0x2f: {  	lr =	sadd.s32 s0, s3;
	s0 =	sld [smem:$0x3FAE]  }
0x30: {  	s3 =	sld [smem:$0x3FB1]  }
0x31: {  	[smem:$0x3FBA] =	sst s10  }
0x32: {  	s10 =	sld [smem:$0x3FB8];
	_ =	sdelay $0x3  }
0x33: {  	p0 =	seq.s32 s10, $0x1;
	s10 =	sld [smem:$0x3FBA];
	_ =	sdelay $0x3  }
0x34: {  	[smem:$0x3FBA] =	sst s10  }
0x35: {  	s10 =	sld [smem:$0x3FB9];
	_ =	sdelay $0x3  }
0x36: {  	p1 =	seq.s32 s10, $0x1;
	s10 =	sld [smem:$0x3FBA];
	_ =	sdelay $0x3  }
0x37: {  	[smem:$0x3FBA] =	sst s10  }
0x38: {  	s10 =	sld [smem:$0x3FBB]  }
0x39: {  	_ = 	snop;
	(pc) =	sbr.ind lr, $3  }
0x3a: {  	_ = 	snop  }
0x3b: {  	_ = 	snop  }
0x3c: {  	p2 =	seq.s32 s10, $0x1;
	s10 =	sld [smem:$0x3FBA]  }
0x3d: {  	_ =	shalt  }
0x3e: {  	_ =	shalt  }
0x3f: {  	_ =	shalt  }
0x40: {  	_ =	shalt  }
0x41: {  	_ =	shalt  }
0x42: {  	_ =	shalt  }
0x43: {  	_ =	shalt  }
0x44: {  	_ =	shalt  }
0x45: {  	_ =	shalt  }
0x46: {  	_ =	shalt  }
0x47: {  	_ =	shalt  }
0x48: {  	_ =	shalt  }
0x49: {  	_ =	shalt  }
0x4a: {  	_ =	shalt  }
0x4b: {  	_ =	shalt  }
0x4c: {  	_ =	shalt  }
0x4d: {  	_ =	shalt  }
0x4e: {  	_ =	shalt  }
0x4f: {  	_ =	shalt  }
0x50: {  	_ =	shalt  }
0x51: {  	_ =	shalt  }
0x52: {  	_ =	shalt  }
0x53: {  	_ =	shalt  }
0x54: {  	_ =	shalt  }
0x55: {  	_ =	shalt  }
0x56: {  	_ =	shalt  }
0x57: {  	_ =	shalt  }
0x58: {  	_ =	shalt  }
0x59: {  	_ =	shalt  }
0x5a: {  	_ =	shalt  }
0x5b: {  	_ =	shalt  }
0x5c: {  	_ =	shalt  }
0x5d: {  	_ =	shalt  }
0x5e: {  	_ =	shalt  }
0x5f: {  	_ =	shalt  }
0x60: {  	_ =	shalt  }
0x61: {  	_ =	shalt  }
0x62: {  	_ =	shalt  }
0x63: {  	_ =	shalt  }
0x64: {  	_ =	shalt  }
0x65: {  	_ =	shalt  }
0x66: {  	_ =	shalt  }
0x67: {  	_ =	shalt  }
0x68: {  	_ =	shalt  }
0x69: {  	_ =	shalt  }
0x6a: {  	_ =	shalt  }
0x6b: {  	_ =	shalt  }
0x6c: {  	_ =	shalt  }
0x6d: {  	_ =	shalt  }
0x6e: {  	_ =	shalt  }
0x6f: {  	_ =	shalt  }
0x70: {  	_ =	shalt  }
0x71: {  	_ =	shalt  }
0x72: {  	_ =	shalt  }
0x73: {  	_ =	shalt  }
0x74: {  	_ =	shalt  }
0x75: {  	_ =	shalt  }
0x76: {  	_ =	shalt  }
0x77: {  	_ =	shalt  }
0x78: {  	_ =	shalt  }
0x79: {  	_ =	shalt  }
0x7a: {  	_ =	shalt  }
0x7b: {  	_ =	shalt  }
0x7c: {  	_ =	shalt  }
0x7d: {  	_ =	shalt  }
0x7e: {  	_ =	shalt  }
0x7f: {  	_ =	shalt  }
0x80: {  	_ =	shalt  }
0x81: {  	_ =	shalt  }
0x82: {  	_ =	shalt  }
0x83: {  	_ =	shalt  }
0x84: {  	_ =	shalt  }
0x85: {  	_ =	shalt  }
0x86: {  	_ =	shalt  }
0x87: {  	_ =	shalt  }
.Lfunc_end0:
.L_simem_size_0:
called_computation_lowered:
.L_overlay_start_0:
0x88: {  	s2 =	sld [smem:$0x3FD9]  }
0x89: {  	s3 =	sld [smem:$0x3FFE];
	_ =	sdelay $0x1  }
0x8a: {  	s1 =	srdreg.scid  }
0x8b: {  	s0 =	sand.u32 $0x1, s1  }
0x8c: {  	s17 =	sshll.u32 s0, $0xA;
	s2 =	sadd.s32 s3, s2  }
0x8d: {  	s2 =	sadd.s32 s2, s17  }
0x8e: {  	[smem:$0x3FC6] =	sst s2  }
0x8f: {  	_ = 	snop  }
0x90: {  	s2 =	sld [smem:$0x3FD0];
	(tm) =	ssettm $0x1  }
0x91: {  	s18 =	sld [smem:$0x3FFB];
	_ =	sdelay $0x3  }
0x92: {  	_ =	strace s18  }
0x93: {  	s3 =	sld [smem:$0x3FFC];
	_ =	sdelay $0x3  }
0x94: {  	_ =	strace s3  }
0x95: {  	s3 =	sld [smem:$0x3FFD];
	_ =	sdelay $0x3  }
0x96: {  	_ =	strace s3  }
0x97: {  	_ =	strace $0x8FFFFFFF  }
0x98: {  	s19 =	sld [smem:$0x3FDB];
	_ =	sdelay $0x1  }
0x99: {  	s4 =	simm.s32 $_scs_section_size  }
0x9a: {  	s5 =	simm.s32 $_size__tile_overlayer_lowered;
	s6 =	simm.s32 $_tile_overlayer_lowered  }
0x9b: {  	s22 =	simm.s32 $0x1BFF;
	s21 =	sshll.u32 s6, $0x1;
	s3 =	sadd.s32 s4, s19  }
0x9c: {  	s7 =	simm.s32 $0x0;
	s20 =	sshll.u32 s5, $0x1;
	s5 =	sadd.s32 s21, s3  }
0x9d: {  	[timem:s7], [sflag:s22] =	dma.local [hbm:s5], s20  }
0x9e: {  	_ =	swait.ge [sflag:s22], s20  }
0x9f: {  	s4 =	ssub.s32 $0x0, s20;
	[sflag:s22] =	ssyncset.done $0x0  }
0xa0: {  	[sflag:s22] =	ssyncadd.s32 s4;
	_ =	sdelay $0x1  }
0xa1: {  	s23 =	simm.s32 $0x1B8B  }
0xa2: {  	_ =	swait.ge [sflag:s23], $0x1  }
0xa3: {  	[sflag:s23] =	ssyncset.done $0x0  }
0xa4: {  	s25 =	simm.s32 $0x1B8E;
	s24 =	sld [smem:$0x3FFE];
	[sflag:s23] =	ssyncadd.s32 $0xFFFFFFFF  }
0xa5: {  	s26 =	simm.s32 $execute0_lowered;
	[smem:$0x3FD2] =	sst s25  }
0xa6: {  	s5 =	sshll.u32 s26, $0x1;
	_ =	strace $0x80000046;
	[dreg:$0x1] =	wrdreg $0xFFFFFFFF  }
0xa7: {  	s28 =	simm.s32 $_size_execute0_lowered;
	s3 =	sadd.s32 s3, s5;
	[dreg:$0x0] =	wrdreg $0x0  }
0xa8: {  	s5 =	sshll.u32 s28, $0x1;
	[dreg:$0x2] =	wrdreg s3  }
0xa9: {  	[dreg:$0x3] =	wrdreg s5  }
0xaa: {  	[dreg:$0x4] =	wrdreg $0xC0  }
0xab: {  	_ =	task [dreg:s7], $0x5FFFF  }
0xac: {  	[dreg:$0x1] =	wrdreg $0xFFFFFFFF  }
0xad: {  	[dreg:$0x0] =	wrdreg $0x60  }
0xae: {  	[dreg:$0x2] =	wrdreg s2  }
0xaf: {  	[dreg:$0x3] =	wrdreg s24  }
0xb0: {  	[dreg:$0x4] =	wrdreg $0x8F000  }
0xb1: {  	[dreg:$0x5] =	wrdreg $0x9  }
0xb2: {  	_ =	task.clear_ibuf [dreg:s7], $0x6FFFF;
	_ =	strace $0x90000046  }
0xb3: {  	s29 =	simm.s32 $0x9;
	_ =	strace $0x80000048  }
0xb4: {  	_ =	swait.ge [sflag:s29], $0x1  }
0xb5: {  	[sflag:s29] =	ssyncadd.s32 $0xFFFFFFFF  }
0xb6: {  	_ =	strace $0x90000048  }
0xb7: {  	_ =	sfence  }
0xb8: {  	s30 =	sld [smem:$0x0];
	_ =	sdelay $0x2  }
0xb9: {  	s31 =	sshll.u32 s1, $0xD;
	s1 =	sshrl.u32 s1, $0x2  }
0xba: {  	s3 =	sand.u32 $0x4000, s31;
	s1 =	sadd.s32 s1, s30  }
0xbb: {  	s0 =	sor.u32 s3, s0;
	s1 =	sshll.u32 s1, $0x11  }
0xbc: {  	s0 =	sor.u32 s1, s0  }
0xbd: {  	s0 =	sadd.s32 $0x8F2B, s0  }
0xbe: {  	[sflag:s0] =	ssyncadd.remote.s32 $0x1  }
0xbf: {  	_ =	sfence.sel $0xFFFF  }
0xc0: {  	[dreg:$0x0] =	wrdreg $0xFFFFFFFF;
	(pc) =	sbr.abs _section_cstart, $3  }
0xc1: {  	[dreg:$0x1] =	wrdreg $0xFFFFFFFF  }
0xc2: {  	_ =	task.clear_ibuf [dreg:s7], $0x2FFFF;
	_ =	strace $0x9FFFFFFF  }
0xc3: {  	(tm) =	ssettm $0x7FFFFFFF  }
tec
execute0_lowered:
.L_overlay_start_1:
0x0: {  	(tag) =	ssettag $0x1  }
0x1: {  	s5 =	rddreg [dreg:$0x0]  }
0x2: {  	s6 =	rddreg [dreg:$0x1]  }
0x3: {  	s1 =	rddreg [dreg:$0x2]  }
0x4: {  	s0 =	rddreg [dreg:$0x3];
	s2 =	simm.s32 $0x0;
	s3 =	srdreg.scid  }
0x5: {  	s8 =	stileid.u32;
	s12 =	simm.s32 $0x4F00;
	s13 =	simm.s32 $0x50  }
0x6: {  	s14 =	simm.s32 $0x0;
	[smem:$0x7FF] =	sst s2;
	s7 =	sand.u32 $0x1, s3  }
0x7: {  	s29 =	sshrl.u32 s8, $0x2;
	s4 =	sshll.u32 s8, $0x8;
	s3 =	sadd.s32 $0x1000, s6  }
0x8: {  	p0 =	sne.s32 s8, $0x0;
	s8 =	simm.s32 $0x2780;
	_ =	strace $0x80000047  }
0x9: {  	s9 =	smul.u32 $0x13C00, s29;
	s10 =	sshll.u32 s7, $0x7;
	s11 =	sand.u32 $0x300, s4  }
0xa: {  	s4 =	sadd.s32 $0x800, s6;
	s30 =	sshll.u32 s7, $0x4;
	s7 =	ssub.s32 $0x2, s7  }
0xb: {  	s10 =	sor.u32 s10, s11;
	s6 =	sadd.s32 s30, s6;
	s31 =	sshrl.u32 s7, $0x1  }
0xc: {  	s11 =	simm.s32 $0x400;
	s9 =	sor.u32 s9, s10;
	s7 =	ssub.s32 s7, s31  }
0xd: {  	s6 =	sadd.s32 $0x1600, s6;
	s10 =	simm.s32 $0x80;
	s9 =	sshrl.u32 s9, $0x3  }
0xe: {  	v0 =	vimm.f32 $1.000000000e+00;
	s7 =	smax.u32 s7, $0x1;
	s5 =	sadd.s32 s5, s9;
	s9 =	simm.s32 $0x1  }
.LBB2_1:
0xf: {  	[tilespmem:s8], [sflag:$0x1] =	stream.linear.gather [hbm4b:s3+s2], $0x2780, $0x38;
	[tilespmem:$0x9178] =	vst v63  }
0x10: {  	_ =	swait.ge [sflag:s9], $0x2780  }
0x11: {  	[sflag:s9] =	ssyncset.done $0x0  }
0x12: {  	s15 =	simm.s32 @!p0 $0x2780;
	[sflag:s9] =	ssyncadd.s32 $0xFFFFD880  }
0x13: {  	[spmem:s1] =	stream.linear.scatter @!p0 [tilespmem:s15], [sflag:$0x1], $0x2780, $0x38;
	[tilespmem:$0x9178] =	vst v63  }
0x14: {  	s15 =	simm.s32 @!p0 $0x1  }
0x15: {  	_ =	swait.ge @!p0 [sflag:s15], $0x2780  }
0x16: {  	[sflag:s15] =	ssyncset.done @!p0 $0x0  }
0x17: {  	[sflag:s15] =	ssyncadd.s32 @!p0 $0xFFFFD880  }
0x18: {  	[bflag:$0x0] =	sbarrier.arrive $0xFFFF  }
0x19: {  	[tilespmem:s2], [sflag:$0x1] =	stream.strided.gather [hbm4b:s5+s10], $0x2780, s11, s10, $0x38;
	[tilespmem:$0x9178] =	vst v63  }
0x1a: {  	_ =	swait.ge [sflag:s9], $0x2780  }
0x1b: {  	[sflag:s9] =	ssyncset.done $0x0  }
0x1c: {  	[sflag:s9] =	ssyncadd.s32 $0xFFFFD880  }
0x1d: {  	[tilespmem:s12], [sflag:$0x1] =	stream.linear.gather [hbm4b:s4+s2], $0x3E80, $0x38;
	[tilespmem:$0x9178] =	vst v63  }
0x1e: {  	_ =	swait.ge [sflag:s9], $0x3E80  }
0x1f: {  	[sflag:s9] =	ssyncset.done $0x0  }
0x20: {  	s15 =	simm.s32 $0x0;
	[sflag:s9] =	ssyncadd.s32 $0xFFFFC180  }
.LBB2_2:
0x21: {  	s16 =	sshra.s32 s15, $0x2  }
0x22: {  	v1 =	vld [tilespmem:s16+$0x0];
	_ =	sdelay $0x2  }
0x23: {  	p1 =	sne.s32 s15, $0x9C00  }
.Ltmp0:
0x24: {  	_ = 	snop;
	(pc) =	sbr.rel @p1 .LBB2_2-.Ltmp0, $2  }
0x25: {  	_ =	sdelay $0x2  }
0x26: {  	s15 =	sadd.s32 $0x40, s15;
	[tilespmem:v1+s8+$0x0] =	vst.idx.add.f32.msk $0xffff, v0  }
0x27: {  	s15 =	simm.s32 $0x4F00;
	s16 =	simm.s32 $0x2780  }
0x28: {  	[spmem:s1] =	stream.indirect.scatter.add.f32 [tilespmem:s16], [sflag:$0x1], $0x1, s15, s13, $0xb8;
	[tilespmem:$0x9178] =	vst v63  }
0x29: {  	s16 =	simm.s32 $0x140;
	_ =	swait.ge [sflag:s9], $0x50  }
.LBB2_4:
0x2a: {  	s17 =	sshra.s32 s16, $0x2  }
0x2b: {  	[sflag:s9] =	ssyncset.done $0x0;
	s15 =	sadd.s32 $0x80, s15;
	p1 =	sne.s32 s16, $0x9B00  }
.Ltmp1:
0x2c: {  	s17 =	sadd.s32 $0x2780, s17;
	[sflag:s9] =	ssyncadd.s32 $0xFFFFFFB0;
	(pc) =	sbr.rel @p1 .LBB2_4-.Ltmp1, $3  }
0x2d: {  	[spmem:s1] =	stream.indirect.scatter.add.f32 [tilespmem:s17], [sflag:$0x1], $0x1, s15, s13, $0xb8;
	[tilespmem:$0x9178] =	vst v63  }
0x2e: {  	s16 =	sadd.s32 $0x140, s16;
	_ =	sdelay $0x1  }
0x2f: {  	_ =	swait.ge [sflag:s9], $0x50  }
0x30: {  	[sflag:s9] =	ssyncset.done $0x0  }
0x31: {  	[sflag:s9] =	ssyncadd.s32 $0xFFFFFFB0  }
0x32: {  	s15 =	simm.s32 @!p0 $0x2780;
	s16 =	simm.s32 @!p0 $0x1;
	[bflag:$0x0] =	sbarrier.arrive $0xFFFF  }
0x33: {  	[tilespmem:s15], [sflag:$0x1] =	stream.linear.gather @!p0 [spmem:s1], $0x2780, $0x38;
	[tilespmem:$0x9178] =	vst v63  }
0x34: {  	s14 =	sadd.s32 $0x1, s14;
	_ =	swait.ge @!p0 [sflag:s16], $0x2780  }
0x35: {  	s17 =	simm.s32 @!p0 $0x80;
	p1 =	sne.s32 s14, s7;
	[sflag:s16] =	ssyncset.done @!p0 $0x0  }
.Ltmp2:
0x36: {  	s18 =	simm.s32 @!p0 $0x100;
	[sflag:s16] =	ssyncadd.s32 @!p0 $0xFFFFD880;
	(pc) =	sbr.rel @p1 .LBB2_1-.Ltmp2, $4  }
0x37: {  	[hbm4b:s6+s17] =	stream.strided.scatter @!p0 [tilespmem:s15], [sflag:$0x1], $0x2780, s18, s17, $0x38;
	[tilespmem:$0x9178] =	vst v63  }
0x38: {  	_ =	swait.ge @!p0 [sflag:s16], $0x2780  }
0x39: {  	[sflag:s16] =	ssyncset.done @!p0 $0x0  }
0x3a: {  	[sflag:s16] =	ssyncadd.s32 @!p0 $0xFFFFD880  }
0x3b: {  	_ =	sfence.sel $0x180000  }
0x3c: {  	[bflag:$0x0] =	sbarrier.arrive $0xFFFF  }
0x3d: {  	_ =	strace $0x90000047  }
0x3e: {  	s0 =	sadd.s32 @!p0 $0x100000, s0;
	[bflag:$0x2] =	sbarrier.arrive $0xFFFF  }
0x3f: {  	[sflag:s0] =	ssyncadd.tile.s32 @!p0 $0x1;
	_ =	shalt  }
.Lfunc_end2:
_tile_overlayer_lowered:
.L_overlay_start_2:
0x40: {  	(tag) =	ssettag $0x2  }
0x41: {  	s0 =	rddreg [dreg:$0x0];
	s2 =	stileid.u32  }
0x42: {  	s1 =	rddreg [dreg:$0x1];
	p0 =	sne.s32 s2, $0x0  }
0x43: {  	s3 =	rddreg [dreg:$0x2];
	[bflag:$0x3] =	sbarrier.arrive $0xFFFF;
	s2 =	simm.s32 @!p0 $0x1C01  }
0x44: {  	[timem:s3], [sflag:s2] =	dma.local @!p0 [hbm:s0], s1  }
0x45: {  	s0 =	simm.s32 @!p0 $0x1  }
0x46: {  	_ =	swait.ge @!p0 [sflag:s0], s1  }
0x47: {  	s1 =	ssub.s32 @!p0 $0x0, s1;
	[sflag:s0] =	ssyncset.done @!p0 $0x0  }
0x48: {  	[sflag:s0] =	ssyncadd.s32 @!p0 s1  }
0x49: {  	[bflag:$0x3] =	sbarrier.arrive $0xFFFF  }
0x4a: {  	_ =	shalt  }

// kernel: kernel.9.cloned.1.call-start
scs
__scs_entry_jumppad:
0x0: {  	(pc) =	sbr.rel $0x88, $3  }
0x1: {  	(tag) =	ssettag $0x0;
	lr =	simm.s32 $0x1  }
0x2: {  	[smem:$0x3F9F] =	sst lr;
	_ =	strace $0xD0000000  }
0x3: {  	_ = 	snop  }
0x4: {  	_ = 	snop  }
0x5: {  	_ = 	snop  }
0x6: {  	_ = 	snop  }
0x7: {  	_ = 	snop  }
__scs_overlays_trampoline_lowered:
0x8: {  	[smem:$0x3FAE] =	sst s0  }
0x9: {  	[smem:$0x3FAF] =	sst s1  }
0xa: {  	[smem:$0x3FB0] =	sst s2  }
0xb: {  	[smem:$0x3FB1] =	sst s3  }
0xc: {  	[smem:$0x3FB2] =	sst s4  }
0xd: {  	[smem:$0x3FB3] =	sst s5  }
0xe: {  	[smem:$0x3FB4] =	sst s6  }
0xf: {  	[smem:$0x3FB5] =	sst s7  }
0x10: {  	[smem:$0x3FB6] =	sst s8  }
0x11: {  	[smem:$0x3FB7] =	sst s9;
	s0 =	simm.s32 @!p0 $0x0  }
0x12: {  	s1 =	sld [smem:$0x3F9D];
	s0 =	simm.s32 @p0 $0x1  }
0x13: {  	[smem:$0x3FB8] =	sst s0;
	s0 =	simm.s32 @!p1 $0x0  }
0x14: {  	s2 =	sld [smem:$0x3F9C];
	s0 =	simm.s32 @p1 $0x1  }
0x15: {  	[smem:$0x3FB9] =	sst s0;
	s0 =	simm.s32 @!p2 $0x0  }
0x16: {  	s3 =	sld [smem:$0x3FDB];
	s0 =	simm.s32 @p2 $0x1  }
0x17: {  	s4 =	simm.s32 $0x1BF5;
	[smem:$0x3FBB] =	sst s0  }
0x18: {  	s0 =	sld [smem:$0x3F9E];
	_ =	swait.ge [sflag:s4], $0x0  }
0x19: {  	s7 =	sld [smem:$0x3F9F]  }
0x1a: {  	s8 =	sadd.s32 $0xFFFFE003, lr  }
0x1b: {  	s9 =	sadd.s32 $0xFFFFFEF7, lr;
	s5 =	simm.s32 $0xFFFFFFFF;
	p2 =	slt.u32 s8, $0xFFFFF086  }
0x1c: {  	p1 =	slt.u32 s9, $0xF7A;
	s5 =	simm.s32 @!p2 $0x0  }
0x1d: {  	s5 =	simm.s32 @p1 $0x1;
	p0 =	seq.s32 s7, s2  }
0x1e: {  	s7 =	smul.u32 @!p0 $0xF7A, s2;
	p2 =	seq.s32 @!p0 s5, $0x0  }
0x1f: {  	s9 =	smul.u32 $0xF7A, s1;
	s8 =	simm.s32 @!p0 $0x1BF5;
	p2 =	por !p2, p0  }
0x20: {  	[sflag:s8] =	ssyncset.s32 @!p0 $0xFFFFF086;
	s6 =	sadd.s32 @!p0 s3, s7;
	s7 =	simm.s32 @!p0 $0x108  }
0x21: {  	s3 =	sadd.s32 s3, s9;
	s6 =	sadd.s32 @!p0 $0x88, s6;
	s7 =	simm.s32 @p2 $0x1082  }
0x22: {  	[simem:s7], [sflag:s8] =	dma.local @!p0 [hbm:s6], $0xF7A  }
0x23: {  	s9 =	sor.u32 $0xD0000000, s2;
	s6 =	simm.s32 $0x108;
	_ =	swait.ge @!p0 [sflag:s8], $0x0  }
0x24: {  	s3 =	sadd.s32 $0x88, s3;
	s6 =	simm.s32 @!p1 $0x1082;
	[sflag:s4] =	ssyncset.s32 $0xFFFFF086  }
0x25: {  	[simem:s6], [sflag:s4] =	dma.local [hbm:s3], $0xF7A  }
0x26: {  	[smem:$0x3F9F] =	sst s1;
	(tag) =	ssettag s2;
	_ =	strace s9  }
0x27: {  	s1 =	sld [smem:$0x3FAF]  }
0x28: {  	s2 =	sld [smem:$0x3FB0]  }
0x29: {  	s4 =	sld [smem:$0x3FB2]  }
0x2a: {  	p0 =	seq.s32 s5, $0x0;
	s5 =	sld [smem:$0x3FB3]  }
0x2b: {  	s6 =	sld [smem:$0x3FB4]  }
0x2c: {  	s7 =	sld [smem:$0x3FB5]  }
0x2d: {  	s3 =	simm.s32 $0x108;
	s8 =	sld [smem:$0x3FB6]  }
0x2e: {  	s3 =	simm.s32 @!p0 $0x1082;
	s9 =	sld [smem:$0x3FB7]  }
0x2f: {  	lr =	sadd.s32 s0, s3;
	s0 =	sld [smem:$0x3FAE]  }
0x30: {  	s3 =	sld [smem:$0x3FB1]  }
0x31: {  	[smem:$0x3FBA] =	sst s10  }
0x32: {  	s10 =	sld [smem:$0x3FB8];
	_ =	sdelay $0x3  }
0x33: {  	p0 =	seq.s32 s10, $0x1;
	s10 =	sld [smem:$0x3FBA];
	_ =	sdelay $0x3  }
0x34: {  	[smem:$0x3FBA] =	sst s10  }
0x35: {  	s10 =	sld [smem:$0x3FB9];
	_ =	sdelay $0x3  }
0x36: {  	p1 =	seq.s32 s10, $0x1;
	s10 =	sld [smem:$0x3FBA];
	_ =	sdelay $0x3  }
0x37: {  	[smem:$0x3FBA] =	sst s10  }
0x38: {  	s10 =	sld [smem:$0x3FBB]  }
0x39: {  	_ = 	snop;
	(pc) =	sbr.ind lr, $3  }
0x3a: {  	_ = 	snop  }
0x3b: {  	_ = 	snop  }
0x3c: {  	p2 =	seq.s32 s10, $0x1;
	s10 =	sld [smem:$0x3FBA]  }
0x3d: {  	_ =	shalt  }
0x3e: {  	_ =	shalt  }
0x3f: {  	_ =	shalt  }
0x40: {  	_ =	shalt  }
0x41: {  	_ =	shalt  }
0x42: {  	_ =	shalt  }
0x43: {  	_ =	shalt  }
0x44: {  	_ =	shalt  }
0x45: {  	_ =	shalt  }
0x46: {  	_ =	shalt  }
0x47: {  	_ =	shalt  }
0x48: {  	_ =	shalt  }
0x49: {  	_ =	shalt  }
0x4a: {  	_ =	shalt  }
0x4b: {  	_ =	shalt  }
0x4c: {  	_ =	shalt  }
0x4d: {  	_ =	shalt  }
0x4e: {  	_ =	shalt  }
0x4f: {  	_ =	shalt  }
0x50: {  	_ =	shalt  }
0x51: {  	_ =	shalt  }
0x52: {  	_ =	shalt  }
0x53: {  	_ =	shalt  }
0x54: {  	_ =	shalt  }
0x55: {  	_ =	shalt  }
0x56: {  	_ =	shalt  }
0x57: {  	_ =	shalt  }
0x58: {  	_ =	shalt  }
0x59: {  	_ =	shalt  }
0x5a: {  	_ =	shalt  }
0x5b: {  	_ =	shalt  }
0x5c: {  	_ =	shalt  }
0x5d: {  	_ =	shalt  }
0x5e: {  	_ =	shalt  }
0x5f: {  	_ =	shalt  }
0x60: {  	_ =	shalt  }
0x61: {  	_ =	shalt  }
0x62: {  	_ =	shalt  }
0x63: {  	_ =	shalt  }
0x64: {  	_ =	shalt  }
0x65: {  	_ =	shalt  }
0x66: {  	_ =	shalt  }
0x67: {  	_ =	shalt  }
0x68: {  	_ =	shalt  }
0x69: {  	_ =	shalt  }
0x6a: {  	_ =	shalt  }
0x6b: {  	_ =	shalt  }
0x6c: {  	_ =	shalt  }
0x6d: {  	_ =	shalt  }
0x6e: {  	_ =	shalt  }
0x6f: {  	_ =	shalt  }
0x70: {  	_ =	shalt  }
0x71: {  	_ =	shalt  }
0x72: {  	_ =	shalt  }
0x73: {  	_ =	shalt  }
0x74: {  	_ =	shalt  }
0x75: {  	_ =	shalt  }
0x76: {  	_ =	shalt  }
0x77: {  	_ =	shalt  }
0x78: {  	_ =	shalt  }
0x79: {  	_ =	shalt  }
0x7a: {  	_ =	shalt  }
0x7b: {  	_ =	shalt  }
0x7c: {  	_ =	shalt  }
0x7d: {  	_ =	shalt  }
0x7e: {  	_ =	shalt  }
0x7f: {  	_ =	shalt  }
0x80: {  	_ =	shalt  }
0x81: {  	_ =	shalt  }
0x82: {  	_ =	shalt  }
0x83: {  	_ =	shalt  }
0x84: {  	_ =	shalt  }
0x85: {  	_ =	shalt  }
0x86: {  	_ =	shalt  }
0x87: {  	_ =	shalt  }
.Lfunc_end0:
.L_simem_size_0:
called_computation.1_lowered:
.L_overlay_start_0:
0x88: {  	s2 =	sld [smem:$0x3FD9]  }
0x89: {  	s3 =	sld [smem:$0x3FFE];
	_ =	sdelay $0x1  }
0x8a: {  	s1 =	srdreg.scid  }
0x8b: {  	s0 =	sand.u32 $0x1, s1  }
0x8c: {  	s17 =	sshll.u32 s0, $0xA;
	s2 =	sadd.s32 s3, s2  }
0x8d: {  	s2 =	sadd.s32 s2, s17  }
0x8e: {  	[smem:$0x3FC6] =	sst s2  }
0x8f: {  	_ = 	snop  }
0x90: {  	s2 =	sld [smem:$0x3FD0];
	(tm) =	ssettm $0x1  }
0x91: {  	s18 =	sld [smem:$0x3FFB];
	_ =	sdelay $0x3  }
0x92: {  	_ =	strace s18  }
0x93: {  	s3 =	sld [smem:$0x3FFC];
	_ =	sdelay $0x3  }
0x94: {  	_ =	strace s3  }
0x95: {  	s3 =	sld [smem:$0x3FFD];
	_ =	sdelay $0x3  }
0x96: {  	_ =	strace s3  }
0x97: {  	_ =	strace $0x8FFFFFFF  }
0x98: {  	s19 =	sld [smem:$0x3FDB];
	_ =	sdelay $0x1  }
0x99: {  	s4 =	simm.s32 $_scs_section_size  }
0x9a: {  	s5 =	simm.s32 $_size__tile_overlayer_lowered;
	s6 =	simm.s32 $_tile_overlayer_lowered  }
0x9b: {  	s22 =	simm.s32 $0x1BFF;
	s21 =	sshll.u32 s6, $0x1;
	s3 =	sadd.s32 s4, s19  }
0x9c: {  	s7 =	simm.s32 $0x0;
	s20 =	sshll.u32 s5, $0x1;
	s5 =	sadd.s32 s21, s3  }
0x9d: {  	[timem:s7], [sflag:s22] =	dma.local [hbm:s5], s20  }
0x9e: {  	_ =	swait.ge [sflag:s22], s20  }
0x9f: {  	s4 =	ssub.s32 $0x0, s20;
	[sflag:s22] =	ssyncset.done $0x0  }
0xa0: {  	[sflag:s22] =	ssyncadd.s32 s4;
	_ =	sdelay $0x1  }
0xa1: {  	s23 =	simm.s32 $0x1B8B  }
0xa2: {  	_ =	swait.ge [sflag:s23], $0x1  }
0xa3: {  	[sflag:s23] =	ssyncset.done $0x0  }
0xa4: {  	s25 =	simm.s32 $0x1B8E;
	s24 =	sld [smem:$0x3FFE];
	[sflag:s23] =	ssyncadd.s32 $0xFFFFFFFF  }
0xa5: {  	s26 =	simm.s32 $execute0_lowered;
	[smem:$0x3FD2] =	sst s25  }
0xa6: {  	s5 =	sshll.u32 s26, $0x1;
	_ =	strace $0x80000049;
	[dreg:$0x1] =	wrdreg $0xFFFFFFFF  }
0xa7: {  	s28 =	simm.s32 $_size_execute0_lowered;
	s3 =	sadd.s32 s3, s5;
	[dreg:$0x0] =	wrdreg $0x0  }
0xa8: {  	s5 =	sshll.u32 s28, $0x1;
	[dreg:$0x2] =	wrdreg s3  }
0xa9: {  	[dreg:$0x3] =	wrdreg s5  }
0xaa: {  	[dreg:$0x4] =	wrdreg $0xC0  }
0xab: {  	_ =	task [dreg:s7], $0x5FFFF  }
0xac: {  	[dreg:$0x1] =	wrdreg $0xFFFFFFFF  }
0xad: {  	[dreg:$0x0] =	wrdreg $0x60  }
0xae: {  	[dreg:$0x2] =	wrdreg s2  }
0xaf: {  	[dreg:$0x3] =	wrdreg s24  }
0xb0: {  	[dreg:$0x4] =	wrdreg $0x1AE200  }
0xb1: {  	[dreg:$0x5] =	wrdreg $0x9  }
0xb2: {  	_ =	task.clear_ibuf [dreg:s7], $0x6FFFF;
	_ =	strace $0x90000049  }
0xb3: {  	s29 =	simm.s32 $0x9;
	_ =	strace $0x8000004B  }
0xb4: {  	_ =	swait.ge [sflag:s29], $0x1  }
0xb5: {  	[sflag:s29] =	ssyncadd.s32 $0xFFFFFFFF  }
0xb6: {  	_ =	strace $0x9000004B  }
0xb7: {  	_ =	sfence  }
0xb8: {  	s30 =	sld [smem:$0x0];
	_ =	sdelay $0x2  }
0xb9: {  	s31 =	sshll.u32 s1, $0xD;
	s1 =	sshrl.u32 s1, $0x2  }
0xba: {  	s3 =	sand.u32 $0x4000, s31;
	s1 =	sadd.s32 s1, s30  }
0xbb: {  	s0 =	sor.u32 s3, s0;
	s1 =	sshll.u32 s1, $0x11  }
0xbc: {  	s0 =	sor.u32 s1, s0  }
0xbd: {  	s0 =	sadd.s32 $0x8F2B, s0  }
0xbe: {  	[sflag:s0] =	ssyncadd.remote.s32 $0x1  }
0xbf: {  	_ =	sfence.sel $0xFFFF  }
0xc0: {  	[dreg:$0x0] =	wrdreg $0xFFFFFFFF;
	(pc) =	sbr.abs _section_cstart, $3  }
0xc1: {  	[dreg:$0x1] =	wrdreg $0xFFFFFFFF  }
0xc2: {  	_ =	task.clear_ibuf [dreg:s7], $0x2FFFF;
	_ =	strace $0x9FFFFFFF  }
0xc3: {  	(tm) =	ssettm $0x7FFFFFFF  }
tec
execute0_lowered:
.L_overlay_start_1:
0x0: {  	(tag) =	ssettag $0x1  }
0x1: {  	s1 =	rddreg [dreg:$0x0]  }
0x2: {  	s0 =	rddreg [dreg:$0x1]  }
0x3: {  	s3 =	rddreg [dreg:$0x2];
	s16 =	simm.s32 $0x0;
	s8 =	stileid.u32  }
0x4: {  	s2 =	srdreg.scid;
	s29 =	simm.s32 $0xBF40;
	[smem:$0x7FF] =	sst s16  }
0x5: {  	s9 =	smul.u32 $0xA00, s8;
	s6 =	sadd.s32 $0x20200, s0;
	s5 =	sadd.s32 $0x16000, s0  }
0x6: {  	s2 =	sand.u32 $0x1, s2;
	s20 =	sadd.s32 $0x48200, s0;
	s21 =	sadd.s32 $0x3E200, s0  }
0x7: {  	s10 =	sadd.s32 $0x2A200, s0;
	_ =	strace $0x8000004A;
	[dreg:$0x5] =	wrdreg s5  }
0x8: {  	s11 =	smul.u32 $0x280, s8;
	s12 =	sadd.s32 $0x34200, s0;
	[dreg:$0x6] =	wrdreg s20  }
0x9: {  	s24 =	smul.u32 $0x14000, s8;
	s8 =	simm.s32 $0x5;
	[dreg:$0x7] =	wrdreg s21  }
0xa: {  	s22 =	ssub.s32 $0x2, s2;
	p0 =	seq.s32 s2, $0x1;
	s5 =	simm.s32 $0x2  }
0xb: {  	s4 =	sadd.s32 s9, s0;
	s7 =	sshrl.u32 s22, $0x1;
	s28 =	sshrl.u32 s24, $0x2  }
0xc: {  	s30 =	sadd.s32 $0x200, s9;
	s24 =	sadd.s32 s12, s9;
	[dreg:$0x4] =	wrdreg s9  }
0xd: {  	s14 =	sadd.s32 $0x400, s9;
	s25 =	sadd.s32 $0xC000, s4;
	[dreg:$0x15] =	wrdreg s24  }
0xe: {  	s15 =	sadd.s32 $0x600, s9;
	s26 =	sadd.s32 $0x2000, s4;
	[dreg:$0x8] =	wrdreg s25  }
0xf: {  	s17 =	sadd.s32 $0x800, s9;
	s4 =	sadd.s32 $0x16200, s4;
	[dreg:$0x9] =	wrdreg s26  }
0x10: {  	s23 =	ssub.s32 s22, s7;
	s13 =	sadd.s32 s1, s30;
	[dreg:$0xa] =	wrdreg s4  }
0x11: {  	s31 =	sadd.s32 s28, s3;
	s18 =	sadd.s32 s1, s14;
	[dreg:$0xc] =	wrdreg s13  }
0x12: {  	s19 =	sadd.s32 s1, s15;
	s20 =	sadd.s32 s1, s17;
	[dreg:$0xd] =	wrdreg s18  }
0x13: {  	s21 =	sadd.s32 s6, s15;
	s22 =	sadd.s32 s6, s17;
	[dreg:$0xe] =	wrdreg s19  }
0x14: {  	s24 =	simm.s32 $0xAFA0;
	s15 =	simm.s32 $0xDE80;
	[dreg:$0xf] =	wrdreg s20  }
0x15: {  	s17 =	simm.s32 $0x1;
	s0 =	smax.u32 s23, $0x1;
	[dreg:$0x12] =	wrdreg s21  }
0x16: {  	s4 =	sadd.s32 s6, s30;
	[dreg:$0x13] =	wrdreg s22;
	s23 =	sadd.s32 s10, s9  }
0x17: {  	s25 =	sadd.s32 s1, s9;
	s26 =	sadd.s32 $0x1000, s31;
	[dreg:$0xb] =	wrdreg s0  }
0x18: {  	s28 =	sadd.s32 $0x2000, s31;
	s30 =	sadd.s32 $0x3000, s31;
	[dreg:$0x10] =	wrdreg s4  }
0x19: {  	s2 =	sadd.s32 $0x4000, s31;
	s18 =	simm.s32 $0x13E20;
	[dreg:$0x14] =	wrdreg s23  }
0x1a: {  	s20 =	simm.s32 $0x14E20;
	s21 =	simm.s32 $0x7D;
	[dreg:$0x16] =	wrdreg s25  }
.Ltmp0:
0x1b: {  	s22 =	simm.s32 $0xA000;
	[dreg:$0x17] =	wrdreg s26;
	(pc) =	sbr.rel .LBB2_1-.Ltmp0, $4  }
0x1c: {  	s13 =	simm.s32 $0xCEE0;
	s0 =	sadd.s32 s6, s14;
	[dreg:$0x18] =	wrdreg s28  }
0x1d: {  	[dreg:$0x19] =	wrdreg s30;
	s23 =	simm.s32 $0x3;
	s25 =	simm.s32 $0x4  }
0x1e: {  	[dreg:$0x11] =	wrdreg s0;
	s0 =	smov.u32 s31;
	s31 =	sadd.s32 s6, s9  }
0x1f: {  	v0 =	vimm.bf16 $1.2500e+00;
	s14 =	simm.s32 $0x0;
	s9 =	simm.s32 $0x6;
	[dreg:$0x1a] =	wrdreg s31  }
.LBB2_40:
0x20: {  	s7 =	rddreg [dreg:$0x4]  }
0x21: {  	s30 =	simm.s32 $0xEE20;
	s4 =	sadd.s32 s4, s7  }
0x22: {  	[hbm4b:s4+s16] =	stream.linear.scatter [tilespmem:s30], [sflag:$0x6], $0x5000, $0x38;
	[tilespmem:$0x1FE20] =	vst v63  }
0x23: {  	_ =	swait.ge [sflag:s9], $0x5000  }
0x24: {  	s14 =	sadd.s32 $0x1, s14;
	s31 =	rddreg [dreg:$0xb]  }
0x25: {  	p1 =	sne.s32 s14, s31  }
.Ltmp1:
0x26: {  	_ = 	snop;
	(pc) =	sbr.rel @!p1 .LBB2_41-.Ltmp1, $3  }
0x27: {  	_ =	sdelay $0x1  }
0x28: {  	[sflag:s9] =	ssyncset.done $0x0  }
0x29: {  	[sflag:s9] =	ssyncadd.s32 $0xFFFFB000  }
.LBB2_1:
0x2a: {  	[dreg:$0x1b] =	wrdreg s14  }
0x2b: {  	s4 =	rddreg [dreg:$0x8]  }
0x2c: {  	[tilespmem:s16], [sflag:$0x6] =	stream.linear.gather [hbm4b:s4+s16], $0x5000, $0x38;
	[tilespmem:$0x1FE20] =	vst v63  }
0x2d: {  	_ =	swait.ge [sflag:s9], $0x5000  }
0x2e: {  	[sflag:s9] =	ssyncset.done $0x0  }
0x2f: {  	s7 =	simm.s32 $0x5000;
	s28 =	rddreg [dreg:$0x9];
	[sflag:s9] =	ssyncadd.s32 $0xFFFFB000  }
0x30: {  	[tilespmem:s7], [sflag:$0x6] =	stream.linear.gather [hbm4b:s28+s16], $0x5000, $0x38;
	[tilespmem:$0x1FE20] =	vst v63  }
0x31: {  	_ =	swait.ge [sflag:s9], $0x5000  }
0x32: {  	s31 =	simm.s32 $0x15E20;
	[sflag:s9] =	ssyncset.done $0x0  }
.Ltmp2:
0x33: {  	s30 =	rddreg [dreg:$0xa];
	[sflag:s9] =	ssyncadd.s32 $0xFFFFB000;
	(pc) =	sbr.rel @!p0 .LBB2_2-.Ltmp2, $4  }
0x34: {  	[tilespmem:s31], [sflag:$0x6] =	stream.linear.gather [hbm4b:s30+s16], $0x5000, $0x38;
	[tilespmem:$0x1FE20] =	vst v63  }
0x35: {  	_ =	swait.ge [sflag:s9], $0x5000  }
0x36: {  	[sflag:s9] =	ssyncset.done $0x0  }
0x37: {  	s4 =	simm.s32 $0x0;
	[sflag:s9] =	ssyncadd.s32 $0xFFFFB000  }
0x38: {  	s7 =	rddreg [dreg:$0x1a]  }
0x39: {  	[tilespmem:s18], [sflag:$0x6] =	stream.linear.gather [hbm4b:s7+s4], $0x1000, $0x38;
	[tilespmem:$0x1FE20] =	vst v63  }
0x3a: {  	_ =	swait.ge [sflag:s9], $0x1000  }
0x3b: {  	[sflag:s9] =	ssyncset.done $0x0  }
0x3c: {  	s4 =	simm.s32 $0x0;
	[sflag:s9] =	ssyncadd.s32 $0xFFFFF000  }
0x3d: {  	v1 =	vld [tilespmem:s4+$0x13E30]  }
0x3e: {  	v2 =	vld [tilespmem:s4+$0x13E20]  }
0x3f: {  	s7 =	simm.s32 $0x80  }
.LBB2_22:
0x40: {  	p1 =	sne.s32 s7, $0x3F80  }
.Ltmp3:
0x41: {  	_ = 	snop;
	(pc) =	sbr.rel @p1 .LBB2_22-.Ltmp3, $4  }
0x42: {  	s14 =	sshra.s32 s7, $0x2;
	v3 =	vmul.bf16 v0, v1  }
0x43: {  	v1 =	vld [tilespmem:s14+$0x13E30];
	v4 =	vmul.bf16 v0, v2  }
0x44: {  	v2 =	vld [tilespmem:s14+$0x13E20];
	[tilespmem:s4+$0xEE30] =	vst v3  }
0x45: {  	s7 =	sadd.s32 $0x80, s7;
	[tilespmem:s4+$0xEE20] =	vst v4;
	s4 =	smov.u32 s14  }
0x46: {  	_ =	sdelay $0x1  }
0x47: {  	v1 =	vmul.bf16 v0, v1  }
0x48: {  	v2 =	vmul.bf16 v0, v2  }
0x49: {  	[tilespmem:s4+$0xEE30] =	vst v1  }
0x4a: {  	s31 =	simm.s32 $0x0;
	s7 =	rddreg [dreg:$0x10];
	[tilespmem:s4+$0xEE20] =	vst v2  }
0x4b: {  	[tilespmem:s18], [sflag:$0x6] =	stream.linear.gather [hbm4b:s7+s31], $0x1000, $0x38;
	[tilespmem:$0x1FE20] =	vst v63  }
0x4c: {  	_ =	swait.ge [sflag:s9], $0x1000  }
0x4d: {  	[sflag:s9] =	ssyncset.done $0x0  }
0x4e: {  	s4 =	simm.s32 $0x0;
	[sflag:s9] =	ssyncadd.s32 $0xFFFFF000  }
0x4f: {  	v1 =	vld [tilespmem:s4+$0x13E30]  }
0x50: {  	v2 =	vld [tilespmem:s4+$0x13E20]  }
0x51: {  	s7 =	simm.s32 $0x80  }
.LBB2_24:
0x52: {  	p1 =	sne.s32 s7, $0x3F80  }
.Ltmp4:
0x53: {  	_ = 	snop;
	(pc) =	sbr.rel @p1 .LBB2_24-.Ltmp4, $4  }
0x54: {  	s14 =	sshra.s32 s7, $0x2;
	v3 =	vmul.bf16 v0, v1  }
0x55: {  	v1 =	vld [tilespmem:s14+$0x13E30];
	v4 =	vmul.bf16 v0, v2  }
0x56: {  	v2 =	vld [tilespmem:s14+$0x13E20];
	[tilespmem:s4+$0xFE30] =	vst v3  }
0x57: {  	s7 =	sadd.s32 $0x80, s7;
	[tilespmem:s4+$0xFE20] =	vst v4;
	s4 =	smov.u32 s14  }
0x58: {  	_ =	sdelay $0x1  }
0x59: {  	v1 =	vmul.bf16 v0, v1  }
0x5a: {  	v2 =	vmul.bf16 v0, v2  }
0x5b: {  	[tilespmem:s4+$0xFE30] =	vst v1  }
0x5c: {  	s31 =	simm.s32 $0x0;
	s7 =	rddreg [dreg:$0x11];
	[tilespmem:s4+$0xFE20] =	vst v2  }
0x5d: {  	[tilespmem:s18], [sflag:$0x6] =	stream.linear.gather [hbm4b:s7+s31], $0x1000, $0x38;
	[tilespmem:$0x1FE20] =	vst v63  }
0x5e: {  	_ =	swait.ge [sflag:s9], $0x1000  }
0x5f: {  	[sflag:s9] =	ssyncset.done $0x0  }
0x60: {  	s4 =	simm.s32 $0x0;
	[sflag:s9] =	ssyncadd.s32 $0xFFFFF000  }
0x61: {  	v1 =	vld [tilespmem:s4+$0x13E30]  }
0x62: {  	v2 =	vld [tilespmem:s4+$0x13E20]  }
0x63: {  	s7 =	simm.s32 $0x80  }
.LBB2_26:
0x64: {  	p1 =	sne.s32 s7, $0x3F80  }
.Ltmp5:
0x65: {  	_ = 	snop;
	(pc) =	sbr.rel @p1 .LBB2_26-.Ltmp5, $4  }
0x66: {  	s14 =	sshra.s32 s7, $0x2;
	v3 =	vmul.bf16 v0, v1  }
0x67: {  	v1 =	vld [tilespmem:s14+$0x13E30];
	v4 =	vmul.bf16 v0, v2  }
0x68: {  	v2 =	vld [tilespmem:s14+$0x13E20];
	[tilespmem:s4+$0x10E30] =	vst v3  }
0x69: {  	s7 =	sadd.s32 $0x80, s7;
	[tilespmem:s4+$0x10E20] =	vst v4;
	s4 =	smov.u32 s14  }
0x6a: {  	_ =	sdelay $0x1  }
0x6b: {  	v1 =	vmul.bf16 v0, v1  }
0x6c: {  	v2 =	vmul.bf16 v0, v2  }
0x6d: {  	[tilespmem:s4+$0x10E30] =	vst v1  }
0x6e: {  	s31 =	simm.s32 $0x0;
	s7 =	rddreg [dreg:$0x12];
	[tilespmem:s4+$0x10E20] =	vst v2  }
0x6f: {  	[tilespmem:s18], [sflag:$0x6] =	stream.linear.gather [hbm4b:s7+s31], $0x1000, $0x38;
	[tilespmem:$0x1FE20] =	vst v63  }
0x70: {  	_ =	swait.ge [sflag:s9], $0x1000  }
0x71: {  	[sflag:s9] =	ssyncset.done $0x0  }
0x72: {  	s4 =	simm.s32 $0x0;
	[sflag:s9] =	ssyncadd.s32 $0xFFFFF000  }
0x73: {  	v1 =	vld [tilespmem:s4+$0x13E30]  }
0x74: {  	v2 =	vld [tilespmem:s4+$0x13E20]  }
0x75: {  	s7 =	simm.s32 $0x80  }
.LBB2_28:
0x76: {  	p1 =	sne.s32 s7, $0x3F80  }
.Ltmp6:
0x77: {  	_ = 	snop;
	(pc) =	sbr.rel @p1 .LBB2_28-.Ltmp6, $4  }
0x78: {  	s14 =	sshra.s32 s7, $0x2;
	v3 =	vmul.bf16 v0, v1  }
0x79: {  	v1 =	vld [tilespmem:s14+$0x13E30];
	v4 =	vmul.bf16 v0, v2  }
0x7a: {  	v2 =	vld [tilespmem:s14+$0x13E20];
	[tilespmem:s4+$0x11E30] =	vst v3  }
0x7b: {  	s7 =	sadd.s32 $0x80, s7;
	[tilespmem:s4+$0x11E20] =	vst v4;
	s4 =	smov.u32 s14  }
0x7c: {  	_ =	sdelay $0x1  }
0x7d: {  	v1 =	vmul.bf16 v0, v1  }
0x7e: {  	v2 =	vmul.bf16 v0, v2  }
0x7f: {  	[tilespmem:s4+$0x11E30] =	vst v1  }
0x80: {  	s31 =	simm.s32 $0x0;
	s7 =	rddreg [dreg:$0x13];
	[tilespmem:s4+$0x11E20] =	vst v2  }
0x81: {  	[tilespmem:s18], [sflag:$0x6] =	stream.linear.gather [hbm4b:s7+s31], $0x1000, $0x38;
	[tilespmem:$0x1FE20] =	vst v63  }
0x82: {  	_ =	swait.ge [sflag:s9], $0x1000  }
0x83: {  	[sflag:s9] =	ssyncset.done $0x0  }
0x84: {  	s4 =	simm.s32 $0x0;
	[sflag:s9] =	ssyncadd.s32 $0xFFFFF000  }
0x85: {  	v1 =	vld [tilespmem:s4+$0x13E30]  }
0x86: {  	v2 =	vld [tilespmem:s4+$0x13E20]  }
0x87: {  	s7 =	simm.s32 $0x80  }
.LBB2_30:
0x88: {  	p1 =	sne.s32 s7, $0x3F80  }
.Ltmp7:
0x89: {  	_ = 	snop;
	(pc) =	sbr.rel @p1 .LBB2_30-.Ltmp7, $4  }
0x8a: {  	s14 =	sshra.s32 s7, $0x2;
	v3 =	vmul.bf16 v0, v1  }
0x8b: {  	v1 =	vld [tilespmem:s14+$0x13E30];
	v4 =	vmul.bf16 v0, v2  }
0x8c: {  	v2 =	vld [tilespmem:s14+$0x13E20];
	[tilespmem:s4+$0x12E30] =	vst v3  }
0x8d: {  	s7 =	sadd.s32 $0x80, s7;
	[tilespmem:s4+$0x12E20] =	vst v4;
	s4 =	smov.u32 s14  }
0x8e: {  	_ =	sdelay $0x1  }
0x8f: {  	v1 =	vmul.bf16 v0, v1  }
0x90: {  	v2 =	vmul.bf16 v0, v2  }
0x91: {  	[tilespmem:s4+$0x12E30] =	vst v1  }
0x92: {  	s14 =	simm.s32 $0x0;
	s31 =	rddreg [dreg:$0x15];
	s7 =	simm.s32 $0xEE20;
	[tilespmem:s4+$0x12E20] =	vst v2  }
0x93: {  	[hbm4b:s31+s14] =	stream.linear.scatter [tilespmem:s7], [sflag:$0x6], $0x5000, $0x38;
	[tilespmem:$0x1FE20] =	vst v63  }
0x94: {  	_ =	swait.ge [sflag:s9], $0x5000  }
0x95: {  	[sflag:s9] =	ssyncset.done $0x0  }
0x96: {  	s26 =	simm.s32 $0x0;
	[sflag:s9] =	ssyncadd.s32 $0xFFFFB000  }
.LBB2_32:
0x97: {  	s4 =	rddreg [dreg:$0x5]  }
0x98: {  	[tilespmem:s20], [sflag:$0x6] =	stream.linear.gather [hbm4b:s4+s14], $0x1000, $0x38;
	[tilespmem:$0x1FE20] =	vst v63  }
0x99: {  	_ =	swait.ge [sflag:s9], $0x1000  }
0x9a: {  	[sflag:s9] =	ssyncset.done $0x0  }
0x9b: {  	[sflag:s9] =	ssyncadd.s32 $0xFFFFF000  }
0x9c: {  	[spmem:s0] =	stream.linear.scatter [tilespmem:s20], [sflag:$0x6], $0x1000, $0x38;
	[tilespmem:$0x1FE20] =	vst v63  }
0x9d: {  	_ =	swait.ge [sflag:s9], $0x1000  }
0x9e: {  	[sflag:s9] =	ssyncset.done $0x0  }
0x9f: {  	s19 =	rddreg [dreg:$0x17];
	[sflag:s9] =	ssyncadd.s32 $0xFFFFF000  }
0xa0: {  	[spmem:s19] =	stream.linear.scatter [tilespmem:s20], [sflag:$0x6], $0x1000, $0x38;
	[tilespmem:$0x1FE20] =	vst v63  }
0xa1: {  	_ =	swait.ge [sflag:s9], $0x1000  }
0xa2: {  	[sflag:s9] =	ssyncset.done $0x0  }
0xa3: {  	s28 =	rddreg [dreg:$0x18];
	[sflag:s9] =	ssyncadd.s32 $0xFFFFF000  }
0xa4: {  	[spmem:s28] =	stream.linear.scatter [tilespmem:s20], [sflag:$0x6], $0x1000, $0x38;
	[tilespmem:$0x1FE20] =	vst v63  }
0xa5: {  	_ =	swait.ge [sflag:s9], $0x1000  }
0xa6: {  	[sflag:s9] =	ssyncset.done $0x0  }
0xa7: {  	s30 =	rddreg [dreg:$0x19];
	[sflag:s9] =	ssyncadd.s32 $0xFFFFF000  }
0xa8: {  	[spmem:s30] =	stream.linear.scatter [tilespmem:s20], [sflag:$0x6], $0x1000, $0x38;
	[tilespmem:$0x1FE20] =	vst v63  }
0xa9: {  	_ =	swait.ge [sflag:s9], $0x1000  }
0xaa: {  	[sflag:s9] =	ssyncset.done $0x0  }
0xab: {  	[sflag:s9] =	ssyncadd.s32 $0xFFFFF000  }
0xac: {  	[spmem:s2] =	stream.linear.scatter [tilespmem:s20], [sflag:$0x6], $0x1000, $0x38;
	[tilespmem:$0x1FE20] =	vst v63  }
0xad: {  	_ =	swait.ge [sflag:s9], $0x1000  }
0xae: {  	[sflag:s9] =	ssyncset.done $0x0  }
0xaf: {  	[sflag:s9] =	ssyncadd.s32 $0xFFFFF000  }
0xb0: {  	[bflag:$0x0] =	sbarrier.arrive $0xFFFF  }
0xb1: {  	[tilespmem:s22], [sflag:$0x1] =	stream.indirect.gather [hbm4b:s12+s21], $0x20, s14, s21, $0xb8;
	[tilespmem:$0x1FE20] =	vst v63  }
0xb2: {  	s31 =	simm.s32 $0x80  }
0xb3: {  	[tilespmem:s24], [sflag:$0x2] =	stream.indirect.gather [hbm4b:s12+s21], $0x20, s31, s21, $0xb8;
	[tilespmem:$0x1FE20] =	vst v63  }
0xb4: {  	s7 =	simm.s32 $0x100  }
0xb5: {  	[tilespmem:s29], [sflag:$0x3] =	stream.indirect.gather [hbm4b:s12+s21], $0x20, s7, s21, $0xb8;
	[tilespmem:$0x1FE20] =	vst v63  }
0xb6: {  	s16 =	simm.s32 $0x180  }
0xb7: {  	[tilespmem:s13], [sflag:$0x4] =	stream.indirect.gather [hbm4b:s12+s21], $0x20, s16, s21, $0xb8;
	[tilespmem:$0x1FE20] =	vst v63  }
0xb8: {  	s19 =	simm.s32 $0x200  }
0xb9: {  	[tilespmem:s15], [sflag:$0x5] =	stream.indirect.gather [hbm4b:s12+s21], $0x20, s19, s21, $0xb8;
	[tilespmem:$0x1FE20] =	vst v63  }
0xba: {  	_ =	swait.ge [sflag:s17], $0xFA0  }
0xbb: {  	[sflag:s17] =	ssyncset.done $0x0  }
0xbc: {  	s28 =	simm.s32 $0x5000;
	[sflag:s17] =	ssyncadd.s32 $0xFFFFF060  }
0xbd: {  	[spmem:s3] =	stream.indirect.scatter.add.bf16 [tilespmem:s22], [sflag:$0x6], $0x20, s28, s21, $0xb8;
	[tilespmem:$0x1FE20] =	vst v63  }
0xbe: {  	_ =	swait.ge [sflag:s9], $0xFA0  }
0xbf: {  	[sflag:s9] =	ssyncset.done $0x0  }
0xc0: {  	s30 =	simm.s32 $0x280;
	[sflag:s9] =	ssyncadd.s32 $0xFFFFF060  }
0xc1: {  	[tilespmem:s22], [sflag:$0x1] =	stream.indirect.gather [hbm4b:s12+s21], $0x20, s30, s21, $0xb8;
	[tilespmem:$0x1FE20] =	vst v63  }
0xc2: {  	_ =	swait.ge [sflag:s5], $0xFA0  }
0xc3: {  	[sflag:s5] =	ssyncset.done $0x0  }
0xc4: {  	s31 =	simm.s32 $0x5080;
	[sflag:s5] =	ssyncadd.s32 $0xFFFFF060  }
0xc5: {  	[spmem:s3] =	stream.indirect.scatter.add.bf16 [tilespmem:s24], [sflag:$0x6], $0x20, s31, s21, $0xb8;
	[tilespmem:$0x1FE20] =	vst v63  }
0xc6: {  	_ =	swait.ge [sflag:s9], $0xFA0  }
0xc7: {  	[sflag:s9] =	ssyncset.done $0x0  }
0xc8: {  	s7 =	simm.s32 $0x300;
	[sflag:s9] =	ssyncadd.s32 $0xFFFFF060  }
0xc9: {  	[tilespmem:s24], [sflag:$0x2] =	stream.indirect.gather [hbm4b:s12+s21], $0x20, s7, s21, $0xb8;
	[tilespmem:$0x1FE20] =	vst v63  }
0xca: {  	_ =	swait.ge [sflag:s23], $0xFA0  }
0xcb: {  	[sflag:s23] =	ssyncset.done $0x0  }
0xcc: {  	s16 =	simm.s32 $0x5100;
	[sflag:s23] =	ssyncadd.s32 $0xFFFFF060  }
0xcd: {  	[spmem:s3] =	stream.indirect.scatter.add.bf16 [tilespmem:s29], [sflag:$0x6], $0x20, s16, s21, $0xb8;
	[tilespmem:$0x1FE20] =	vst v63  }
0xce: {  	_ =	swait.ge [sflag:s9], $0xFA0  }
0xcf: {  	[sflag:s9] =	ssyncset.done $0x0  }
0xd0: {  	s19 =	simm.s32 $0x380;
	[sflag:s9] =	ssyncadd.s32 $0xFFFFF060  }
0xd1: {  	[tilespmem:s29], [sflag:$0x3] =	stream.indirect.gather [hbm4b:s12+s21], $0x20, s19, s21, $0xb8;
	[tilespmem:$0x1FE20] =	vst v63  }
0xd2: {  	_ =	swait.ge [sflag:s25], $0xFA0  }
0xd3: {  	[sflag:s25] =	ssyncset.done $0x0  }
0xd4: {  	s28 =	simm.s32 $0x5180;
	[sflag:s25] =	ssyncadd.s32 $0xFFFFF060  }
0xd5: {  	[spmem:s3] =	stream.indirect.scatter.add.bf16 [tilespmem:s13], [sflag:$0x6], $0x20, s28, s21, $0xb8;
	[tilespmem:$0x1FE20] =	vst v63  }
0xd6: {  	_ =	swait.ge [sflag:s9], $0xFA0  }
0xd7: {  	[sflag:s9] =	ssyncset.done $0x0  }
0xd8: {  	s30 =	simm.s32 $0x400;
	[sflag:s9] =	ssyncadd.s32 $0xFFFFF060  }
0xd9: {  	[tilespmem:s13], [sflag:$0x4] =	stream.indirect.gather [hbm4b:s12+s21], $0x20, s30, s21, $0xb8;
	[tilespmem:$0x1FE20] =	vst v63  }
0xda: {  	_ =	swait.ge [sflag:s8], $0xFA0  }
0xdb: {  	[sflag:s8] =	ssyncset.done $0x0  }
0xdc: {  	s31 =	simm.s32 $0x5200;
	[sflag:s8] =	ssyncadd.s32 $0xFFFFF060  }
0xdd: {  	[spmem:s3] =	stream.indirect.scatter.add.bf16 [tilespmem:s15], [sflag:$0x6], $0x20, s31, s21, $0xb8;
	[tilespmem:$0x1FE20] =	vst v63  }
0xde: {  	_ =	swait.ge [sflag:s9], $0xFA0  }
0xdf: {  	[sflag:s9] =	ssyncset.done $0x0  }
0xe0: {  	s4 =	simm.s32 $0xA00;
	s7 =	simm.s32 $0x480;
	[sflag:s9] =	ssyncadd.s32 $0xFFFFF060  }
.LBB2_33:
0xe1: {  	[tilespmem:s15], [sflag:$0x5] =	stream.indirect.gather [hbm4b:s12+s21], $0x20, s7, s21, $0xb8;
	[tilespmem:$0x1FE20] =	vst v63  }
0xe2: {  	s7 =	smov.u32 s4  }
0xe3: {  	p1 =	sne.s32 s4, $0x12C00;
	s4 =	sadd.s32 $0xA00, s4;
	_ =	swait.ge [sflag:s17], $0xFA0  }
0xe4: {  	s7 =	sshra.s32 s7, $0x2;
	[sflag:s17] =	ssyncset.done $0x0  }
0xe5: {  	s16 =	sadd.s32 $0x5000, s7;
	[sflag:s17] =	ssyncadd.s32 $0xFFFFF060  }
0xe6: {  	[spmem:s3] =	stream.indirect.scatter.add.bf16 [tilespmem:s22], [sflag:$0x6], $0x20, s16, s21, $0xb8;
	[tilespmem:$0x1FE20] =	vst v63  }
0xe7: {  	_ =	swait.ge [sflag:s9], $0xFA0  }
0xe8: {  	[sflag:s9] =	ssyncset.done $0x0  }
0xe9: {  	s16 =	sadd.s32 $0x280, s7;
	[sflag:s9] =	ssyncadd.s32 $0xFFFFF060  }
0xea: {  	[tilespmem:s22], [sflag:$0x1] =	stream.indirect.gather [hbm4b:s12+s21], $0x20, s16, s21, $0xb8;
	[tilespmem:$0x1FE20] =	vst v63  }
0xeb: {  	_ =	swait.ge [sflag:s5], $0xFA0  }
0xec: {  	[sflag:s5] =	ssyncset.done $0x0  }
0xed: {  	s16 =	sadd.s32 $0x5080, s7;
	[sflag:s5] =	ssyncadd.s32 $0xFFFFF060  }
0xee: {  	[spmem:s3] =	stream.indirect.scatter.add.bf16 [tilespmem:s24], [sflag:$0x6], $0x20, s16, s21, $0xb8;
	[tilespmem:$0x1FE20] =	vst v63  }
0xef: {  	_ =	swait.ge [sflag:s9], $0xFA0  }
0xf0: {  	[sflag:s9] =	ssyncset.done $0x0  }
0xf1: {  	s16 =	sadd.s32 $0x300, s7;
	[sflag:s9] =	ssyncadd.s32 $0xFFFFF060  }
0xf2: {  	[tilespmem:s24], [sflag:$0x2] =	stream.indirect.gather [hbm4b:s12+s21], $0x20, s16, s21, $0xb8;
	[tilespmem:$0x1FE20] =	vst v63  }
0xf3: {  	_ =	swait.ge [sflag:s23], $0xFA0  }
0xf4: {  	[sflag:s23] =	ssyncset.done $0x0  }
0xf5: {  	s16 =	sadd.s32 $0x5100, s7;
	[sflag:s23] =	ssyncadd.s32 $0xFFFFF060  }
0xf6: {  	[spmem:s3] =	stream.indirect.scatter.add.bf16 [tilespmem:s29], [sflag:$0x6], $0x20, s16, s21, $0xb8;
	[tilespmem:$0x1FE20] =	vst v63  }
0xf7: {  	_ =	swait.ge [sflag:s9], $0xFA0  }
0xf8: {  	[sflag:s9] =	ssyncset.done $0x0  }
0xf9: {  	s16 =	sadd.s32 $0x380, s7;
	[sflag:s9] =	ssyncadd.s32 $0xFFFFF060  }
0xfa: {  	[tilespmem:s29], [sflag:$0x3] =	stream.indirect.gather [hbm4b:s12+s21], $0x20, s16, s21, $0xb8;
	[tilespmem:$0x1FE20] =	vst v63  }
0xfb: {  	_ =	swait.ge [sflag:s25], $0xFA0  }
0xfc: {  	[sflag:s25] =	ssyncset.done $0x0  }
0xfd: {  	s16 =	sadd.s32 $0x5180, s7;
	[sflag:s25] =	ssyncadd.s32 $0xFFFFF060  }
0xfe: {  	[spmem:s3] =	stream.indirect.scatter.add.bf16 [tilespmem:s13], [sflag:$0x6], $0x20, s16, s21, $0xb8;
	[tilespmem:$0x1FE20] =	vst v63  }
0xff: {  	_ =	swait.ge [sflag:s9], $0xFA0  }
0x100: {  	[sflag:s9] =	ssyncset.done $0x0  }
0x101: {  	s16 =	sadd.s32 $0x400, s7;
	[sflag:s9] =	ssyncadd.s32 $0xFFFFF060  }
0x102: {  	[tilespmem:s13], [sflag:$0x4] =	stream.indirect.gather [hbm4b:s12+s21], $0x20, s16, s21, $0xb8;
	[tilespmem:$0x1FE20] =	vst v63  }
0x103: {  	_ =	swait.ge [sflag:s8], $0xFA0  }
0x104: {  	[sflag:s8] =	ssyncset.done $0x0  }
.Ltmp8:
0x105: {  	s16 =	sadd.s32 $0x5200, s7;
	[sflag:s8] =	ssyncadd.s32 $0xFFFFF060;
	(pc) =	sbr.rel @p1 .LBB2_33-.Ltmp8, $4  }
0x106: {  	[spmem:s3] =	stream.indirect.scatter.add.bf16 [tilespmem:s15], [sflag:$0x6], $0x20, s16, s21, $0xb8;
	[tilespmem:$0x1FE20] =	vst v63  }
0x107: {  	_ =	swait.ge [sflag:s9], $0xFA0  }
0x108: {  	[sflag:s9] =	ssyncset.done $0x0  }
0x109: {  	s7 =	sadd.s32 $0x480, s7;
	[sflag:s9] =	ssyncadd.s32 $0xFFFFF060  }
0x10a: {  	[tilespmem:s15], [sflag:$0x5] =	stream.indirect.gather [hbm4b:s12+s21], $0x20, s7, s21, $0xb8;
	[tilespmem:$0x1FE20] =	vst v63  }
0x10b: {  	_ =	swait.ge [sflag:s17], $0xFA0  }
0x10c: {  	[sflag:s17] =	ssyncset.done $0x0  }
0x10d: {  	s4 =	simm.s32 $0x9D80;
	[sflag:s17] =	ssyncadd.s32 $0xFFFFF060  }
0x10e: {  	[spmem:s3] =	stream.indirect.scatter.add.bf16 [tilespmem:s22], [sflag:$0x6], $0x20, s4, s21, $0xb8;
	[tilespmem:$0x1FE20] =	vst v63  }
0x10f: {  	_ =	swait.ge [sflag:s9], $0xFA0  }
0x110: {  	[sflag:s9] =	ssyncset.done $0x0  }
0x111: {  	[sflag:s9] =	ssyncadd.s32 $0xFFFFF060  }
0x112: {  	_ =	swait.ge [sflag:s5], $0xFA0  }
0x113: {  	[sflag:s5] =	ssyncset.done $0x0  }
0x114: {  	s16 =	simm.s32 $0x9E00;
	[sflag:s5] =	ssyncadd.s32 $0xFFFFF060  }
0x115: {  	[spmem:s3] =	stream.indirect.scatter.add.bf16 [tilespmem:s24], [sflag:$0x6], $0x20, s16, s21, $0xb8;
	[tilespmem:$0x1FE20] =	vst v63  }
0x116: {  	_ =	swait.ge [sflag:s9], $0xFA0  }
0x117: {  	[sflag:s9] =	ssyncset.done $0x0  }
0x118: {  	[sflag:s9] =	ssyncadd.s32 $0xFFFFF060  }
0x119: {  	_ =	swait.ge [sflag:s23], $0xFA0  }
0x11a: {  	[sflag:s23] =	ssyncset.done $0x0  }
0x11b: {  	s19 =	simm.s32 $0x9E80;
	[sflag:s23] =	ssyncadd.s32 $0xFFFFF060  }
0x11c: {  	[spmem:s3] =	stream.indirect.scatter.add.bf16 [tilespmem:s29], [sflag:$0x6], $0x20, s19, s21, $0xb8;
	[tilespmem:$0x1FE20] =	vst v63  }
0x11d: {  	_ =	swait.ge [sflag:s9], $0xFA0  }
0x11e: {  	[sflag:s9] =	ssyncset.done $0x0  }
0x11f: {  	[sflag:s9] =	ssyncadd.s32 $0xFFFFF060  }
0x120: {  	_ =	swait.ge [sflag:s25], $0xFA0  }
0x121: {  	[sflag:s25] =	ssyncset.done $0x0  }
0x122: {  	s30 =	simm.s32 $0x9F00;
	[sflag:s25] =	ssyncadd.s32 $0xFFFFF060  }
0x123: {  	[spmem:s3] =	stream.indirect.scatter.add.bf16 [tilespmem:s13], [sflag:$0x6], $0x20, s30, s21, $0xb8;
	[tilespmem:$0x1FE20] =	vst v63  }
0x124: {  	_ =	swait.ge [sflag:s9], $0xFA0  }
0x125: {  	[sflag:s9] =	ssyncset.done $0x0  }
0x126: {  	[sflag:s9] =	ssyncadd.s32 $0xFFFFF060  }
0x127: {  	_ =	swait.ge [sflag:s8], $0xFA0  }
0x128: {  	[sflag:s8] =	ssyncset.done $0x0  }
0x129: {  	s31 =	simm.s32 $0x9F80;
	[sflag:s8] =	ssyncadd.s32 $0xFFFFF060  }
0x12a: {  	[spmem:s3] =	stream.indirect.scatter.add.bf16 [tilespmem:s15], [sflag:$0x6], $0x20, s31, s21, $0xb8;
	[tilespmem:$0x1FE20] =	vst v63  }
0x12b: {  	_ =	swait.ge [sflag:s9], $0xFA0  }
0x12c: {  	[sflag:s9] =	ssyncset.done $0x0  }
0x12d: {  	s28 =	simm.s32 $0x0;
	s7 =	simm.s32 $0x0;
	[sflag:s9] =	ssyncadd.s32 $0xFFFFF060  }
0x12e: {  	s4 =	simm.s32 $0x15E30;
	s19 =	simm.s32 $0xEE30;
	[bflag:$0x0] =	sbarrier.arrive $0xFFFF  }
.LBB2_35:
0x12f: {  	s16 =	sshll.u32 s7, $0x7  }
0x130: {  	s16 =	sadd.s32 s11, s16  }
0x131: {  	s30 =	sshll.u32 s16, $0x5  }
0x132: {  	s30 =	sand.u32 $0x3FFFFFE0, s30  }
0x133: {  	s30 =	sadd.s32 s30, s3  }
0x134: {  	[tilespmem:s20], [sflag:$0x6] =	stream.linear.gather [spmem:s30], $0x1000, $0x38;
	[tilespmem:$0x1FE20] =	vst v63  }
0x135: {  	_ =	swait.ge [sflag:s9], $0x1000  }
0x136: {  	s16 =	sshll.u32 s16, $0x2;
	[sflag:s9] =	ssyncset.done $0x0  }
0x137: {  	v1 =	vmov s19;
	s16 =	sadd.s32 s6, s16;
	[sflag:s9] =	ssyncadd.s32 $0xFFFFF000  }
0x138: {  	[tilespmem:s18], [sflag:$0x6] =	stream.linear.gather [hbm4b:s16+s28], $0x1000, $0x38;
	[tilespmem:$0x1FE20] =	vst v63  }
0x139: {  	_ =	swait.ge [sflag:s9], $0x1000  }
0x13a: {  	v2 =	vmov s4;
	[sflag:s9] =	ssyncset.done $0x0  }
0x13b: {  	s16 =	simm.s32 $0x0;
	[sflag:s9] =	ssyncadd.s32 $0xFFFFF000  }
0x13c: {  	v3 =	vld.idx.msk [tilespmem:v1+s16+$0xFFFFFFF0 ss:$0x1], $0xffff  }
0x13d: {  	v4 =	vld [tilespmem:s16+$0x14E20];
	_ =	sdelay $0x1  }
0x13e: {  	v5 =	vld.idx.msk [tilespmem:v2+s16+$0xFFFFFFF0 ss:$0x1], $0xffff;
	_ =	sdelay $0x1  }
0x13f: {  	v6 =	vld [tilespmem:s16+$0x13E20]  }
0x140: {  	v3 =	vadd.bf16 v3, v4;
	_ =	sdelay $0x1  }
0x141: {  	v3 =	vmul.bf16 v3, v5;
	_ =	sdelay $0x1  }
0x142: {  	v3 =	vadd.bf16 v3, v6;
	_ =	sdelay $0x1  }
0x143: {  	[tilespmem:v1+s16+$0xFFFFFFF0 ss:$0x1] =	vst.idx.msk $0xffff, v3  }
0x144: {  	v3 =	vld.idx.msk [tilespmem:v1+s16+$0x0 ss:$0x1], $0xffff  }
0x145: {  	v4 =	vld [tilespmem:s16+$0x14E30];
	_ =	sdelay $0x1  }
0x146: {  	v5 =	vld.idx.msk [tilespmem:v2+s16+$0x0 ss:$0x1], $0xffff;
	_ =	sdelay $0x1  }
0x147: {  	v63 =	vld [tilespmem:s16+$0x13E30]  }
0x148: {  	v3 =	vadd.bf16 v3, v4;
	_ =	sdelay $0x1  }
0x149: {  	v3 =	vmul.bf16 v3, v5;
	_ =	sdelay $0x1  }
0x14a: {  	s31 =	simm.s32 $0x100;
	s30 =	simm.s32 $0x80;
	v3 =	vadd.bf16 v3, v63  }
.LBB2_36:
0x14b: {  	p1 =	sne.s32 s31, $0x3F80  }
0x14c: {  	[tilespmem:v1+s16+$0x0 ss:$0x1] =	vst.idx.msk $0xffff, v3;
	s16 =	sshra.s32 s30, $0x2;
	s30 =	smov.u32 s31;
	s31 =	sadd.s32 $0x80, s31  }
0x14d: {  	v3 =	vld.idx.msk [tilespmem:v1+s16+$0xFFFFFFF0 ss:$0x1], $0xffff  }
0x14e: {  	v4 =	vld [tilespmem:s16+$0x14E20]  }
0x14f: {  	v5 =	vld.idx.msk [tilespmem:v2+s16+$0xFFFFFFF0 ss:$0x1], $0xffff;
	_ =	sdelay $0x2  }
0x150: {  	v6 =	vld [tilespmem:s16+$0x13E20]  }
0x151: {  	v3 =	vadd.bf16 v3, v4;
	_ =	sdelay $0x1  }
0x152: {  	v3 =	vmul.bf16 v3, v5;
	_ =	sdelay $0x1  }
0x153: {  	v3 =	vadd.bf16 v3, v6;
	_ =	sdelay $0x1  }
0x154: {  	[tilespmem:v1+s16+$0xFFFFFFF0 ss:$0x1] =	vst.idx.msk $0xffff, v3  }
0x155: {  	v3 =	vld.idx.msk [tilespmem:v1+s16+$0x0 ss:$0x1], $0xffff  }
0x156: {  	v4 =	vld [tilespmem:s16+$0x14E30]  }
0x157: {  	v5 =	vld.idx.msk [tilespmem:v2+s16+$0x0 ss:$0x1], $0xffff;
	_ =	sdelay $0x2  }
0x158: {  	v6 =	vld [tilespmem:s16+$0x13E30]  }
.Ltmp9:
0x159: {  	v3 =	vadd.bf16 v3, v4;
	(pc) =	sbr.rel @p1 .LBB2_36-.Ltmp9, $3  }
0x15a: {  	_ = 	snop  }
0x15b: {  	v3 =	vmul.bf16 v3, v5;
	_ =	sdelay $0x1  }
0x15c: {  	v3 =	vadd.bf16 v3, v6  }
0x15d: {  	_ =	sdelay $0x3  }
0x15e: {  	s30 =	sshra.s32 s30, $0x2;
	[tilespmem:v1+s16+$0x0 ss:$0x1] =	vst.idx.msk $0xffff, v3  }
0x15f: {  	v3 =	vld.idx.msk [tilespmem:v1+s30+$0xFFFFFFF0 ss:$0x1], $0xffff  }
0x160: {  	v4 =	vld [tilespmem:s30+$0x14E20];
	_ =	sdelay $0x1  }
0x161: {  	v5 =	vld.idx.msk [tilespmem:v2+s30+$0xFFFFFFF0 ss:$0x1], $0xffff;
	_ =	sdelay $0x1  }
0x162: {  	v6 =	vld [tilespmem:s30+$0x13E20]  }
0x163: {  	v3 =	vadd.bf16 v3, v4;
	_ =	sdelay $0x1  }
0x164: {  	v3 =	vmul.bf16 v3, v5;
	_ =	sdelay $0x1  }
0x165: {  	v3 =	vadd.bf16 v3, v6;
	_ =	sdelay $0x1  }
0x166: {  	[tilespmem:v1+s30+$0xFFFFFFF0 ss:$0x1] =	vst.idx.msk $0xffff, v3  }
0x167: {  	v3 =	vld.idx.msk [tilespmem:v1+s30+$0x0 ss:$0x1], $0xffff  }
0x168: {  	v62 =	vld [tilespmem:s30+$0x14E30];
	_ =	sdelay $0x1  }
0x169: {  	v2 =	vld.idx.msk [tilespmem:v2+s30+$0x0 ss:$0x1], $0xffff;
	_ =	sdelay $0x1  }
0x16a: {  	v63 =	vld [tilespmem:s30+$0x13E30]  }
0x16b: {  	s7 =	sadd.s32 $0x1, s7;
	v3 =	vadd.bf16 v3, v62  }
0x16c: {  	p1 =	sne.s32 s7, $0x5  }
.Ltmp10:
0x16d: {  	v2 =	vmul.bf16 v3, v2;
	(pc) =	sbr.rel @p1 .LBB2_35-.Ltmp10, $3  }
0x16e: {  	_ = 	snop  }
0x16f: {  	v2 =	vadd.bf16 v2, v63;
	_ =	sdelay $0x1  }
0x170: {  	s19 =	sadd.s32 $0x1000, s19;
	s4 =	sadd.s32 $0x1000, s4;
	[tilespmem:v1+s30+$0x0 ss:$0x1] =	vst.idx.msk $0xffff, v2  }
0x171: {  	s26 =	sadd.s32 $0x1, s26  }
0x172: {  	s16 =	simm.s32 $0x0;
	p1 =	sne.s32 s26, $0x5  }
.Ltmp11:
0x173: {  	s4 =	rddreg [dreg:$0x15];
	s7 =	simm.s32 $0xEE20;
	(pc) =	sbr.rel @p1 .LBB2_32-.Ltmp11, $4  }
0x174: {  	[hbm4b:s4+s16] =	stream.linear.scatter [tilespmem:s7], [sflag:$0x6], $0x5000, $0x38;
	[tilespmem:$0x1FE20] =	vst v63  }
0x175: {  	_ =	swait.ge [sflag:s9], $0x5000  }
0x176: {  	[sflag:s9] =	ssyncset.done $0x0  }
0x177: {  	[sflag:s9] =	ssyncadd.s32 $0xFFFFB000  }
.Ltmp12:
0x178: {  	(pc) =	sbr.rel .LBB2_40-.Ltmp12, $3  }
0x179: {  	_ =	sdelay $0x1  }
0x17a: {  	s4 =	rddreg [dreg:$0x7]  }
0x17b: {  	s14 =	rddreg [dreg:$0x1b]  }
.LBB2_2:
0x17c: {  	s7 =	rddreg [dreg:$0x16]  }
0x17d: {  	[tilespmem:s18], [sflag:$0x6] =	stream.linear.gather [hbm4b:s7+s4], $0x1000, $0x38;
	[tilespmem:$0x1FE20] =	vst v63  }
0x17e: {  	_ =	swait.ge [sflag:s9], $0x1000  }
0x17f: {  	[sflag:s9] =	ssyncset.done $0x0  }
0x180: {  	s4 =	simm.s32 $0x0;
	[sflag:s9] =	ssyncadd.s32 $0xFFFFF000  }
0x181: {  	v1 =	vld [tilespmem:s4+$0x13E30]  }
0x182: {  	v2 =	vld [tilespmem:s4+$0x13E20]  }
0x183: {  	s7 =	simm.s32 $0x80  }
.LBB2_3:
0x184: {  	p1 =	sne.s32 s7, $0x3F80  }
.Ltmp13:
0x185: {  	_ = 	snop;
	(pc) =	sbr.rel @p1 .LBB2_3-.Ltmp13, $4  }
0x186: {  	s14 =	sshra.s32 s7, $0x2;
	v3 =	vmul.bf16 v0, v1  }
0x187: {  	v1 =	vld [tilespmem:s14+$0x13E30];
	v4 =	vmul.bf16 v0, v2  }
0x188: {  	v2 =	vld [tilespmem:s14+$0x13E20];
	[tilespmem:s4+$0xEE30] =	vst v3  }
0x189: {  	s7 =	sadd.s32 $0x80, s7;
	[tilespmem:s4+$0xEE20] =	vst v4;
	s4 =	smov.u32 s14  }
0x18a: {  	_ =	sdelay $0x1  }
0x18b: {  	v1 =	vmul.bf16 v0, v1  }
0x18c: {  	v2 =	vmul.bf16 v0, v2  }
0x18d: {  	[tilespmem:s4+$0xEE30] =	vst v1  }
0x18e: {  	s31 =	simm.s32 $0x0;
	s7 =	rddreg [dreg:$0xc];
	[tilespmem:s4+$0xEE20] =	vst v2  }
0x18f: {  	[tilespmem:s18], [sflag:$0x6] =	stream.linear.gather [hbm4b:s7+s31], $0x1000, $0x38;
	[tilespmem:$0x1FE20] =	vst v63  }
0x190: {  	_ =	swait.ge [sflag:s9], $0x1000  }
0x191: {  	[sflag:s9] =	ssyncset.done $0x0  }
0x192: {  	s4 =	simm.s32 $0x0;
	[sflag:s9] =	ssyncadd.s32 $0xFFFFF000  }
0x193: {  	v1 =	vld [tilespmem:s4+$0x13E30]  }
0x194: {  	v2 =	vld [tilespmem:s4+$0x13E20]  }
0x195: {  	s7 =	simm.s32 $0x80  }
.LBB2_5:
0x196: {  	p1 =	sne.s32 s7, $0x3F80  }
.Ltmp14:
0x197: {  	_ = 	snop;
	(pc) =	sbr.rel @p1 .LBB2_5-.Ltmp14, $4  }
0x198: {  	s14 =	sshra.s32 s7, $0x2;
	v3 =	vmul.bf16 v0, v1  }
0x199: {  	v1 =	vld [tilespmem:s14+$0x13E30];
	v4 =	vmul.bf16 v0, v2  }
0x19a: {  	v2 =	vld [tilespmem:s14+$0x13E20];
	[tilespmem:s4+$0xFE30] =	vst v3  }
0x19b: {  	s7 =	sadd.s32 $0x80, s7;
	[tilespmem:s4+$0xFE20] =	vst v4;
	s4 =	smov.u32 s14  }
0x19c: {  	_ =	sdelay $0x1  }
0x19d: {  	v1 =	vmul.bf16 v0, v1  }
0x19e: {  	v2 =	vmul.bf16 v0, v2  }
0x19f: {  	[tilespmem:s4+$0xFE30] =	vst v1  }
0x1a0: {  	s31 =	simm.s32 $0x0;
	s7 =	rddreg [dreg:$0xd];
	[tilespmem:s4+$0xFE20] =	vst v2  }
0x1a1: {  	[tilespmem:s18], [sflag:$0x6] =	stream.linear.gather [hbm4b:s7+s31], $0x1000, $0x38;
	[tilespmem:$0x1FE20] =	vst v63  }
0x1a2: {  	_ =	swait.ge [sflag:s9], $0x1000  }
0x1a3: {  	[sflag:s9] =	ssyncset.done $0x0  }
0x1a4: {  	s4 =	simm.s32 $0x0;
	[sflag:s9] =	ssyncadd.s32 $0xFFFFF000  }
0x1a5: {  	v1 =	vld [tilespmem:s4+$0x13E30]  }
0x1a6: {  	v2 =	vld [tilespmem:s4+$0x13E20]  }
0x1a7: {  	s7 =	simm.s32 $0x80  }
.LBB2_7:
0x1a8: {  	p1 =	sne.s32 s7, $0x3F80  }
.Ltmp15:
0x1a9: {  	_ = 	snop;
	(pc) =	sbr.rel @p1 .LBB2_7-.Ltmp15, $4  }
0x1aa: {  	s14 =	sshra.s32 s7, $0x2;
	v3 =	vmul.bf16 v0, v1  }
0x1ab: {  	v1 =	vld [tilespmem:s14+$0x13E30];
	v4 =	vmul.bf16 v0, v2  }
0x1ac: {  	v2 =	vld [tilespmem:s14+$0x13E20];
	[tilespmem:s4+$0x10E30] =	vst v3  }
0x1ad: {  	s7 =	sadd.s32 $0x80, s7;
	[tilespmem:s4+$0x10E20] =	vst v4;
	s4 =	smov.u32 s14  }
0x1ae: {  	_ =	sdelay $0x1  }
0x1af: {  	v1 =	vmul.bf16 v0, v1  }
0x1b0: {  	v2 =	vmul.bf16 v0, v2  }
0x1b1: {  	[tilespmem:s4+$0x10E30] =	vst v1  }
0x1b2: {  	s31 =	simm.s32 $0x0;
	s7 =	rddreg [dreg:$0xe];
	[tilespmem:s4+$0x10E20] =	vst v2  }
0x1b3: {  	[tilespmem:s18], [sflag:$0x6] =	stream.linear.gather [hbm4b:s7+s31], $0x1000, $0x38;
	[tilespmem:$0x1FE20] =	vst v63  }
0x1b4: {  	_ =	swait.ge [sflag:s9], $0x1000  }
0x1b5: {  	[sflag:s9] =	ssyncset.done $0x0  }
0x1b6: {  	s4 =	simm.s32 $0x0;
	[sflag:s9] =	ssyncadd.s32 $0xFFFFF000  }
0x1b7: {  	v1 =	vld [tilespmem:s4+$0x13E30]  }
0x1b8: {  	v2 =	vld [tilespmem:s4+$0x13E20]  }
0x1b9: {  	s7 =	simm.s32 $0x80  }
.LBB2_9:
0x1ba: {  	p1 =	sne.s32 s7, $0x3F80  }
.Ltmp16:
0x1bb: {  	_ = 	snop;
	(pc) =	sbr.rel @p1 .LBB2_9-.Ltmp16, $4  }
0x1bc: {  	s14 =	sshra.s32 s7, $0x2;
	v3 =	vmul.bf16 v0, v1  }
0x1bd: {  	v1 =	vld [tilespmem:s14+$0x13E30];
	v4 =	vmul.bf16 v0, v2  }
0x1be: {  	v2 =	vld [tilespmem:s14+$0x13E20];
	[tilespmem:s4+$0x11E30] =	vst v3  }
0x1bf: {  	s7 =	sadd.s32 $0x80, s7;
	[tilespmem:s4+$0x11E20] =	vst v4;
	s4 =	smov.u32 s14  }
0x1c0: {  	_ =	sdelay $0x1  }
0x1c1: {  	v1 =	vmul.bf16 v0, v1  }
0x1c2: {  	v2 =	vmul.bf16 v0, v2  }
0x1c3: {  	[tilespmem:s4+$0x11E30] =	vst v1  }
0x1c4: {  	s31 =	simm.s32 $0x0;
	s7 =	rddreg [dreg:$0xf];
	[tilespmem:s4+$0x11E20] =	vst v2  }
0x1c5: {  	[tilespmem:s18], [sflag:$0x6] =	stream.linear.gather [hbm4b:s7+s31], $0x1000, $0x38;
	[tilespmem:$0x1FE20] =	vst v63  }
0x1c6: {  	_ =	swait.ge [sflag:s9], $0x1000  }
0x1c7: {  	[sflag:s9] =	ssyncset.done $0x0  }
0x1c8: {  	s4 =	simm.s32 $0x0;
	[sflag:s9] =	ssyncadd.s32 $0xFFFFF000  }
0x1c9: {  	v1 =	vld [tilespmem:s4+$0x13E30]  }
0x1ca: {  	v2 =	vld [tilespmem:s4+$0x13E20]  }
0x1cb: {  	s7 =	simm.s32 $0x80  }
.LBB2_11:
0x1cc: {  	p1 =	sne.s32 s7, $0x3F80  }
.Ltmp17:
0x1cd: {  	_ = 	snop;
	(pc) =	sbr.rel @p1 .LBB2_11-.Ltmp17, $4  }
0x1ce: {  	s14 =	sshra.s32 s7, $0x2;
	v3 =	vmul.bf16 v0, v1  }
0x1cf: {  	v1 =	vld [tilespmem:s14+$0x13E30];
	v4 =	vmul.bf16 v0, v2  }
0x1d0: {  	v2 =	vld [tilespmem:s14+$0x13E20];
	[tilespmem:s4+$0x12E30] =	vst v3  }
0x1d1: {  	s7 =	sadd.s32 $0x80, s7;
	[tilespmem:s4+$0x12E20] =	vst v4;
	s4 =	smov.u32 s14  }
0x1d2: {  	_ =	sdelay $0x1  }
0x1d3: {  	v1 =	vmul.bf16 v0, v1  }
0x1d4: {  	v2 =	vmul.bf16 v0, v2  }
0x1d5: {  	[tilespmem:s4+$0x12E30] =	vst v1  }
0x1d6: {  	s14 =	simm.s32 $0x0;
	s31 =	rddreg [dreg:$0x14];
	s7 =	simm.s32 $0xEE20;
	[tilespmem:s4+$0x12E20] =	vst v2  }
0x1d7: {  	[hbm4b:s31+s14] =	stream.linear.scatter [tilespmem:s7], [sflag:$0x6], $0x5000, $0x38;
	[tilespmem:$0x1FE20] =	vst v63  }
0x1d8: {  	_ =	swait.ge [sflag:s9], $0x5000  }
0x1d9: {  	[sflag:s9] =	ssyncset.done $0x0  }
0x1da: {  	s26 =	simm.s32 $0x0;
	[sflag:s9] =	ssyncadd.s32 $0xFFFFB000  }
.LBB2_13:
0x1db: {  	s4 =	rddreg [dreg:$0x5]  }
0x1dc: {  	[tilespmem:s20], [sflag:$0x6] =	stream.linear.gather [hbm4b:s4+s14], $0x1000, $0x38;
	[tilespmem:$0x1FE20] =	vst v63  }
0x1dd: {  	_ =	swait.ge [sflag:s9], $0x1000  }
0x1de: {  	[sflag:s9] =	ssyncset.done $0x0  }
0x1df: {  	[sflag:s9] =	ssyncadd.s32 $0xFFFFF000  }
0x1e0: {  	[spmem:s0] =	stream.linear.scatter [tilespmem:s20], [sflag:$0x6], $0x1000, $0x38;
	[tilespmem:$0x1FE20] =	vst v63  }
0x1e1: {  	_ =	swait.ge [sflag:s9], $0x1000  }
0x1e2: {  	[sflag:s9] =	ssyncset.done $0x0  }
0x1e3: {  	s19 =	rddreg [dreg:$0x17];
	[sflag:s9] =	ssyncadd.s32 $0xFFFFF000  }
0x1e4: {  	[spmem:s19] =	stream.linear.scatter [tilespmem:s20], [sflag:$0x6], $0x1000, $0x38;
	[tilespmem:$0x1FE20] =	vst v63  }
0x1e5: {  	_ =	swait.ge [sflag:s9], $0x1000  }
0x1e6: {  	[sflag:s9] =	ssyncset.done $0x0  }
0x1e7: {  	s28 =	rddreg [dreg:$0x18];
	[sflag:s9] =	ssyncadd.s32 $0xFFFFF000  }
0x1e8: {  	[spmem:s28] =	stream.linear.scatter [tilespmem:s20], [sflag:$0x6], $0x1000, $0x38;
	[tilespmem:$0x1FE20] =	vst v63  }
0x1e9: {  	_ =	swait.ge [sflag:s9], $0x1000  }
0x1ea: {  	[sflag:s9] =	ssyncset.done $0x0  }
0x1eb: {  	s30 =	rddreg [dreg:$0x19];
	[sflag:s9] =	ssyncadd.s32 $0xFFFFF000  }
0x1ec: {  	[spmem:s30] =	stream.linear.scatter [tilespmem:s20], [sflag:$0x6], $0x1000, $0x38;
	[tilespmem:$0x1FE20] =	vst v63  }
0x1ed: {  	_ =	swait.ge [sflag:s9], $0x1000  }
0x1ee: {  	[sflag:s9] =	ssyncset.done $0x0  }
0x1ef: {  	[sflag:s9] =	ssyncadd.s32 $0xFFFFF000  }
0x1f0: {  	[spmem:s2] =	stream.linear.scatter [tilespmem:s20], [sflag:$0x6], $0x1000, $0x38;
	[tilespmem:$0x1FE20] =	vst v63  }
0x1f1: {  	_ =	swait.ge [sflag:s9], $0x1000  }
0x1f2: {  	[sflag:s9] =	ssyncset.done $0x0  }
0x1f3: {  	[sflag:s9] =	ssyncadd.s32 $0xFFFFF000  }
0x1f4: {  	[bflag:$0x0] =	sbarrier.arrive $0xFFFF  }
0x1f5: {  	[tilespmem:s22], [sflag:$0x1] =	stream.indirect.gather [hbm4b:s10+s21], $0x20, s14, s21, $0xb8;
	[tilespmem:$0x1FE20] =	vst v63  }
0x1f6: {  	s31 =	simm.s32 $0x80  }
0x1f7: {  	[tilespmem:s24], [sflag:$0x2] =	stream.indirect.gather [hbm4b:s10+s21], $0x20, s31, s21, $0xb8;
	[tilespmem:$0x1FE20] =	vst v63  }
0x1f8: {  	s7 =	simm.s32 $0x100  }
0x1f9: {  	[tilespmem:s29], [sflag:$0x3] =	stream.indirect.gather [hbm4b:s10+s21], $0x20, s7, s21, $0xb8;
	[tilespmem:$0x1FE20] =	vst v63  }
0x1fa: {  	s16 =	simm.s32 $0x180  }
0x1fb: {  	[tilespmem:s13], [sflag:$0x4] =	stream.indirect.gather [hbm4b:s10+s21], $0x20, s16, s21, $0xb8;
	[tilespmem:$0x1FE20] =	vst v63  }
0x1fc: {  	s19 =	simm.s32 $0x200  }
0x1fd: {  	[tilespmem:s15], [sflag:$0x5] =	stream.indirect.gather [hbm4b:s10+s21], $0x20, s19, s21, $0xb8;
	[tilespmem:$0x1FE20] =	vst v63  }
0x1fe: {  	_ =	swait.ge [sflag:s17], $0xFA0  }
0x1ff: {  	[sflag:s17] =	ssyncset.done $0x0  }
0x200: {  	s28 =	simm.s32 $0x5000;
	[sflag:s17] =	ssyncadd.s32 $0xFFFFF060  }
0x201: {  	[spmem:s3] =	stream.indirect.scatter.add.bf16 [tilespmem:s22], [sflag:$0x6], $0x20, s28, s21, $0xb8;
	[tilespmem:$0x1FE20] =	vst v63  }
0x202: {  	_ =	swait.ge [sflag:s9], $0xFA0  }
0x203: {  	[sflag:s9] =	ssyncset.done $0x0  }
0x204: {  	s30 =	simm.s32 $0x280;
	[sflag:s9] =	ssyncadd.s32 $0xFFFFF060  }
0x205: {  	[tilespmem:s22], [sflag:$0x1] =	stream.indirect.gather [hbm4b:s10+s21], $0x20, s30, s21, $0xb8;
	[tilespmem:$0x1FE20] =	vst v63  }
0x206: {  	_ =	swait.ge [sflag:s5], $0xFA0  }
0x207: {  	[sflag:s5] =	ssyncset.done $0x0  }
0x208: {  	s31 =	simm.s32 $0x5080;
	[sflag:s5] =	ssyncadd.s32 $0xFFFFF060  }
0x209: {  	[spmem:s3] =	stream.indirect.scatter.add.bf16 [tilespmem:s24], [sflag:$0x6], $0x20, s31, s21, $0xb8;
	[tilespmem:$0x1FE20] =	vst v63  }
0x20a: {  	_ =	swait.ge [sflag:s9], $0xFA0  }
0x20b: {  	[sflag:s9] =	ssyncset.done $0x0  }
0x20c: {  	s7 =	simm.s32 $0x300;
	[sflag:s9] =	ssyncadd.s32 $0xFFFFF060  }
0x20d: {  	[tilespmem:s24], [sflag:$0x2] =	stream.indirect.gather [hbm4b:s10+s21], $0x20, s7, s21, $0xb8;
	[tilespmem:$0x1FE20] =	vst v63  }
0x20e: {  	_ =	swait.ge [sflag:s23], $0xFA0  }
0x20f: {  	[sflag:s23] =	ssyncset.done $0x0  }
0x210: {  	s16 =	simm.s32 $0x5100;
	[sflag:s23] =	ssyncadd.s32 $0xFFFFF060  }
0x211: {  	[spmem:s3] =	stream.indirect.scatter.add.bf16 [tilespmem:s29], [sflag:$0x6], $0x20, s16, s21, $0xb8;
	[tilespmem:$0x1FE20] =	vst v63  }
0x212: {  	_ =	swait.ge [sflag:s9], $0xFA0  }
0x213: {  	[sflag:s9] =	ssyncset.done $0x0  }
0x214: {  	s19 =	simm.s32 $0x380;
	[sflag:s9] =	ssyncadd.s32 $0xFFFFF060  }
0x215: {  	[tilespmem:s29], [sflag:$0x3] =	stream.indirect.gather [hbm4b:s10+s21], $0x20, s19, s21, $0xb8;
	[tilespmem:$0x1FE20] =	vst v63  }
0x216: {  	_ =	swait.ge [sflag:s25], $0xFA0  }
0x217: {  	[sflag:s25] =	ssyncset.done $0x0  }
0x218: {  	s28 =	simm.s32 $0x5180;
	[sflag:s25] =	ssyncadd.s32 $0xFFFFF060  }
0x219: {  	[spmem:s3] =	stream.indirect.scatter.add.bf16 [tilespmem:s13], [sflag:$0x6], $0x20, s28, s21, $0xb8;
	[tilespmem:$0x1FE20] =	vst v63  }
0x21a: {  	_ =	swait.ge [sflag:s9], $0xFA0  }
0x21b: {  	[sflag:s9] =	ssyncset.done $0x0  }
0x21c: {  	s30 =	simm.s32 $0x400;
	[sflag:s9] =	ssyncadd.s32 $0xFFFFF060  }
0x21d: {  	[tilespmem:s13], [sflag:$0x4] =	stream.indirect.gather [hbm4b:s10+s21], $0x20, s30, s21, $0xb8;
	[tilespmem:$0x1FE20] =	vst v63  }
0x21e: {  	_ =	swait.ge [sflag:s8], $0xFA0  }
0x21f: {  	[sflag:s8] =	ssyncset.done $0x0  }
0x220: {  	s31 =	simm.s32 $0x5200;
	[sflag:s8] =	ssyncadd.s32 $0xFFFFF060  }
0x221: {  	[spmem:s3] =	stream.indirect.scatter.add.bf16 [tilespmem:s15], [sflag:$0x6], $0x20, s31, s21, $0xb8;
	[tilespmem:$0x1FE20] =	vst v63  }
0x222: {  	_ =	swait.ge [sflag:s9], $0xFA0  }
0x223: {  	[sflag:s9] =	ssyncset.done $0x0  }
0x224: {  	s4 =	simm.s32 $0xA00;
	s7 =	simm.s32 $0x480;
	[sflag:s9] =	ssyncadd.s32 $0xFFFFF060  }
.LBB2_14:
0x225: {  	[tilespmem:s15], [sflag:$0x5] =	stream.indirect.gather [hbm4b:s10+s21], $0x20, s7, s21, $0xb8;
	[tilespmem:$0x1FE20] =	vst v63  }
0x226: {  	s7 =	smov.u32 s4  }
0x227: {  	p1 =	sne.s32 s4, $0x12C00;
	s4 =	sadd.s32 $0xA00, s4;
	_ =	swait.ge [sflag:s17], $0xFA0  }
0x228: {  	s7 =	sshra.s32 s7, $0x2;
	[sflag:s17] =	ssyncset.done $0x0  }
0x229: {  	s16 =	sadd.s32 $0x5000, s7;
	[sflag:s17] =	ssyncadd.s32 $0xFFFFF060  }
0x22a: {  	[spmem:s3] =	stream.indirect.scatter.add.bf16 [tilespmem:s22], [sflag:$0x6], $0x20, s16, s21, $0xb8;
	[tilespmem:$0x1FE20] =	vst v63  }
0x22b: {  	_ =	swait.ge [sflag:s9], $0xFA0  }
0x22c: {  	[sflag:s9] =	ssyncset.done $0x0  }
0x22d: {  	s16 =	sadd.s32 $0x280, s7;
	[sflag:s9] =	ssyncadd.s32 $0xFFFFF060  }
0x22e: {  	[tilespmem:s22], [sflag:$0x1] =	stream.indirect.gather [hbm4b:s10+s21], $0x20, s16, s21, $0xb8;
	[tilespmem:$0x1FE20] =	vst v63  }
0x22f: {  	_ =	swait.ge [sflag:s5], $0xFA0  }
0x230: {  	[sflag:s5] =	ssyncset.done $0x0  }
0x231: {  	s16 =	sadd.s32 $0x5080, s7;
	[sflag:s5] =	ssyncadd.s32 $0xFFFFF060  }
0x232: {  	[spmem:s3] =	stream.indirect.scatter.add.bf16 [tilespmem:s24], [sflag:$0x6], $0x20, s16, s21, $0xb8;
	[tilespmem:$0x1FE20] =	vst v63  }
0x233: {  	_ =	swait.ge [sflag:s9], $0xFA0  }
0x234: {  	[sflag:s9] =	ssyncset.done $0x0  }
0x235: {  	s16 =	sadd.s32 $0x300, s7;
	[sflag:s9] =	ssyncadd.s32 $0xFFFFF060  }
0x236: {  	[tilespmem:s24], [sflag:$0x2] =	stream.indirect.gather [hbm4b:s10+s21], $0x20, s16, s21, $0xb8;
	[tilespmem:$0x1FE20] =	vst v63  }
0x237: {  	_ =	swait.ge [sflag:s23], $0xFA0  }
0x238: {  	[sflag:s23] =	ssyncset.done $0x0  }
0x239: {  	s16 =	sadd.s32 $0x5100, s7;
	[sflag:s23] =	ssyncadd.s32 $0xFFFFF060  }
0x23a: {  	[spmem:s3] =	stream.indirect.scatter.add.bf16 [tilespmem:s29], [sflag:$0x6], $0x20, s16, s21, $0xb8;
	[tilespmem:$0x1FE20] =	vst v63  }
0x23b: {  	_ =	swait.ge [sflag:s9], $0xFA0  }
0x23c: {  	[sflag:s9] =	ssyncset.done $0x0  }
0x23d: {  	s16 =	sadd.s32 $0x380, s7;
	[sflag:s9] =	ssyncadd.s32 $0xFFFFF060  }
0x23e: {  	[tilespmem:s29], [sflag:$0x3] =	stream.indirect.gather [hbm4b:s10+s21], $0x20, s16, s21, $0xb8;
	[tilespmem:$0x1FE20] =	vst v63  }
0x23f: {  	_ =	swait.ge [sflag:s25], $0xFA0  }
0x240: {  	[sflag:s25] =	ssyncset.done $0x0  }
0x241: {  	s16 =	sadd.s32 $0x5180, s7;
	[sflag:s25] =	ssyncadd.s32 $0xFFFFF060  }
0x242: {  	[spmem:s3] =	stream.indirect.scatter.add.bf16 [tilespmem:s13], [sflag:$0x6], $0x20, s16, s21, $0xb8;
	[tilespmem:$0x1FE20] =	vst v63  }
0x243: {  	_ =	swait.ge [sflag:s9], $0xFA0  }
0x244: {  	[sflag:s9] =	ssyncset.done $0x0  }
0x245: {  	s16 =	sadd.s32 $0x400, s7;
	[sflag:s9] =	ssyncadd.s32 $0xFFFFF060  }
0x246: {  	[tilespmem:s13], [sflag:$0x4] =	stream.indirect.gather [hbm4b:s10+s21], $0x20, s16, s21, $0xb8;
	[tilespmem:$0x1FE20] =	vst v63  }
0x247: {  	_ =	swait.ge [sflag:s8], $0xFA0  }
0x248: {  	[sflag:s8] =	ssyncset.done $0x0  }
.Ltmp18:
0x249: {  	s16 =	sadd.s32 $0x5200, s7;
	[sflag:s8] =	ssyncadd.s32 $0xFFFFF060;
	(pc) =	sbr.rel @p1 .LBB2_14-.Ltmp18, $4  }
0x24a: {  	[spmem:s3] =	stream.indirect.scatter.add.bf16 [tilespmem:s15], [sflag:$0x6], $0x20, s16, s21, $0xb8;
	[tilespmem:$0x1FE20] =	vst v63  }
0x24b: {  	_ =	swait.ge [sflag:s9], $0xFA0  }
0x24c: {  	[sflag:s9] =	ssyncset.done $0x0  }
0x24d: {  	s7 =	sadd.s32 $0x480, s7;
	[sflag:s9] =	ssyncadd.s32 $0xFFFFF060  }
0x24e: {  	[tilespmem:s15], [sflag:$0x5] =	stream.indirect.gather [hbm4b:s10+s21], $0x20, s7, s21, $0xb8;
	[tilespmem:$0x1FE20] =	vst v63  }
0x24f: {  	_ =	swait.ge [sflag:s17], $0xFA0  }
0x250: {  	[sflag:s17] =	ssyncset.done $0x0  }
0x251: {  	s4 =	simm.s32 $0x9D80;
	[sflag:s17] =	ssyncadd.s32 $0xFFFFF060  }
0x252: {  	[spmem:s3] =	stream.indirect.scatter.add.bf16 [tilespmem:s22], [sflag:$0x6], $0x20, s4, s21, $0xb8;
	[tilespmem:$0x1FE20] =	vst v63  }
0x253: {  	_ =	swait.ge [sflag:s9], $0xFA0  }
0x254: {  	[sflag:s9] =	ssyncset.done $0x0  }
0x255: {  	[sflag:s9] =	ssyncadd.s32 $0xFFFFF060  }
0x256: {  	_ =	swait.ge [sflag:s5], $0xFA0  }
0x257: {  	[sflag:s5] =	ssyncset.done $0x0  }
0x258: {  	s16 =	simm.s32 $0x9E00;
	[sflag:s5] =	ssyncadd.s32 $0xFFFFF060  }
0x259: {  	[spmem:s3] =	stream.indirect.scatter.add.bf16 [tilespmem:s24], [sflag:$0x6], $0x20, s16, s21, $0xb8;
	[tilespmem:$0x1FE20] =	vst v63  }
0x25a: {  	_ =	swait.ge [sflag:s9], $0xFA0  }
0x25b: {  	[sflag:s9] =	ssyncset.done $0x0  }
0x25c: {  	[sflag:s9] =	ssyncadd.s32 $0xFFFFF060  }
0x25d: {  	_ =	swait.ge [sflag:s23], $0xFA0  }
0x25e: {  	[sflag:s23] =	ssyncset.done $0x0  }
0x25f: {  	s19 =	simm.s32 $0x9E80;
	[sflag:s23] =	ssyncadd.s32 $0xFFFFF060  }
0x260: {  	[spmem:s3] =	stream.indirect.scatter.add.bf16 [tilespmem:s29], [sflag:$0x6], $0x20, s19, s21, $0xb8;
	[tilespmem:$0x1FE20] =	vst v63  }
0x261: {  	_ =	swait.ge [sflag:s9], $0xFA0  }
0x262: {  	[sflag:s9] =	ssyncset.done $0x0  }
0x263: {  	[sflag:s9] =	ssyncadd.s32 $0xFFFFF060  }
0x264: {  	_ =	swait.ge [sflag:s25], $0xFA0  }
0x265: {  	[sflag:s25] =	ssyncset.done $0x0  }
0x266: {  	s30 =	simm.s32 $0x9F00;
	[sflag:s25] =	ssyncadd.s32 $0xFFFFF060  }
0x267: {  	[spmem:s3] =	stream.indirect.scatter.add.bf16 [tilespmem:s13], [sflag:$0x6], $0x20, s30, s21, $0xb8;
	[tilespmem:$0x1FE20] =	vst v63  }
0x268: {  	_ =	swait.ge [sflag:s9], $0xFA0  }
0x269: {  	[sflag:s9] =	ssyncset.done $0x0  }
0x26a: {  	[sflag:s9] =	ssyncadd.s32 $0xFFFFF060  }
0x26b: {  	_ =	swait.ge [sflag:s8], $0xFA0  }
0x26c: {  	[sflag:s8] =	ssyncset.done $0x0  }
0x26d: {  	s31 =	simm.s32 $0x9F80;
	[sflag:s8] =	ssyncadd.s32 $0xFFFFF060  }
0x26e: {  	[spmem:s3] =	stream.indirect.scatter.add.bf16 [tilespmem:s15], [sflag:$0x6], $0x20, s31, s21, $0xb8;
	[tilespmem:$0x1FE20] =	vst v63  }
0x26f: {  	_ =	swait.ge [sflag:s9], $0xFA0  }
0x270: {  	[sflag:s9] =	ssyncset.done $0x0  }
0x271: {  	s28 =	simm.s32 $0x0;
	s7 =	simm.s32 $0x0;
	[sflag:s9] =	ssyncadd.s32 $0xFFFFF060  }
0x272: {  	s4 =	simm.s32 $0x15E30;
	s19 =	simm.s32 $0xEE30;
	[bflag:$0x0] =	sbarrier.arrive $0xFFFF  }
.LBB2_16:
0x273: {  	s16 =	sshll.u32 s7, $0x7  }
0x274: {  	s16 =	sadd.s32 s11, s16  }
0x275: {  	s30 =	sshll.u32 s16, $0x5  }
0x276: {  	s30 =	sand.u32 $0x3FFFFFE0, s30  }
0x277: {  	s30 =	sadd.s32 s30, s3  }
0x278: {  	[tilespmem:s20], [sflag:$0x6] =	stream.linear.gather [spmem:s30], $0x1000, $0x38;
	[tilespmem:$0x1FE20] =	vst v63  }
0x279: {  	_ =	swait.ge [sflag:s9], $0x1000  }
0x27a: {  	s16 =	sshll.u32 s16, $0x2;
	[sflag:s9] =	ssyncset.done $0x0  }
0x27b: {  	v1 =	vmov s19;
	s16 =	sadd.s32 s1, s16;
	[sflag:s9] =	ssyncadd.s32 $0xFFFFF000  }
0x27c: {  	[tilespmem:s18], [sflag:$0x6] =	stream.linear.gather [hbm4b:s16+s28], $0x1000, $0x38;
	[tilespmem:$0x1FE20] =	vst v63  }
0x27d: {  	_ =	swait.ge [sflag:s9], $0x1000  }
0x27e: {  	v2 =	vmov s4;
	[sflag:s9] =	ssyncset.done $0x0  }
0x27f: {  	s16 =	simm.s32 $0x0;
	[sflag:s9] =	ssyncadd.s32 $0xFFFFF000  }
0x280: {  	v3 =	vld.idx.msk [tilespmem:v1+s16+$0xFFFFFFF0 ss:$0x1], $0xffff  }
0x281: {  	v4 =	vld [tilespmem:s16+$0x14E20];
	_ =	sdelay $0x1  }
0x282: {  	v5 =	vld.idx.msk [tilespmem:v2+s16+$0xFFFFFFF0 ss:$0x1], $0xffff;
	_ =	sdelay $0x1  }
0x283: {  	v6 =	vld [tilespmem:s16+$0x13E20]  }
0x284: {  	v3 =	vadd.bf16 v3, v4;
	_ =	sdelay $0x1  }
0x285: {  	v3 =	vmul.bf16 v3, v5;
	_ =	sdelay $0x1  }
0x286: {  	v3 =	vadd.bf16 v3, v6;
	_ =	sdelay $0x1  }
0x287: {  	[tilespmem:v1+s16+$0xFFFFFFF0 ss:$0x1] =	vst.idx.msk $0xffff, v3  }
0x288: {  	v3 =	vld.idx.msk [tilespmem:v1+s16+$0x0 ss:$0x1], $0xffff  }
0x289: {  	v4 =	vld [tilespmem:s16+$0x14E30];
	_ =	sdelay $0x1  }
0x28a: {  	v5 =	vld.idx.msk [tilespmem:v2+s16+$0x0 ss:$0x1], $0xffff;
	_ =	sdelay $0x1  }
0x28b: {  	v63 =	vld [tilespmem:s16+$0x13E30]  }
0x28c: {  	v3 =	vadd.bf16 v3, v4;
	_ =	sdelay $0x1  }
0x28d: {  	v3 =	vmul.bf16 v3, v5;
	_ =	sdelay $0x1  }
0x28e: {  	s31 =	simm.s32 $0x100;
	s30 =	simm.s32 $0x80;
	v3 =	vadd.bf16 v3, v63  }
.LBB2_17:
0x28f: {  	p1 =	sne.s32 s31, $0x3F80  }
0x290: {  	[tilespmem:v1+s16+$0x0 ss:$0x1] =	vst.idx.msk $0xffff, v3;
	s16 =	sshra.s32 s30, $0x2;
	s30 =	smov.u32 s31;
	s31 =	sadd.s32 $0x80, s31  }
0x291: {  	v3 =	vld.idx.msk [tilespmem:v1+s16+$0xFFFFFFF0 ss:$0x1], $0xffff  }
0x292: {  	v4 =	vld [tilespmem:s16+$0x14E20]  }
0x293: {  	v5 =	vld.idx.msk [tilespmem:v2+s16+$0xFFFFFFF0 ss:$0x1], $0xffff;
	_ =	sdelay $0x2  }
0x294: {  	v6 =	vld [tilespmem:s16+$0x13E20]  }
0x295: {  	v3 =	vadd.bf16 v3, v4;
	_ =	sdelay $0x1  }
0x296: {  	v3 =	vmul.bf16 v3, v5;
	_ =	sdelay $0x1  }
0x297: {  	v3 =	vadd.bf16 v3, v6;
	_ =	sdelay $0x1  }
0x298: {  	[tilespmem:v1+s16+$0xFFFFFFF0 ss:$0x1] =	vst.idx.msk $0xffff, v3  }
0x299: {  	v3 =	vld.idx.msk [tilespmem:v1+s16+$0x0 ss:$0x1], $0xffff  }
0x29a: {  	v4 =	vld [tilespmem:s16+$0x14E30]  }
0x29b: {  	v5 =	vld.idx.msk [tilespmem:v2+s16+$0x0 ss:$0x1], $0xffff;
	_ =	sdelay $0x2  }
0x29c: {  	v6 =	vld [tilespmem:s16+$0x13E30]  }
.Ltmp19:
0x29d: {  	v3 =	vadd.bf16 v3, v4;
	(pc) =	sbr.rel @p1 .LBB2_17-.Ltmp19, $3  }
0x29e: {  	_ = 	snop  }
0x29f: {  	v3 =	vmul.bf16 v3, v5;
	_ =	sdelay $0x1  }
0x2a0: {  	v3 =	vadd.bf16 v3, v6  }
0x2a1: {  	_ =	sdelay $0x3  }
0x2a2: {  	s30 =	sshra.s32 s30, $0x2;
	[tilespmem:v1+s16+$0x0 ss:$0x1] =	vst.idx.msk $0xffff, v3  }
0x2a3: {  	v3 =	vld.idx.msk [tilespmem:v1+s30+$0xFFFFFFF0 ss:$0x1], $0xffff  }
0x2a4: {  	v4 =	vld [tilespmem:s30+$0x14E20];
	_ =	sdelay $0x1  }
0x2a5: {  	v5 =	vld.idx.msk [tilespmem:v2+s30+$0xFFFFFFF0 ss:$0x1], $0xffff;
	_ =	sdelay $0x1  }
0x2a6: {  	v6 =	vld [tilespmem:s30+$0x13E20]  }
0x2a7: {  	v3 =	vadd.bf16 v3, v4;
	_ =	sdelay $0x1  }
0x2a8: {  	v3 =	vmul.bf16 v3, v5;
	_ =	sdelay $0x1  }
0x2a9: {  	v3 =	vadd.bf16 v3, v6;
	_ =	sdelay $0x1  }
0x2aa: {  	[tilespmem:v1+s30+$0xFFFFFFF0 ss:$0x1] =	vst.idx.msk $0xffff, v3  }
0x2ab: {  	v3 =	vld.idx.msk [tilespmem:v1+s30+$0x0 ss:$0x1], $0xffff  }
0x2ac: {  	v62 =	vld [tilespmem:s30+$0x14E30];
	_ =	sdelay $0x1  }
0x2ad: {  	v2 =	vld.idx.msk [tilespmem:v2+s30+$0x0 ss:$0x1], $0xffff;
	_ =	sdelay $0x1  }
0x2ae: {  	v63 =	vld [tilespmem:s30+$0x13E30]  }
0x2af: {  	s7 =	sadd.s32 $0x1, s7;
	v3 =	vadd.bf16 v3, v62  }
0x2b0: {  	p1 =	sne.s32 s7, $0x5  }
.Ltmp20:
0x2b1: {  	v2 =	vmul.bf16 v3, v2;
	(pc) =	sbr.rel @p1 .LBB2_16-.Ltmp20, $3  }
0x2b2: {  	_ = 	snop  }
0x2b3: {  	v2 =	vadd.bf16 v2, v63;
	_ =	sdelay $0x1  }
0x2b4: {  	s19 =	sadd.s32 $0x1000, s19;
	s4 =	sadd.s32 $0x1000, s4;
	[tilespmem:v1+s30+$0x0 ss:$0x1] =	vst.idx.msk $0xffff, v2  }
0x2b5: {  	s26 =	sadd.s32 $0x1, s26  }
0x2b6: {  	s16 =	simm.s32 $0x0;
	p1 =	seq.s32 s26, $0x5  }
.Ltmp21:
0x2b7: {  	s4 =	rddreg [dreg:$0x14];
	s7 =	simm.s32 $0xEE20;
	(pc) =	sbr.rel @!p1 .LBB2_13-.Ltmp21, $4  }
0x2b8: {  	[hbm4b:s4+s16] =	stream.linear.scatter [tilespmem:s7], [sflag:$0x6], $0x5000, $0x38;
	[tilespmem:$0x1FE20] =	vst v63  }
0x2b9: {  	_ =	swait.ge [sflag:s9], $0x5000  }
0x2ba: {  	[sflag:s9] =	ssyncset.done $0x0  }
0x2bb: {  	[sflag:s9] =	ssyncadd.s32 $0xFFFFB000  }
.Ltmp22:
0x2bc: {  	(pc) =	sbr.rel .LBB2_40-.Ltmp22, $3  }
0x2bd: {  	_ =	sdelay $0x1  }
0x2be: {  	s4 =	rddreg [dreg:$0x6]  }
0x2bf: {  	s14 =	rddreg [dreg:$0x1b]  }
.LBB2_41:
0x2c0: {  	_ =	sfence.sel $0x180000  }
0x2c1: {  	[bflag:$0x0] =	sbarrier.arrive $0xFFFF  }
0x2c2: {  	_ =	strace $0x9000004A  }
0x2c3: {  	s0 =	stileid.u32;
	[bflag:$0x2] =	sbarrier.arrive $0xFFFF  }
0x2c4: {  	p0 =	sne.s32 s0, $0x0;
	s0 =	rddreg [dreg:$0x3]  }
0x2c5: {  	s0 =	sadd.s32 @!p0 $0x100000, s0  }
0x2c6: {  	[sflag:s0] =	ssyncadd.tile.s32 @!p0 $0x1;
	_ =	shalt  }
.Lfunc_end2:
_tile_overlayer_lowered:
.L_overlay_start_2:
0x2c7: {  	(tag) =	ssettag $0x2  }
0x2c8: {  	s0 =	rddreg [dreg:$0x0];
	s2 =	stileid.u32  }
0x2c9: {  	s1 =	rddreg [dreg:$0x1];
	p0 =	sne.s32 s2, $0x0  }
0x2ca: {  	s3 =	rddreg [dreg:$0x2];
	[bflag:$0x3] =	sbarrier.arrive $0xFFFF;
	s2 =	simm.s32 @!p0 $0x1C06  }
0x2cb: {  	[timem:s3], [sflag:s2] =	dma.local @!p0 [hbm:s0], s1  }
0x2cc: {  	s0 =	simm.s32 @!p0 $0x6  }
0x2cd: {  	_ =	swait.ge @!p0 [sflag:s0], s1  }
0x2ce: {  	s1 =	ssub.s32 @!p0 $0x0, s1;
	[sflag:s0] =	ssyncset.done @!p0 $0x0  }
0x2cf: {  	[sflag:s0] =	ssyncadd.s32 @!p0 s1  }
0x2d0: {  	[bflag:$0x3] =	sbarrier.arrive $0xFFFF  }
0x2d1: {  	_ =	shalt  }

</sc_bundles>
